<compile_context>
chip_gen: v7x
topology: tpu7x:2x2x1
jax: 0.10.2.dev20260603
libtpu: 0.0.44.dev20260713+nightly
codegen_flags: <defaults>
</compile_context>

<pallas_src>
import functools

import jax
import jax.numpy as jnp
from jax import lax
from jax.experimental import pallas as pl
from jax.experimental.pallas import tpu as pltpu
from jax.experimental.pallas import tpu_sc as plsc

N = 10000
E = 320000
D = 128
NC = 2
NS = 16
NW = NC * NS
EPW = E // NW
K = 80
NCHUNK = EPW // K
G = 1
NB = 3
NR = NCHUNK // G
ZR = 1000
NZ = N // ZR


def _sc_agg_body(with_cnt, h_hbm, src_hbm, dst_hbm, zrows_hbm, ones_hbm,
                 agg_out, cnt_out, srcv, dstv, rows, acc_sh,
                 sem_g, sem_s, sem_is, sem_id, sem_c):
    ones_v = rows.at[0, 0]
    c = lax.axis_index("c")
    s = lax.axis_index("s")
    w = c * NS + s

    def zero_acc():
        @pl.when(s < NZ)
        def _zero():
            pltpu.sync_copy(zrows_hbm.at[pl.ds(s * ZR, ZR)],
                            acc_sh.at[pl.ds(s * ZR, ZR)])

    zero_acc()
    if with_cnt:
        pltpu.sync_copy(ones_hbm, ones_v)
        plsc.subcore_barrier()

        def cfire_idx(r, p):
            for i in range(G):
                pltpu.async_copy(dst_hbm.at[w, r * G + i],
                                 dstv.at[p * G + i], sem_id.at[p])

        def cwait_idx(p):
            for i in range(G):
                pltpu.make_async_copy(dst_hbm.at[0, 0],
                                      dstv.at[p * G + i], sem_id.at[p]).wait()

        def cfire_scatter(p):
            for i in range(G):
                pltpu.async_copy(ones_v, acc_sh.at[dstv.at[p * G + i]],
                                 sem_c.at[p], add=True)

        def cwait_scatter(p):
            for i in range(G):
                pltpu.make_async_copy(zrows_hbm.at[pl.ds(0, K)], ones_v,
                                      sem_c.at[p]).wait()

        cfire_idx(0, 0)

        def cbody(r, carry):
            p = lax.rem(r, 2)
            q = 1 - p
            cwait_idx(p)
            cfire_scatter(p)

            @pl.when(r > 0)
            def _drain_prev():
                cwait_scatter(q)

            @pl.when(r + 1 < NR)
            def _next():
                cfire_idx(r + 1, q)

            return carry

        lax.fori_loop(0, NR, cbody, 0, unroll=False)
        cwait_scatter((NR - 1) % 2)
        plsc.subcore_barrier()

        @pl.when(s < NZ)
        def _cnt_writeout():
            pltpu.sync_copy(acc_sh.at[pl.ds(s * ZR, ZR)],
                            cnt_out.at[c, pl.ds(s * ZR, ZR)])

        plsc.subcore_barrier()
        zero_acc()
    plsc.subcore_barrier()

    def fire_sidx(r, p):
        for i in range(G):
            pltpu.async_copy(src_hbm.at[w, r * G + i],
                             srcv.at[p * G + i], sem_is.at[p])

    def wait_sidx(p):
        for i in range(G):
            pltpu.make_async_copy(src_hbm.at[0, 0],
                                  srcv.at[p * G + i], sem_is.at[p]).wait()

    def fire_didx(r, p):
        for i in range(G):
            pltpu.async_copy(dst_hbm.at[w, r * G + i],
                             dstv.at[p * G + i], sem_id.at[p])

    def wait_didx(p):
        for i in range(G):
            pltpu.make_async_copy(dst_hbm.at[0, 0],
                                  dstv.at[p * G + i], sem_id.at[p]).wait()

    def fire_gather(p):
        for i in range(G):
            pltpu.async_copy(h_hbm.at[srcv.at[p * G + i]],
                             rows.at[p, i], sem_g.at[p])

    def wait_gather(p):
        for i in range(G):
            pltpu.make_async_copy(zrows_hbm.at[pl.ds(0, K)],
                                  rows.at[p, i], sem_g.at[p]).wait()

    def fire_scatter(p):
        for i in range(G):
            pltpu.async_copy(rows.at[p, i], acc_sh.at[dstv.at[p * G + i]],
                             sem_s.at[p], add=True)

    def wait_scatter(p):
        for i in range(G):
            pltpu.make_async_copy(zrows_hbm.at[pl.ds(0, K)],
                                  rows.at[p, i], sem_s.at[p]).wait()

    fire_sidx(0, 0)
    fire_sidx(1, 1)
    fire_didx(0, 0)
    wait_sidx(0)
    fire_gather(0)

    def body(r, carry):
        p = lax.rem(r, NB)
        pn = lax.rem(r + 1, NB)
        wait_gather(p)

        @pl.when(r + 1 >= NB)
        def _free_slot():
            wait_scatter(pn)

        wait_didx(p)
        fire_scatter(p)

        @pl.when(r + 1 < NR)
        def _next():
            wait_sidx(pn)
            fire_gather(pn)
            fire_didx(r + 1, pn)

            @pl.when(r + 2 < NR)
            def _next2():
                fire_sidx(r + 2, lax.rem(r + 2, NB))

        return carry

    lax.fori_loop(0, NR, body, 0, unroll=False)
    for d in range(1, NB):
        wait_scatter((NR - d) % NB)
    plsc.subcore_barrier()

    @pl.when(s < NZ)
    def _writeout():
        pltpu.sync_copy(acc_sh.at[pl.ds(s * ZR, ZR)],
                        agg_out.at[c, pl.ds(s * ZR, ZR)])


def _make_sc_agg(with_cnt):
    outs = jax.ShapeDtypeStruct((NC, N, D), jnp.float32)
    return pl.kernel(
        functools.partial(_sc_agg_body, with_cnt),
        out_type=(outs, outs) if with_cnt else (outs, outs),
        mesh=plsc.VectorSubcoreMesh(core_axis_name="c", subcore_axis_name="s",
                                    num_cores=NC, num_subcores=NS),
        scratch_types=[
            pltpu.VMEM((NB * G, K), jnp.int32),
            pltpu.VMEM((NB * G, K), jnp.int32),
            pltpu.VMEM((NB, G, K, D), jnp.float32),
            pltpu.VMEM_SHARED((N, D), jnp.float32),
            pltpu.SemaphoreType.DMA((NB,)),
            pltpu.SemaphoreType.DMA((NB,)),
            pltpu.SemaphoreType.DMA((NB,)),
            pltpu.SemaphoreType.DMA((NB,)),
            pltpu.SemaphoreType.DMA((2,)),
        ],
        name="sc_sage_agg_cnt" if with_cnt else "sc_sage_agg",
    )


_sc_agg_cnt = _make_sc_agg(True)
_sc_agg = _make_sc_agg(False)


def _tc_body(do_relu, aggp_ref, cntp_ref, h_ref, wl_ref, bl_ref, wr_ref,
             out_ref):
    agg = aggp_ref[0] + aggp_ref[1]
    cnt = cntp_ref[0] + cntp_ref[1]
    mean = agg / jnp.maximum(cnt, 1.0)
    dn = (((1,), (1,)), ((), ()))
    y = (lax.dot_general(mean, wl_ref[...], dn,
                         preferred_element_type=jnp.float32)
         + lax.dot_general(h_ref[...], wr_ref[...], dn,
                           preferred_element_type=jnp.float32)
         + bl_ref[...])
    out_ref[...] = jnp.maximum(y, 0.0) if do_relu else y


def _tc_layer(aggp, cntp, h, wl, bl, wr, do_relu):
    R = 1000
    grid = (N // R,)
    return pl.pallas_call(
        functools.partial(_tc_body, do_relu),
        grid=grid,
        in_specs=[
            pl.BlockSpec((NC, R, D), lambda i: (0, i, 0)),
            pl.BlockSpec((NC, R, D), lambda i: (0, i, 0)),
            pl.BlockSpec((R, D), lambda i: (i, 0)),
            pl.BlockSpec((D, D), lambda i: (0, 0)),
            pl.BlockSpec((1, D), lambda i: (0, 0)),
            pl.BlockSpec((D, D), lambda i: (0, 0)),
        ],
        out_specs=pl.BlockSpec((R, D), lambda i: (i, 0)),
        out_shape=jax.ShapeDtypeStruct((N, D), jnp.float32),
    )(aggp, cntp, h, wl, bl.reshape(1, D), wr)


def kernel(x, edge_index, Wl1, bl1, Wr1, Wl2, bl2, Wr2, Wl3, bl3, Wr3):
    src = edge_index[0].reshape(NW, NCHUNK, K)
    dst = edge_index[1].reshape(NW, NCHUNK, K)
    zrows = jnp.zeros((N, D), jnp.float32)
    ones = jnp.ones((K, D), jnp.float32)

    aggp, cntp = _sc_agg_cnt(x, src, dst, zrows, ones)
    h1 = _tc_layer(aggp, cntp, x, Wl1, bl1, Wr1, True)
    aggp, _ = _sc_agg(h1, src, dst, zrows, ones)
    h2 = _tc_layer(aggp, cntp, h1, Wl2, bl2, Wr2, True)
    aggp, _ = _sc_agg(h2, src, dst, zrows, ones)
    return _tc_layer(aggp, cntp, h2, Wl3, bl3, Wr3, False)

# --- scband reference (transcript-rebuilt; emitter-appended) ---
"""Pipeline reference for scband-optimized-gnn-19155554140465 (READ-ONLY COPY).

The authoritative reference and input builder live on the scoring server;
editing this copy changes nothing except your own understanding.
"""

import jax, jax.numpy as jnp
import numpy as np

N = 10000
E = 320000
D_IN = 128
D_HID = 128
D_OUT = 128


def setup_inputs(seed: int = 0) -> dict:
    key = jax.random.key(seed)
    ks = jax.random.split(key, 12)
    x = jax.random.normal(ks[0], (N, D_IN), dtype=jnp.float32)
    edge_index = jax.random.randint(ks[1], (2, E), 0, N, dtype=jnp.int32)
    s = 0.05
    # SAGEConv layer 1: lin_l (aggregated, with bias), lin_r (root, no bias)
    Wl1 = jax.random.normal(ks[2], (D_HID, D_IN), dtype=jnp.float32) * s
    bl1 = jnp.zeros((D_HID,), dtype=jnp.float32)
    Wr1 = jax.random.normal(ks[3], (D_HID, D_IN), dtype=jnp.float32) * s
    # layer 2
    Wl2 = jax.random.normal(ks[4], (D_HID, D_HID), dtype=jnp.float32) * s
    bl2 = jnp.zeros((D_HID,), dtype=jnp.float32)
    Wr2 = jax.random.normal(ks[5], (D_HID, D_HID), dtype=jnp.float32) * s
    # layer 3
    Wl3 = jax.random.normal(ks[6], (D_OUT, D_HID), dtype=jnp.float32) * s
    bl3 = jnp.zeros((D_OUT,), dtype=jnp.float32)
    Wr3 = jax.random.normal(ks[7], (D_OUT, D_HID), dtype=jnp.float32) * s
    return {"x": x, "edge_index": edge_index,
            "Wl1": Wl1, "bl1": bl1, "Wr1": Wr1,
            "Wl2": Wl2, "bl2": bl2, "Wr2": Wr2,
            "Wl3": Wl3, "bl3": bl3, "Wr3": Wr3}


def _sage_conv(h, edge_index, Wl, bl, Wr):
    # PyG SAGEConv (mean aggr): out = lin_l(mean_{j in N(i)} x_j) + lin_r(x_i)
    src = edge_index[0]
    dst = edge_index[1]
    msg = jnp.take(h, src, axis=0)               # gather (SparseCore)
    agg = jax.ops.segment_sum(msg, dst, num_segments=N)  # scatter-add
    cnt = jax.ops.segment_sum(jnp.ones((msg.shape[0], 1), dtype=h.dtype), dst, num_segments=N)
    mean = agg / jnp.maximum(cnt, 1.0)
    return mean @ Wl.T + bl + h @ Wr.T


def reference(x, edge_index, Wl1, bl1, Wr1, Wl2, bl2, Wr2, Wl3, bl3, Wr3):
    h = jax.nn.relu(_sage_conv(x, edge_index, Wl1, bl1, Wr1))
    # dropout is identity in eval mode
    h = jax.nn.relu(_sage_conv(h, edge_index, Wl2, bl2, Wr2))
    out = _sage_conv(h, edge_index, Wl3, bl3, Wr3)
    return out

if __name__ == "__main__":
    import jax
    _d = setup_inputs()
    print(jax.jit(kernel)(*tuple(_d.values())))

</pallas_src>

<mosaic_0001>
#map = affine_map<(d0, d1) -> (0, 0)>
#map1 = affine_map<(d0, d1) -> (0, 0, 0)>
module attributes {stable_mosaic.version = 14 : i64} {
  func.func @sc_sage_agg(%arg0: i32, %arg1: i32, %arg2: memref<10000x128xf32, #tpu.memory_space<hbm>>, %arg3: memref<32x125x80xi32, #tpu.memory_space<hbm>>, %arg4: memref<32x125x80xi32, #tpu.memory_space<hbm>>, %arg5: memref<10000x128xf32, #tpu.memory_space<hbm>>, %arg6: memref<80x128xf32, #tpu.memory_space<hbm>>, %arg7: memref<2x10000x128xf32, #tpu.memory_space<hbm>>, %arg8: memref<2x10000x128xf32, #tpu.memory_space<hbm>>, %arg9: memref<3x80xi32, #tpu.memory_space<vmem>>, %arg10: memref<3x80xi32, #tpu.memory_space<vmem>>, %arg11: memref<3x1x80x128xf32, #tpu.memory_space<vmem>>, %arg12: memref<10000x128xf32, #tpu.memory_space<vmem_shared>>, %arg13: memref<3x!tpu.dma_semaphore, #tpu.memory_space<semaphore_mem>>, %arg14: memref<3x!tpu.dma_semaphore, #tpu.memory_space<semaphore_mem>>, %arg15: memref<3x!tpu.dma_semaphore, #tpu.memory_space<semaphore_mem>>, %arg16: memref<3x!tpu.dma_semaphore, #tpu.memory_space<semaphore_mem>>, %arg17: memref<2x!tpu.dma_semaphore, #tpu.memory_space<semaphore_mem>>) attributes {dimension_semantics = [#tpu.dimension_semantics<core_parallel>, #tpu.dimension_semantics<subcore_parallel>], iteration_bounds = array<i64: 2, 16>, scalar_prefetch = 0 : i64, scratch_operands = 9 : i64, tpu.core_type = #tpu.core_type<sc_vector_subcore>, window_params = [{transform_indices = #map}, {transform_indices = #map1}, {transform_indices = #map1}, {transform_indices = #map}, {transform_indices = #map}, {transform_indices = #map1}, {transform_indices = #map1}]} {
    %mul3A = arith.constant 16 : i32
    %mul3A_0 = arith.muli %arg0, %mul3A : i32
    %add3A = arith.addi %mul3A_0, %arg1 : i32
    %lt3A = arith.constant 10 : i32
    %lt3A_1 = arith.cmpi slt, %arg1, %lt3A : i32
    %convert_element_type3A = arith.extui %lt3A_1 : i1 to i32
    %cond3A = arith.constant 0 : i32
    %cond3A_2 = arith.cmpi ne, %convert_element_type3A, %cond3A : i32
    scf.if %cond3A_2 {
      %mul3A_135 = arith.constant 1000 : i32
      %mul3A_136 = arith.muli %arg1, %mul3A_135 : i32
      %mul3A_137 = arith.constant 1000 : i32
      %mul3A_138 = arith.muli %arg1, %mul3A_137 : i32
      "tpu.region"() ({
        %run_scoped3A = tpu.sem_alloc : memref<!tpu.dma_semaphore, #tpu.memory_space<semaphore_mem>>
        %dma_start3A_139 = arith.constant 0 : i32
        %dma_start3A_140 = tpu.memref_slice %arg12[%mul3A_138, %dma_start3A_139] : memref<10000x128xf32, #tpu.memory_space<vmem_shared>> -> memref<1000x128xf32, #tpu.memory_space<vmem_shared>>
        %dma_start3A_141 = arith.constant 0 : i32
        %dma_start3A_142 = tpu.memref_slice %arg5[%mul3A_136, %dma_start3A_141] : memref<10000x128xf32, #tpu.memory_space<hbm>> -> memref<1000x128xf32, #tpu.memory_space<hbm>>
        tpu.enqueue_dma source(%dma_start3A_142 : memref<1000x128xf32, #tpu.memory_space<hbm>>) target(%dma_start3A_140 : memref<1000x128xf32, #tpu.memory_space<vmem_shared>>) target_semaphore(%run_scoped3A : memref<!tpu.dma_semaphore, #tpu.memory_space<semaphore_mem>>)
        %dma_wait3A_143 = arith.constant 0 : i32
        %dma_wait3A_144 = tpu.memref_slice %arg12[%mul3A_138, %dma_wait3A_143] : memref<10000x128xf32, #tpu.memory_space<vmem_shared>> -> memref<1000x128xf32, #tpu.memory_space<vmem_shared>>
        %dma_wait3A_145 = arith.constant 0 : i32
        %dma_wait3A_146 = tpu.memref_slice %arg5[%mul3A_136, %dma_wait3A_145] : memref<10000x128xf32, #tpu.memory_space<hbm>> -> memref<1000x128xf32, #tpu.memory_space<hbm>>
        tpu.wait_dma2 semaphore(%run_scoped3A : memref<!tpu.dma_semaphore, #tpu.memory_space<semaphore_mem>>) src(%dma_wait3A_146 : memref<1000x128xf32, #tpu.memory_space<hbm>>) dst(%dma_wait3A_144 : memref<1000x128xf32, #tpu.memory_space<vmem_shared>>)
        tpu.yield
      }) : () -> ()
    } else {
    }
    %barrier3A = arith.constant 0 : index
    tpu.barrier barrier_id(%barrier3A)
    %dma_start3A = arith.constant 0 : i32
    %dma_start3A_3 = arith.constant 0 : i32
    %dma_start3A_4 = arith.constant 0 : i32
    %dma_start3A_5 = arith.constant 0 : i32
    %dma_start3A_6 = tpu.memref_slice %arg9[%dma_start3A_3, %dma_start3A_5] : memref<3x80xi32, #tpu.memory_space<vmem>> -> memref<1x80xi32, #tpu.memory_space<vmem>>
    %dma_start3A_7 = tpu.memref_squeeze %dma_start3A_6 : memref<1x80xi32, #tpu.memory_space<vmem>> -> memref<80xi32, #tpu.memory_space<vmem>>
    %dma_start3A_8 = arith.constant 0 : i32
    %dma_start3A_9 = tpu.memref_slice %arg3[%add3A, %dma_start3A, %dma_start3A_8] : memref<32x125x80xi32, #tpu.memory_space<hbm>> -> memref<1x1x80xi32, #tpu.memory_space<hbm>>
    %dma_start3A_10 = tpu.memref_squeeze %dma_start3A_9 : memref<1x1x80xi32, #tpu.memory_space<hbm>> -> memref<80xi32, #tpu.memory_space<hbm>>
    %dma_start3A_11 = tpu.memref_slice %arg15[%dma_start3A_4] : memref<3x!tpu.dma_semaphore, #tpu.memory_space<semaphore_mem>> -> memref<1x!tpu.dma_semaphore, #tpu.memory_space<semaphore_mem>>
    %dma_start3A_12 = tpu.memref_squeeze %dma_start3A_11 : memref<1x!tpu.dma_semaphore, #tpu.memory_space<semaphore_mem>> -> memref<!tpu.dma_semaphore, #tpu.memory_space<semaphore_mem>>
    %dma_start3A_13 = arith.constant 0 : i32
    %dma_start3A_14 = tpu.memref_slice %arg9[%dma_start3A_3, %dma_start3A_13] : memref<3x80xi32, #tpu.memory_space<vmem>> -> memref<1x80xi32, #tpu.memory_space<vmem>>
    %dma_start3A_15 = tpu.memref_squeeze %dma_start3A_14 : memref<1x80xi32, #tpu.memory_space<vmem>> -> memref<80xi32, #tpu.memory_space<vmem>>
    %dma_start3A_16 = arith.constant 0 : i32
    %dma_start3A_17 = tpu.memref_slice %arg3[%add3A, %dma_start3A, %dma_start3A_16] : memref<32x125x80xi32, #tpu.memory_space<hbm>> -> memref<1x1x80xi32, #tpu.memory_space<hbm>>
    %dma_start3A_18 = tpu.memref_squeeze %dma_start3A_17 : memref<1x1x80xi32, #tpu.memory_space<hbm>> -> memref<80xi32, #tpu.memory_space<hbm>>
    tpu.enqueue_dma source(%dma_start3A_18 : memref<80xi32, #tpu.memory_space<hbm>>) target(%dma_start3A_15 : memref<80xi32, #tpu.memory_space<vmem>>) target_semaphore(%dma_start3A_12 : memref<!tpu.dma_semaphore, #tpu.memory_space<semaphore_mem>>)
    %dma_start3A_19 = arith.constant 1 : i32
    %dma_start3A_20 = arith.constant 1 : i32
    %dma_start3A_21 = arith.constant 1 : i32
    %dma_start3A_22 = arith.constant 0 : i32
    %dma_start3A_23 = tpu.memref_slice %arg9[%dma_start3A_20, %dma_start3A_22] : memref<3x80xi32, #tpu.memory_space<vmem>> -> memref<1x80xi32, #tpu.memory_space<vmem>>
    %dma_start3A_24 = tpu.memref_squeeze %dma_start3A_23 : memref<1x80xi32, #tpu.memory_space<vmem>> -> memref<80xi32, #tpu.memory_space<vmem>>
    %dma_start3A_25 = arith.constant 0 : i32
    %dma_start3A_26 = tpu.memref_slice %arg3[%add3A, %dma_start3A_19, %dma_start3A_25] : memref<32x125x80xi32, #tpu.memory_space<hbm>> -> memref<1x1x80xi32, #tpu.memory_space<hbm>>
    %dma_start3A_27 = tpu.memref_squeeze %dma_start3A_26 : memref<1x1x80xi32, #tpu.memory_space<hbm>> -> memref<80xi32, #tpu.memory_space<hbm>>
    %dma_start3A_28 = tpu.memref_slice %arg15[%dma_start3A_21] : memref<3x!tpu.dma_semaphore, #tpu.memory_space<semaphore_mem>> -> memref<1x!tpu.dma_semaphore, #tpu.memory_space<semaphore_mem>>
    %dma_start3A_29 = tpu.memref_squeeze %dma_start3A_28 : memref<1x!tpu.dma_semaphore, #tpu.memory_space<semaphore_mem>> -> memref<!tpu.dma_semaphore, #tpu.memory_space<semaphore_mem>>
    %dma_start3A_30 = arith.constant 0 : i32
    %dma_start3A_31 = tpu.memref_slice %arg9[%dma_start3A_20, %dma_start3A_30] : memref<3x80xi32, #tpu.memory_space<vmem>> -> memref<1x80xi32, #tpu.memory_space<vmem>>
    %dma_start3A_32 = tpu.memref_squeeze %dma_start3A_31 : memref<1x80xi32, #tpu.memory_space<vmem>> -> memref<80xi32, #tpu.memory_space<vmem>>
    %dma_start3A_33 = arith.constant 0 : i32
    %dma_start3A_34 = tpu.memref_slice %arg3[%add3A, %dma_start3A_19, %dma_start3A_33] : memref<32x125x80xi32, #tpu.memory_space<hbm>> -> memref<1x1x80xi32, #tpu.memory_space<hbm>>
    %dma_start3A_35 = tpu.memref_squeeze %dma_start3A_34 : memref<1x1x80xi32, #tpu.memory_space<hbm>> -> memref<80xi32, #tpu.memory_space<hbm>>
    tpu.enqueue_dma source(%dma_start3A_35 : memref<80xi32, #tpu.memory_space<hbm>>) target(%dma_start3A_32 : memref<80xi32, #tpu.memory_space<vmem>>) target_semaphore(%dma_start3A_29 : memref<!tpu.dma_semaphore, #tpu.memory_space<semaphore_mem>>)
    %dma_start3A_36 = arith.constant 0 : i32
    %dma_start3A_37 = arith.constant 0 : i32
    %dma_start3A_38 = arith.constant 0 : i32
    %dma_start3A_39 = arith.constant 0 : i32
    %dma_start3A_40 = tpu.memref_slice %arg10[%dma_start3A_37, %dma_start3A_39] : memref<3x80xi32, #tpu.memory_space<vmem>> -> memref<1x80xi32, #tpu.memory_space<vmem>>
    %dma_start3A_41 = tpu.memref_squeeze %dma_start3A_40 : memref<1x80xi32, #tpu.memory_space<vmem>> -> memref<80xi32, #tpu.memory_space<vmem>>
    %dma_start3A_42 = arith.constant 0 : i32
    %dma_start3A_43 = tpu.memref_slice %arg4[%add3A, %dma_start3A_36, %dma_start3A_42] : memref<32x125x80xi32, #tpu.memory_space<hbm>> -> memref<1x1x80xi32, #tpu.memory_space<hbm>>
    %dma_start3A_44 = tpu.memref_squeeze %dma_start3A_43 : memref<1x1x80xi32, #tpu.memory_space<hbm>> -> memref<80xi32, #tpu.memory_space<hbm>>
    %dma_start3A_45 = tpu.memref_slice %arg16[%dma_start3A_38] : memref<3x!tpu.dma_semaphore, #tpu.memory_space<semaphore_mem>> -> memref<1x!tpu.dma_semaphore, #tpu.memory_space<semaphore_mem>>
    %dma_start3A_46 = tpu.memref_squeeze %dma_start3A_45 : memref<1x!tpu.dma_semaphore, #tpu.memory_space<semaphore_mem>> -> memref<!tpu.dma_semaphore, #tpu.memory_space<semaphore_mem>>
    %dma_start3A_47 = arith.constant 0 : i32
    %dma_start3A_48 = tpu.memref_slice %arg10[%dma_start3A_37, %dma_start3A_47] : memref<3x80xi32, #tpu.memory_space<vmem>> -> memref<1x80xi32, #tpu.memory_space<vmem>>
    %dma_start3A_49 = tpu.memref_squeeze %dma_start3A_48 : memref<1x80xi32, #tpu.memory_space<vmem>> -> memref<80xi32, #tpu.memory_space<vmem>>
    %dma_start3A_50 = arith.constant 0 : i32
    %dma_start3A_51 = tpu.memref_slice %arg4[%add3A, %dma_start3A_36, %dma_start3A_50] : memref<32x125x80xi32, #tpu.memory_space<hbm>> -> memref<1x1x80xi32, #tpu.memory_space<hbm>>
    %dma_start3A_52 = tpu.memref_squeeze %dma_start3A_51 : memref<1x1x80xi32, #tpu.memory_space<hbm>> -> memref<80xi32, #tpu.memory_space<hbm>>
    tpu.enqueue_dma source(%dma_start3A_52 : memref<80xi32, #tpu.memory_space<hbm>>) target(%dma_start3A_49 : memref<80xi32, #tpu.memory_space<vmem>>) target_semaphore(%dma_start3A_46 : memref<!tpu.dma_semaphore, #tpu.memory_space<semaphore_mem>>)
    %dma_wait3A = arith.constant 0 : i32
    %dma_wait3A_53 = arith.constant 0 : i32
    %dma_wait3A_54 = arith.constant 0 : i32
    %dma_wait3A_55 = arith.constant 0 : i32
    %dma_wait3A_56 = arith.constant 0 : i32
    %dma_wait3A_57 = tpu.memref_slice %arg9[%dma_wait3A_54, %dma_wait3A_56] : memref<3x80xi32, #tpu.memory_space<vmem>> -> memref<1x80xi32, #tpu.memory_space<vmem>>
    %dma_wait3A_58 = tpu.memref_squeeze %dma_wait3A_57 : memref<1x80xi32, #tpu.memory_space<vmem>> -> memref<80xi32, #tpu.memory_space<vmem>>
    %dma_wait3A_59 = arith.constant 0 : i32
    %dma_wait3A_60 = tpu.memref_slice %arg3[%dma_wait3A, %dma_wait3A_53, %dma_wait3A_59] : memref<32x125x80xi32, #tpu.memory_space<hbm>> -> memref<1x1x80xi32, #tpu.memory_space<hbm>>
    %dma_wait3A_61 = tpu.memref_squeeze %dma_wait3A_60 : memref<1x1x80xi32, #tpu.memory_space<hbm>> -> memref<80xi32, #tpu.memory_space<hbm>>
    %dma_wait3A_62 = tpu.memref_slice %arg15[%dma_wait3A_55] : memref<3x!tpu.dma_semaphore, #tpu.memory_space<semaphore_mem>> -> memref<1x!tpu.dma_semaphore, #tpu.memory_space<semaphore_mem>>
    %dma_wait3A_63 = tpu.memref_squeeze %dma_wait3A_62 : memref<1x!tpu.dma_semaphore, #tpu.memory_space<semaphore_mem>> -> memref<!tpu.dma_semaphore, #tpu.memory_space<semaphore_mem>>
    %dma_wait3A_64 = arith.constant 0 : i32
    %dma_wait3A_65 = tpu.memref_slice %arg9[%dma_wait3A_54, %dma_wait3A_64] : memref<3x80xi32, #tpu.memory_space<vmem>> -> memref<1x80xi32, #tpu.memory_space<vmem>>
    %dma_wait3A_66 = tpu.memref_squeeze %dma_wait3A_65 : memref<1x80xi32, #tpu.memory_space<vmem>> -> memref<80xi32, #tpu.memory_space<vmem>>
    %dma_wait3A_67 = arith.constant 0 : i32
    %dma_wait3A_68 = tpu.memref_slice %arg3[%dma_wait3A, %dma_wait3A_53, %dma_wait3A_67] : memref<32x125x80xi32, #tpu.memory_space<hbm>> -> memref<1x1x80xi32, #tpu.memory_space<hbm>>
    %dma_wait3A_69 = tpu.memref_squeeze %dma_wait3A_68 : memref<1x1x80xi32, #tpu.memory_space<hbm>> -> memref<80xi32, #tpu.memory_space<hbm>>
    tpu.wait_dma2 semaphore(%dma_wait3A_63 : memref<!tpu.dma_semaphore, #tpu.memory_space<semaphore_mem>>) src(%dma_wait3A_69 : memref<80xi32, #tpu.memory_space<hbm>>) dst(%dma_wait3A_66 : memref<80xi32, #tpu.memory_space<vmem>>)
    %dma_start3A_70 = arith.constant 0 : i32
    %dma_start3A_71 = arith.constant 0 : i32
    %dma_start3A_72 = arith.constant 0 : i32
    %dma_start3A_73 = arith.constant 0 : i32
    %dma_start3A_74 = arith.constant 0 : i32
    %dma_start3A_75 = arith.constant 0 : i32
    %dma_start3A_76 = tpu.memref_slice %arg11[%dma_start3A_71, %dma_start3A_72, %dma_start3A_74, %dma_start3A_75] : memref<3x1x80x128xf32, #tpu.memory_space<vmem>> -> memref<1x1x80x128xf32, #tpu.memory_space<vmem>>
    %dma_start3A_77 = tpu.memref_squeeze %dma_start3A_76 : memref<1x1x80x128xf32, #tpu.memory_space<vmem>> -> memref<80x128xf32, #tpu.memory_space<vmem>>
    %dma_start3A_78 = arith.constant 0 : i32
    %dma_start3A_79 = tpu.memref_slice %arg9[%dma_start3A_70, %dma_start3A_78] : memref<3x80xi32, #tpu.memory_space<vmem>> -> memref<1x80xi32, #tpu.memory_space<vmem>>
    %dma_start3A_80 = tpu.memref_squeeze %dma_start3A_79 : memref<1x80xi32, #tpu.memory_space<vmem>> -> memref<80xi32, #tpu.memory_space<vmem>>
    %dma_start3A_81 = arith.constant 0 : i32
    %dma_start3A_82 = arith.constant 0 : i32
    %dma_start3A_83 = tpu.memref_slice %arg2[%dma_start3A_81, %dma_start3A_82] : memref<10000x128xf32, #tpu.memory_space<hbm>> -> memref<10000x128xf32, #tpu.memory_space<hbm>>
    %dma_start3A_84 = tpu.memref_slice %arg13[%dma_start3A_73] : memref<3x!tpu.dma_semaphore, #tpu.memory_space<semaphore_mem>> -> memref<1x!tpu.dma_semaphore, #tpu.memory_space<semaphore_mem>>
    %dma_start3A_85 = tpu.memref_squeeze %dma_start3A_84 : memref<1x!tpu.dma_semaphore, #tpu.memory_space<semaphore_mem>> -> memref<!tpu.dma_semaphore, #tpu.memory_space<semaphore_mem>>
    tpu.enqueue_indirect_dma source(%dma_start3A_83 : memref<10000x128xf32, #tpu.memory_space<hbm>>) target(%dma_start3A_77 : memref<80x128xf32, #tpu.memory_space<vmem>>) offsets(%dma_start3A_80 : memref<80xi32, #tpu.memory_space<vmem>>) semaphore(%dma_start3A_85 : memref<!tpu.dma_semaphore, #tpu.memory_space<semaphore_mem>>)
    %scan3A = arith.constant 0 : i32
    %scan3A_86 = arith.constant 0 : i32
    %scan3A_87 = arith.constant 125 : i32
    %scan3A_88 = arith.addi %scan3A_86, %scan3A_87 : i32
    %scan3A_89 = arith.constant 1 : i32
    scf.for %scan3A_135 = %scan3A_86 to %scan3A_88 step %scan3A_89  : i32 {
      %rem3A = arith.constant 3 : i32
      %rem3A_136 = arith.remsi %scan3A_135, %rem3A : i32
      %add3A_137 = arith.constant 1 : i32
      %add3A_138 = arith.addi %scan3A_135, %add3A_137 : i32
      %rem3A_139 = arith.constant 3 : i32
      %rem3A_140 = arith.remsi %add3A_138, %rem3A_139 : i32
      %dma_wait3A_141 = arith.constant 0 : i32
      %dma_wait3A_142 = arith.constant 0 : i32
      %dma_wait3A_143 = arith.constant 0 : i32
      %dma_wait3A_144 = tpu.memref_slice %arg11[%rem3A_136, %dma_wait3A_141, %dma_wait3A_142, %dma_wait3A_143] : memref<3x1x80x128xf32, #tpu.memory_space<vmem>> -> memref<1x1x80x128xf32, #tpu.memory_space<vmem>>
      %dma_wait3A_145 = tpu.memref_squeeze %dma_wait3A_144 : memref<1x1x80x128xf32, #tpu.memory_space<vmem>> -> memref<80x128xf32, #tpu.memory_space<vmem>>
      %dma_wait3A_146 = arith.constant 0 : i32
      %dma_wait3A_147 = arith.constant 0 : i32
      %dma_wait3A_148 = tpu.memref_slice %arg5[%dma_wait3A_146, %dma_wait3A_147] : memref<10000x128xf32, #tpu.memory_space<hbm>> -> memref<80x128xf32, #tpu.memory_space<hbm>>
      %dma_wait3A_149 = tpu.memref_slice %arg13[%rem3A_136] : memref<3x!tpu.dma_semaphore, #tpu.memory_space<semaphore_mem>> -> memref<1x!tpu.dma_semaphore, #tpu.memory_space<semaphore_mem>>
      %dma_wait3A_150 = tpu.memref_squeeze %dma_wait3A_149 : memref<1x!tpu.dma_semaphore, #tpu.memory_space<semaphore_mem>> -> memref<!tpu.dma_semaphore, #tpu.memory_space<semaphore_mem>>
      %dma_wait3A_151 = arith.constant 0 : i32
      %dma_wait3A_152 = arith.constant 0 : i32
      %dma_wait3A_153 = tpu.memref_slice %arg11[%rem3A_136, %dma_wait3A_141, %dma_wait3A_151, %dma_wait3A_152] : memref<3x1x80x128xf32, #tpu.memory_space<vmem>> -> memref<1x1x80x128xf32, #tpu.memory_space<vmem>>
      %dma_wait3A_154 = tpu.memref_squeeze %dma_wait3A_153 : memref<1x1x80x128xf32, #tpu.memory_space<vmem>> -> memref<80x128xf32, #tpu.memory_space<vmem>>
      %dma_wait3A_155 = arith.constant 0 : i32
      %dma_wait3A_156 = arith.constant 0 : i32
      %dma_wait3A_157 = tpu.memref_slice %arg5[%dma_wait3A_155, %dma_wait3A_156] : memref<10000x128xf32, #tpu.memory_space<hbm>> -> memref<80x128xf32, #tpu.memory_space<hbm>>
      tpu.wait_dma2 semaphore(%dma_wait3A_150 : memref<!tpu.dma_semaphore, #tpu.memory_space<semaphore_mem>>) src(%dma_wait3A_157 : memref<80x128xf32, #tpu.memory_space<hbm>>) dst(%dma_wait3A_154 : memref<80x128xf32, #tpu.memory_space<vmem>>)
      %add3A_158 = arith.constant 1 : i32
      %add3A_159 = arith.addi %scan3A_135, %add3A_158 : i32
      %ge3A = arith.constant 3 : i32
      %ge3A_160 = arith.cmpi sge, %add3A_159, %ge3A : i32
      %convert_element_type3A_161 = arith.extui %ge3A_160 : i1 to i32
      %cond3A_162 = arith.constant 0 : i32
      %cond3A_163 = arith.cmpi ne, %convert_element_type3A_161, %cond3A_162 : i32
      scf.if %cond3A_163 {
        %dma_wait3A_208 = arith.constant 0 : i32
        %dma_wait3A_209 = arith.constant 0 : i32
        %dma_wait3A_210 = arith.constant 0 : i32
        %dma_wait3A_211 = tpu.memref_slice %arg11[%rem3A_140, %dma_wait3A_208, %dma_wait3A_209, %dma_wait3A_210] : memref<3x1x80x128xf32, #tpu.memory_space<vmem>> -> memref<1x1x80x128xf32, #tpu.memory_space<vmem>>
        %dma_wait3A_212 = tpu.memref_squeeze %dma_wait3A_211 : memref<1x1x80x128xf32, #tpu.memory_space<vmem>> -> memref<80x128xf32, #tpu.memory_space<vmem>>
        %dma_wait3A_213 = arith.constant 0 : i32
        %dma_wait3A_214 = arith.constant 0 : i32
        %dma_wait3A_215 = tpu.memref_slice %arg5[%dma_wait3A_213, %dma_wait3A_214] : memref<10000x128xf32, #tpu.memory_space<hbm>> -> memref<80x128xf32, #tpu.memory_space<hbm>>
        %dma_wait3A_216 = tpu.memref_slice %arg14[%rem3A_140] : memref<3x!tpu.dma_semaphore, #tpu.memory_space<semaphore_mem>> -> memref<1x!tpu.dma_semaphore, #tpu.memory_space<semaphore_mem>>
        %dma_wait3A_217 = tpu.memref_squeeze %dma_wait3A_216 : memref<1x!tpu.dma_semaphore, #tpu.memory_space<semaphore_mem>> -> memref<!tpu.dma_semaphore, #tpu.memory_space<semaphore_mem>>
        %dma_wait3A_218 = arith.constant 0 : i32
        %dma_wait3A_219 = arith.constant 0 : i32
        %dma_wait3A_220 = tpu.memref_slice %arg11[%rem3A_140, %dma_wait3A_208, %dma_wait3A_218, %dma_wait3A_219] : memref<3x1x80x128xf32, #tpu.memory_space<vmem>> -> memref<1x1x80x128xf32, #tpu.memory_space<vmem>>
        %dma_wait3A_221 = tpu.memref_squeeze %dma_wait3A_220 : memref<1x1x80x128xf32, #tpu.memory_space<vmem>> -> memref<80x128xf32, #tpu.memory_space<vmem>>
        %dma_wait3A_222 = arith.constant 0 : i32
        %dma_wait3A_223 = arith.constant 0 : i32
        %dma_wait3A_224 = tpu.memref_slice %arg5[%dma_wait3A_222, %dma_wait3A_223] : memref<10000x128xf32, #tpu.memory_space<hbm>> -> memref<80x128xf32, #tpu.memory_space<hbm>>
        tpu.wait_dma2 semaphore(%dma_wait3A_217 : memref<!tpu.dma_semaphore, #tpu.memory_space<semaphore_mem>>) src(%dma_wait3A_224 : memref<80x128xf32, #tpu.memory_space<hbm>>) dst(%dma_wait3A_221 : memref<80x128xf32, #tpu.memory_space<vmem>>)
      } else {
      }
      %mul3A_164 = arith.constant 1 : i32
      %mul3A_165 = arith.muli %rem3A_136, %mul3A_164 : i32
      %add3A_166 = arith.constant 0 : i32
      %add3A_167 = arith.addi %mul3A_165, %add3A_166 : i32
      %dma_wait3A_168 = arith.constant 0 : i32
      %dma_wait3A_169 = arith.constant 0 : i32
      %dma_wait3A_170 = arith.constant 0 : i32
      %dma_wait3A_171 = tpu.memref_slice %arg10[%add3A_167, %dma_wait3A_170] : memref<3x80xi32, #tpu.memory_space<vmem>> -> memref<1x80xi32, #tpu.memory_space<vmem>>
      %dma_wait3A_172 = tpu.memref_squeeze %dma_wait3A_171 : memref<1x80xi32, #tpu.memory_space<vmem>> -> memref<80xi32, #tpu.memory_space<vmem>>
      %dma_wait3A_173 = arith.constant 0 : i32
      %dma_wait3A_174 = tpu.memref_slice %arg4[%dma_wait3A_168, %dma_wait3A_169, %dma_wait3A_173] : memref<32x125x80xi32, #tpu.memory_space<hbm>> -> memref<1x1x80xi32, #tpu.memory_space<hbm>>
      %dma_wait3A_175 = tpu.memref_squeeze %dma_wait3A_174 : memref<1x1x80xi32, #tpu.memory_space<hbm>> -> memref<80xi32, #tpu.memory_space<hbm>>
      %dma_wait3A_176 = tpu.memref_slice %arg16[%rem3A_136] : memref<3x!tpu.dma_semaphore, #tpu.memory_space<semaphore_mem>> -> memref<1x!tpu.dma_semaphore, #tpu.memory_space<semaphore_mem>>
      %dma_wait3A_177 = tpu.memref_squeeze %dma_wait3A_176 : memref<1x!tpu.dma_semaphore, #tpu.memory_space<semaphore_mem>> -> memref<!tpu.dma_semaphore, #tpu.memory_space<semaphore_mem>>
      %dma_wait3A_178 = arith.constant 0 : i32
      %dma_wait3A_179 = tpu.memref_slice %arg10[%add3A_167, %dma_wait3A_178] : memref<3x80xi32, #tpu.memory_space<vmem>> -> memref<1x80xi32, #tpu.memory_space<vmem>>
      %dma_wait3A_180 = tpu.memref_squeeze %dma_wait3A_179 : memref<1x80xi32, #tpu.memory_space<vmem>> -> memref<80xi32, #tpu.memory_space<vmem>>
      %dma_wait3A_181 = arith.constant 0 : i32
      %dma_wait3A_182 = tpu.memref_slice %arg4[%dma_wait3A_168, %dma_wait3A_169, %dma_wait3A_181] : memref<32x125x80xi32, #tpu.memory_space<hbm>> -> memref<1x1x80xi32, #tpu.memory_space<hbm>>
      %dma_wait3A_183 = tpu.memref_squeeze %dma_wait3A_182 : memref<1x1x80xi32, #tpu.memory_space<hbm>> -> memref<80xi32, #tpu.memory_space<hbm>>
      tpu.wait_dma2 semaphore(%dma_wait3A_177 : memref<!tpu.dma_semaphore, #tpu.memory_space<semaphore_mem>>) src(%dma_wait3A_183 : memref<80xi32, #tpu.memory_space<hbm>>) dst(%dma_wait3A_180 : memref<80xi32, #tpu.memory_space<vmem>>)
      %mul3A_184 = arith.constant 1 : i32
      %mul3A_185 = arith.muli %rem3A_136, %mul3A_184 : i32
      %add3A_186 = arith.constant 0 : i32
      %add3A_187 = arith.addi %mul3A_185, %add3A_186 : i32
      %dma_start3A_188 = arith.constant 0 : i32
      %dma_start3A_189 = arith.constant 0 : i32
      %dma_start3A_190 = arith.constant 0 : i32
      %dma_start3A_191 = tpu.memref_slice %arg11[%rem3A_136, %dma_start3A_188, %dma_start3A_189, %dma_start3A_190] : memref<3x1x80x128xf32, #tpu.memory_space<vmem>> -> memref<1x1x80x128xf32, #tpu.memory_space<vmem>>
      %dma_start3A_192 = tpu.memref_squeeze %dma_start3A_191 : memref<1x1x80x128xf32, #tpu.memory_space<vmem>> -> memref<80x128xf32, #tpu.memory_space<vmem>>
      %dma_start3A_193 = arith.constant 0 : i32
      %dma_start3A_194 = tpu.memref_slice %arg10[%add3A_187, %dma_start3A_193] : memref<3x80xi32, #tpu.memory_space<vmem>> -> memref<1x80xi32, #tpu.memory_space<vmem>>
      %dma_start3A_195 = tpu.memref_squeeze %dma_start3A_194 : memref<1x80xi32, #tpu.memory_space<vmem>> -> memref<80xi32, #tpu.memory_space<vmem>>
      %dma_start3A_196 = arith.constant 0 : i32
      %dma_start3A_197 = arith.constant 0 : i32
      %dma_start3A_198 = tpu.memref_slice %arg12[%dma_start3A_196, %dma_start3A_197] : memref<10000x128xf32, #tpu.memory_space<vmem_shared>> -> memref<10000x128xf32, #tpu.memory_space<vmem_shared>>
      %dma_start3A_199 = tpu.memref_slice %arg14[%rem3A_136] : memref<3x!tpu.dma_semaphore, #tpu.memory_space<semaphore_mem>> -> memref<1x!tpu.dma_semaphore, #tpu.memory_space<semaphore_mem>>
      %dma_start3A_200 = tpu.memref_squeeze %dma_start3A_199 : memref<1x!tpu.dma_semaphore, #tpu.memory_space<semaphore_mem>> -> memref<!tpu.dma_semaphore, #tpu.memory_space<semaphore_mem>>
      tpu.enqueue_indirect_dma source(%dma_start3A_192 : memref<80x128xf32, #tpu.memory_space<vmem>>) target(%dma_start3A_198 : memref<10000x128xf32, #tpu.memory_space<vmem_shared>>) offsets(%dma_start3A_195 : memref<80xi32, #tpu.memory_space<vmem>>) semaphore(%dma_start3A_200 : memref<!tpu.dma_semaphore, #tpu.memory_space<semaphore_mem>>) {add = true}
      %add3A_201 = arith.constant 1 : i32
      %add3A_202 = arith.addi %scan3A_135, %add3A_201 : i32
      %lt3A_203 = arith.constant 125 : i32
      %lt3A_204 = arith.cmpi slt, %add3A_202, %lt3A_203 : i32
      %convert_element_type3A_205 = arith.extui %lt3A_204 : i1 to i32
      %cond3A_206 = arith.constant 0 : i32
      %cond3A_207 = arith.cmpi ne, %convert_element_type3A_205, %cond3A_206 : i32
      scf.if %cond3A_207 {
        %mul3A_208 = arith.constant 1 : i32
        %mul3A_209 = arith.muli %rem3A_140, %mul3A_208 : i32
        %add3A_210 = arith.constant 0 : i32
        %add3A_211 = arith.addi %mul3A_209, %add3A_210 : i32
        %dma_wait3A_212 = arith.constant 0 : i32
        %dma_wait3A_213 = arith.constant 0 : i32
        %dma_wait3A_214 = arith.constant 0 : i32
        %dma_wait3A_215 = tpu.memref_slice %arg9[%add3A_211, %dma_wait3A_214] : memref<3x80xi32, #tpu.memory_space<vmem>> -> memref<1x80xi32, #tpu.memory_space<vmem>>
        %dma_wait3A_216 = tpu.memref_squeeze %dma_wait3A_215 : memref<1x80xi32, #tpu.memory_space<vmem>> -> memref<80xi32, #tpu.memory_space<vmem>>
        %dma_wait3A_217 = arith.constant 0 : i32
        %dma_wait3A_218 = tpu.memref_slice %arg3[%dma_wait3A_212, %dma_wait3A_213, %dma_wait3A_217] : memref<32x125x80xi32, #tpu.memory_space<hbm>> -> memref<1x1x80xi32, #tpu.memory_space<hbm>>
        %dma_wait3A_219 = tpu.memref_squeeze %dma_wait3A_218 : memref<1x1x80xi32, #tpu.memory_space<hbm>> -> memref<80xi32, #tpu.memory_space<hbm>>
        %dma_wait3A_220 = tpu.memref_slice %arg15[%rem3A_140] : memref<3x!tpu.dma_semaphore, #tpu.memory_space<semaphore_mem>> -> memref<1x!tpu.dma_semaphore, #tpu.memory_space<semaphore_mem>>
        %dma_wait3A_221 = tpu.memref_squeeze %dma_wait3A_220 : memref<1x!tpu.dma_semaphore, #tpu.memory_space<semaphore_mem>> -> memref<!tpu.dma_semaphore, #tpu.memory_space<semaphore_mem>>
        %dma_wait3A_222 = arith.constant 0 : i32
        %dma_wait3A_223 = tpu.memref_slice %arg9[%add3A_211, %dma_wait3A_222] : memref<3x80xi32, #tpu.memory_space<vmem>> -> memref<1x80xi32, #tpu.memory_space<vmem>>
        %dma_wait3A_224 = tpu.memref_squeeze %dma_wait3A_223 : memref<1x80xi32, #tpu.memory_space<vmem>> -> memref<80xi32, #tpu.memory_space<vmem>>
        %dma_wait3A_225 = arith.constant 0 : i32
        %dma_wait3A_226 = tpu.memref_slice %arg3[%dma_wait3A_212, %dma_wait3A_213, %dma_wait3A_225] : memref<32x125x80xi32, #tpu.memory_space<hbm>> -> memref<1x1x80xi32, #tpu.memory_space<hbm>>
        %dma_wait3A_227 = tpu.memref_squeeze %dma_wait3A_226 : memref<1x1x80xi32, #tpu.memory_space<hbm>> -> memref<80xi32, #tpu.memory_space<hbm>>
        tpu.wait_dma2 semaphore(%dma_wait3A_221 : memref<!tpu.dma_semaphore, #tpu.memory_space<semaphore_mem>>) src(%dma_wait3A_227 : memref<80xi32, #tpu.memory_space<hbm>>) dst(%dma_wait3A_224 : memref<80xi32, #tpu.memory_space<vmem>>)
        %mul3A_228 = arith.constant 1 : i32
        %mul3A_229 = arith.muli %rem3A_140, %mul3A_228 : i32
        %add3A_230 = arith.constant 0 : i32
        %add3A_231 = arith.addi %mul3A_229, %add3A_230 : i32
        %dma_start3A_232 = arith.constant 0 : i32
        %dma_start3A_233 = arith.constant 0 : i32
        %dma_start3A_234 = arith.constant 0 : i32
        %dma_start3A_235 = tpu.memref_slice %arg11[%rem3A_140, %dma_start3A_232, %dma_start3A_233, %dma_start3A_234] : memref<3x1x80x128xf32, #tpu.memory_space<vmem>> -> memref<1x1x80x128xf32, #tpu.memory_space<vmem>>
        %dma_start3A_236 = tpu.memref_squeeze %dma_start3A_235 : memref<1x1x80x128xf32, #tpu.memory_space<vmem>> -> memref<80x128xf32, #tpu.memory_space<vmem>>
        %dma_start3A_237 = arith.constant 0 : i32
        %dma_start3A_238 = tpu.memref_slice %arg9[%add3A_231, %dma_start3A_237] : memref<3x80xi32, #tpu.memory_space<vmem>> -> memref<1x80xi32, #tpu.memory_space<vmem>>
        %dma_start3A_239 = tpu.memref_squeeze %dma_start3A_238 : memref<1x80xi32, #tpu.memory_space<vmem>> -> memref<80xi32, #tpu.memory_space<vmem>>
        %dma_start3A_240 = arith.constant 0 : i32
        %dma_start3A_241 = arith.constant 0 : i32
        %dma_start3A_242 = tpu.memref_slice %arg2[%dma_start3A_240, %dma_start3A_241] : memref<10000x128xf32, #tpu.memory_space<hbm>> -> memref<10000x128xf32, #tpu.memory_space<hbm>>
        %dma_start3A_243 = tpu.memref_slice %arg13[%rem3A_140] : memref<3x!tpu.dma_semaphore, #tpu.memory_space<semaphore_mem>> -> memref<1x!tpu.dma_semaphore, #tpu.memory_space<semaphore_mem>>
        %dma_start3A_244 = tpu.memref_squeeze %dma_start3A_243 : memref<1x!tpu.dma_semaphore, #tpu.memory_space<semaphore_mem>> -> memref<!tpu.dma_semaphore, #tpu.memory_space<semaphore_mem>>
        tpu.enqueue_indirect_dma source(%dma_start3A_242 : memref<10000x128xf32, #tpu.memory_space<hbm>>) target(%dma_start3A_236 : memref<80x128xf32, #tpu.memory_space<vmem>>) offsets(%dma_start3A_239 : memref<80xi32, #tpu.memory_space<vmem>>) semaphore(%dma_start3A_244 : memref<!tpu.dma_semaphore, #tpu.memory_space<semaphore_mem>>)
        %add3A_245 = arith.constant 1 : i32
        %add3A_246 = arith.addi %scan3A_135, %add3A_245 : i32
        %mul3A_247 = arith.constant 1 : i32
        %mul3A_248 = arith.muli %add3A_246, %mul3A_247 : i32
        %add3A_249 = arith.constant 0 : i32
        %add3A_250 = arith.addi %mul3A_248, %add3A_249 : i32
        %mul3A_251 = arith.constant 1 : i32
        %mul3A_252 = arith.muli %rem3A_140, %mul3A_251 : i32
        %add3A_253 = arith.constant 0 : i32
        %add3A_254 = arith.addi %mul3A_252, %add3A_253 : i32
        %dma_start3A_255 = arith.constant 0 : i32
        %dma_start3A_256 = tpu.memref_slice %arg10[%add3A_254, %dma_start3A_255] : memref<3x80xi32, #tpu.memory_space<vmem>> -> memref<1x80xi32, #tpu.memory_space<vmem>>
        %dma_start3A_257 = tpu.memref_squeeze %dma_start3A_256 : memref<1x80xi32, #tpu.memory_space<vmem>> -> memref<80xi32, #tpu.memory_space<vmem>>
        %dma_start3A_258 = arith.constant 0 : i32
        %dma_start3A_259 = tpu.memref_slice %arg4[%add3A, %add3A_250, %dma_start3A_258] : memref<32x125x80xi32, #tpu.memory_space<hbm>> -> memref<1x1x80xi32, #tpu.memory_space<hbm>>
        %dma_start3A_260 = tpu.memref_squeeze %dma_start3A_259 : memref<1x1x80xi32, #tpu.memory_space<hbm>> -> memref<80xi32, #tpu.memory_space<hbm>>
        %dma_start3A_261 = tpu.memref_slice %arg16[%rem3A_140] : memref<3x!tpu.dma_semaphore, #tpu.memory_space<semaphore_mem>> -> memref<1x!tpu.dma_semaphore, #tpu.memory_space<semaphore_mem>>
        %dma_start3A_262 = tpu.memref_squeeze %dma_start3A_261 : memref<1x!tpu.dma_semaphore, #tpu.memory_space<semaphore_mem>> -> memref<!tpu.dma_semaphore, #tpu.memory_space<semaphore_mem>>
        %dma_start3A_263 = arith.constant 0 : i32
        %dma_start3A_264 = tpu.memref_slice %arg10[%add3A_254, %dma_start3A_263] : memref<3x80xi32, #tpu.memory_space<vmem>> -> memref<1x80xi32, #tpu.memory_space<vmem>>
        %dma_start3A_265 = tpu.memref_squeeze %dma_start3A_264 : memref<1x80xi32, #tpu.memory_space<vmem>> -> memref<80xi32, #tpu.memory_space<vmem>>
        %dma_start3A_266 = arith.constant 0 : i32
        %dma_start3A_267 = tpu.memref_slice %arg4[%add3A, %add3A_250, %dma_start3A_266] : memref<32x125x80xi32, #tpu.memory_space<hbm>> -> memref<1x1x80xi32, #tpu.memory_space<hbm>>
        %dma_start3A_268 = tpu.memref_squeeze %dma_start3A_267 : memref<1x1x80xi32, #tpu.memory_space<hbm>> -> memref<80xi32, #tpu.memory_space<hbm>>
        tpu.enqueue_dma source(%dma_start3A_268 : memref<80xi32, #tpu.memory_space<hbm>>) target(%dma_start3A_265 : memref<80xi32, #tpu.memory_space<vmem>>) target_semaphore(%dma_start3A_262 : memref<!tpu.dma_semaphore, #tpu.memory_space<semaphore_mem>>)
        %add3A_269 = arith.constant 2 : i32
        %add3A_270 = arith.addi %scan3A_135, %add3A_269 : i32
        %lt3A_271 = arith.constant 125 : i32
        %lt3A_272 = arith.cmpi slt, %add3A_270, %lt3A_271 : i32
        %convert_element_type3A_273 = arith.extui %lt3A_272 : i1 to i32
        %cond3A_274 = arith.constant 0 : i32
        %cond3A_275 = arith.cmpi ne, %convert_element_type3A_273, %cond3A_274 : i32
        scf.if %cond3A_275 {
          %add3A_276 = arith.constant 2 : i32
          %add3A_277 = arith.addi %scan3A_135, %add3A_276 : i32
          %add3A_278 = arith.constant 2 : i32
          %add3A_279 = arith.addi %scan3A_135, %add3A_278 : i32
          %rem3A_280 = arith.constant 3 : i32
          %rem3A_281 = arith.remsi %add3A_279, %rem3A_280 : i32
          %mul3A_282 = arith.constant 1 : i32
          %mul3A_283 = arith.muli %add3A_277, %mul3A_282 : i32
          %add3A_284 = arith.constant 0 : i32
          %add3A_285 = arith.addi %mul3A_283, %add3A_284 : i32
          %mul3A_286 = arith.constant 1 : i32
          %mul3A_287 = arith.muli %rem3A_281, %mul3A_286 : i32
          %add3A_288 = arith.constant 0 : i32
          %add3A_289 = arith.addi %mul3A_287, %add3A_288 : i32
          %dma_start3A_290 = arith.constant 0 : i32
          %dma_start3A_291 = tpu.memref_slice %arg9[%add3A_289, %dma_start3A_290] : memref<3x80xi32, #tpu.memory_space<vmem>> -> memref<1x80xi32, #tpu.memory_space<vmem>>
          %dma_start3A_292 = tpu.memref_squeeze %dma_start3A_291 : memref<1x80xi32, #tpu.memory_space<vmem>> -> memref<80xi32, #tpu.memory_space<vmem>>
          %dma_start3A_293 = arith.constant 0 : i32
          %dma_start3A_294 = tpu.memref_slice %arg3[%add3A, %add3A_285, %dma_start3A_293] : memref<32x125x80xi32, #tpu.memory_space<hbm>> -> memref<1x1x80xi32, #tpu.memory_space<hbm>>
          %dma_start3A_295 = tpu.memref_squeeze %dma_start3A_294 : memref<1x1x80xi32, #tpu.memory_space<hbm>> -> memref<80xi32, #tpu.memory_space<hbm>>
          %dma_start3A_296 = tpu.memref_slice %arg15[%rem3A_281] : memref<3x!tpu.dma_semaphore, #tpu.memory_space<semaphore_mem>> -> memref<1x!tpu.dma_semaphore, #tpu.memory_space<semaphore_mem>>
          %dma_start3A_297 = tpu.memref_squeeze %dma_start3A_296 : memref<1x!tpu.dma_semaphore, #tpu.memory_space<semaphore_mem>> -> memref<!tpu.dma_semaphore, #tpu.memory_space<semaphore_mem>>
          %dma_start3A_298 = arith.constant 0 : i32
          %dma_start3A_299 = tpu.memref_slice %arg9[%add3A_289, %dma_start3A_298] : memref<3x80xi32, #tpu.memory_space<vmem>> -> memref<1x80xi32, #tpu.memory_space<vmem>>
          %dma_start3A_300 = tpu.memref_squeeze %dma_start3A_299 : memref<1x80xi32, #tpu.memory_space<vmem>> -> memref<80xi32, #tpu.memory_space<vmem>>
          %dma_start3A_301 = arith.constant 0 : i32
          %dma_start3A_302 = tpu.memref_slice %arg3[%add3A, %add3A_285, %dma_start3A_301] : memref<32x125x80xi32, #tpu.memory_space<hbm>> -> memref<1x1x80xi32, #tpu.memory_space<hbm>>
          %dma_start3A_303 = tpu.memref_squeeze %dma_start3A_302 : memref<1x1x80xi32, #tpu.memory_space<hbm>> -> memref<80xi32, #tpu.memory_space<hbm>>
          tpu.enqueue_dma source(%dma_start3A_303 : memref<80xi32, #tpu.memory_space<hbm>>) target(%dma_start3A_300 : memref<80xi32, #tpu.memory_space<vmem>>) target_semaphore(%dma_start3A_297 : memref<!tpu.dma_semaphore, #tpu.memory_space<semaphore_mem>>)
        } else {
        }
      } else {
      }
    }
    %scan3A_90 = arith.constant 125 : i32
    %dma_wait3A_91 = arith.constant 1 : i32
    %dma_wait3A_92 = arith.constant 0 : i32
    %dma_wait3A_93 = arith.constant 1 : i32
    %dma_wait3A_94 = arith.constant 0 : i32
    %dma_wait3A_95 = arith.constant 0 : i32
    %dma_wait3A_96 = tpu.memref_slice %arg11[%dma_wait3A_91, %dma_wait3A_92, %dma_wait3A_94, %dma_wait3A_95] : memref<3x1x80x128xf32, #tpu.memory_space<vmem>> -> memref<1x1x80x128xf32, #tpu.memory_space<vmem>>
    %dma_wait3A_97 = tpu.memref_squeeze %dma_wait3A_96 : memref<1x1x80x128xf32, #tpu.memory_space<vmem>> -> memref<80x128xf32, #tpu.memory_space<vmem>>
    %dma_wait3A_98 = arith.constant 0 : i32
    %dma_wait3A_99 = arith.constant 0 : i32
    %dma_wait3A_100 = tpu.memref_slice %arg5[%dma_wait3A_98, %dma_wait3A_99] : memref<10000x128xf32, #tpu.memory_space<hbm>> -> memref<80x128xf32, #tpu.memory_space<hbm>>
    %dma_wait3A_101 = tpu.memref_slice %arg14[%dma_wait3A_93] : memref<3x!tpu.dma_semaphore, #tpu.memory_space<semaphore_mem>> -> memref<1x!tpu.dma_semaphore, #tpu.memory_space<semaphore_mem>>
    %dma_wait3A_102 = tpu.memref_squeeze %dma_wait3A_101 : memref<1x!tpu.dma_semaphore, #tpu.memory_space<semaphore_mem>> -> memref<!tpu.dma_semaphore, #tpu.memory_space<semaphore_mem>>
    %dma_wait3A_103 = arith.constant 0 : i32
    %dma_wait3A_104 = arith.constant 0 : i32
    %dma_wait3A_105 = tpu.memref_slice %arg11[%dma_wait3A_91, %dma_wait3A_92, %dma_wait3A_103, %dma_wait3A_104] : memref<3x1x80x128xf32, #tpu.memory_space<vmem>> -> memref<1x1x80x128xf32, #tpu.memory_space<vmem>>
    %dma_wait3A_106 = tpu.memref_squeeze %dma_wait3A_105 : memref<1x1x80x128xf32, #tpu.memory_space<vmem>> -> memref<80x128xf32, #tpu.memory_space<vmem>>
    %dma_wait3A_107 = arith.constant 0 : i32
    %dma_wait3A_108 = arith.constant 0 : i32
    %dma_wait3A_109 = tpu.memref_slice %arg5[%dma_wait3A_107, %dma_wait3A_108] : memref<10000x128xf32, #tpu.memory_space<hbm>> -> memref<80x128xf32, #tpu.memory_space<hbm>>
    tpu.wait_dma2 semaphore(%dma_wait3A_102 : memref<!tpu.dma_semaphore, #tpu.memory_space<semaphore_mem>>) src(%dma_wait3A_109 : memref<80x128xf32, #tpu.memory_space<hbm>>) dst(%dma_wait3A_106 : memref<80x128xf32, #tpu.memory_space<vmem>>)
    %dma_wait3A_110 = arith.constant 0 : i32
    %dma_wait3A_111 = arith.constant 0 : i32
    %dma_wait3A_112 = arith.constant 0 : i32
    %dma_wait3A_113 = arith.constant 0 : i32
    %dma_wait3A_114 = arith.constant 0 : i32
    %dma_wait3A_115 = tpu.memref_slice %arg11[%dma_wait3A_110, %dma_wait3A_111, %dma_wait3A_113, %dma_wait3A_114] : memref<3x1x80x128xf32, #tpu.memory_space<vmem>> -> memref<1x1x80x128xf32, #tpu.memory_space<vmem>>
    %dma_wait3A_116 = tpu.memref_squeeze %dma_wait3A_115 : memref<1x1x80x128xf32, #tpu.memory_space<vmem>> -> memref<80x128xf32, #tpu.memory_space<vmem>>
    %dma_wait3A_117 = arith.constant 0 : i32
    %dma_wait3A_118 = arith.constant 0 : i32
    %dma_wait3A_119 = tpu.memref_slice %arg5[%dma_wait3A_117, %dma_wait3A_118] : memref<10000x128xf32, #tpu.memory_space<hbm>> -> memref<80x128xf32, #tpu.memory_space<hbm>>
    %dma_wait3A_120 = tpu.memref_slice %arg14[%dma_wait3A_112] : memref<3x!tpu.dma_semaphore, #tpu.memory_space<semaphore_mem>> -> memref<1x!tpu.dma_semaphore, #tpu.memory_space<semaphore_mem>>
    %dma_wait3A_121 = tpu.memref_squeeze %dma_wait3A_120 : memref<1x!tpu.dma_semaphore, #tpu.memory_space<semaphore_mem>> -> memref<!tpu.dma_semaphore, #tpu.memory_space<semaphore_mem>>
    %dma_wait3A_122 = arith.constant 0 : i32
    %dma_wait3A_123 = arith.constant 0 : i32
    %dma_wait3A_124 = tpu.memref_slice %arg11[%dma_wait3A_110, %dma_wait3A_111, %dma_wait3A_122, %dma_wait3A_123] : memref<3x1x80x128xf32, #tpu.memory_space<vmem>> -> memref<1x1x80x128xf32, #tpu.memory_space<vmem>>
    %dma_wait3A_125 = tpu.memref_squeeze %dma_wait3A_124 : memref<1x1x80x128xf32, #tpu.memory_space<vmem>> -> memref<80x128xf32, #tpu.memory_space<vmem>>
    %dma_wait3A_126 = arith.constant 0 : i32
    %dma_wait3A_127 = arith.constant 0 : i32
    %dma_wait3A_128 = tpu.memref_slice %arg5[%dma_wait3A_126, %dma_wait3A_127] : memref<10000x128xf32, #tpu.memory_space<hbm>> -> memref<80x128xf32, #tpu.memory_space<hbm>>
    tpu.wait_dma2 semaphore(%dma_wait3A_121 : memref<!tpu.dma_semaphore, #tpu.memory_space<semaphore_mem>>) src(%dma_wait3A_128 : memref<80x128xf32, #tpu.memory_space<hbm>>) dst(%dma_wait3A_125 : memref<80x128xf32, #tpu.memory_space<vmem>>)
    %barrier3A_129 = arith.constant 0 : index
    tpu.barrier barrier_id(%barrier3A_129)
    %lt3A_130 = arith.constant 10 : i32
    %lt3A_131 = arith.cmpi slt, %arg1, %lt3A_130 : i32
    %convert_element_type3A_132 = arith.extui %lt3A_131 : i1 to i32
    %cond3A_133 = arith.constant 0 : i32
    %cond3A_134 = arith.cmpi ne, %convert_element_type3A_132, %cond3A_133 : i32
    scf.if %cond3A_134 {
      %mul3A_135 = arith.constant 1000 : i32
      %mul3A_136 = arith.muli %arg1, %mul3A_135 : i32
      %mul3A_137 = arith.constant 1000 : i32
      %mul3A_138 = arith.muli %arg1, %mul3A_137 : i32
      "tpu.region"() ({
        %run_scoped3A = tpu.sem_alloc : memref<!tpu.dma_semaphore, #tpu.memory_space<semaphore_mem>>
        %dma_start3A_139 = arith.constant 0 : i32
        %dma_start3A_140 = tpu.memref_slice %arg7[%arg0, %mul3A_138, %dma_start3A_139] : memref<2x10000x128xf32, #tpu.memory_space<hbm>> -> memref<1x1000x128xf32, #tpu.memory_space<hbm>>
        %dma_start3A_141 = tpu.memref_squeeze %dma_start3A_140 : memref<1x1000x128xf32, #tpu.memory_space<hbm>> -> memref<1000x128xf32, #tpu.memory_space<hbm>>
        %dma_start3A_142 = arith.constant 0 : i32
        %dma_start3A_143 = tpu.memref_slice %arg12[%mul3A_136, %dma_start3A_142] : memref<10000x128xf32, #tpu.memory_space<vmem_shared>> -> memref<1000x128xf32, #tpu.memory_space<vmem_shared>>
        tpu.enqueue_dma source(%dma_start3A_143 : memref<1000x128xf32, #tpu.memory_space<vmem_shared>>) target(%dma_start3A_141 : memref<1000x128xf32, #tpu.memory_space<hbm>>) target_semaphore(%run_scoped3A : memref<!tpu.dma_semaphore, #tpu.memory_space<semaphore_mem>>)
        %dma_wait3A_144 = arith.constant 0 : i32
        %dma_wait3A_145 = tpu.memref_slice %arg7[%arg0, %mul3A_138, %dma_wait3A_144] : memref<2x10000x128xf32, #tpu.memory_space<hbm>> -> memref<1x1000x128xf32, #tpu.memory_space<hbm>>
        %dma_wait3A_146 = tpu.memref_squeeze %dma_wait3A_145 : memref<1x1000x128xf32, #tpu.memory_space<hbm>> -> memref<1000x128xf32, #tpu.memory_space<hbm>>
        %dma_wait3A_147 = arith.constant 0 : i32
        %dma_wait3A_148 = tpu.memref_slice %arg12[%mul3A_136, %dma_wait3A_147] : memref<10000x128xf32, #tpu.memory_space<vmem_shared>> -> memref<1000x128xf32, #tpu.memory_space<vmem_shared>>
        tpu.wait_dma2 semaphore(%run_scoped3A : memref<!tpu.dma_semaphore, #tpu.memory_space<semaphore_mem>>) src(%dma_wait3A_148 : memref<1000x128xf32, #tpu.memory_space<vmem_shared>>) dst(%dma_wait3A_146 : memref<1000x128xf32, #tpu.memory_space<hbm>>)
        tpu.yield
      }) : () -> ()
    } else {
    }
    return
  }
}

#map = affine_map<(d0, d1) -> (0, 0)>
#map1 = affine_map<(d0, d1) -> (0, 0, 0)>
module attributes {stable_mosaic.version = 14 : i64} {
  func.func @sc_sage_agg(%arg0: i32, %arg1: i32, %arg2: memref<10000x128xf32, #tpu.memory_space<hbm>>, %arg3: memref<32x125x80xi32, #tpu.memory_space<hbm>>, %arg4: memref<32x125x80xi32, #tpu.memory_space<hbm>>, %arg5: memref<10000x128xf32, #tpu.memory_space<hbm>>, %arg6: memref<80x128xf32, #tpu.memory_space<hbm>>, %arg7: memref<2x10000x128xf32, #tpu.memory_space<hbm>>, %arg8: memref<2x10000x128xf32, #tpu.memory_space<hbm>>, %arg9: memref<3x80xi32, #tpu.memory_space<vmem>>, %arg10: memref<3x80xi32, #tpu.memory_space<vmem>>, %arg11: memref<3x1x80x128xf32, #tpu.memory_space<vmem>>, %arg12: memref<10000x128xf32, #tpu.memory_space<vmem_shared>>, %arg13: memref<3x!tpu.dma_semaphore, #tpu.memory_space<semaphore_mem>>, %arg14: memref<3x!tpu.dma_semaphore, #tpu.memory_space<semaphore_mem>>, %arg15: memref<3x!tpu.dma_semaphore, #tpu.memory_space<semaphore_mem>>, %arg16: memref<3x!tpu.dma_semaphore, #tpu.memory_space<semaphore_mem>>, %arg17: memref<2x!tpu.dma_semaphore, #tpu.memory_space<semaphore_mem>>) attributes {dimension_semantics = [#tpu.dimension_semantics<core_parallel>, #tpu.dimension_semantics<subcore_parallel>], iteration_bounds = array<i64: 2, 16>, scalar_prefetch = 0 : i64, scratch_operands = 9 : i64, tpu.core_type = #tpu.core_type<sc_vector_subcore>, window_params = [{transform_indices = #map}, {transform_indices = #map1}, {transform_indices = #map1}, {transform_indices = #map}, {transform_indices = #map}, {transform_indices = #map1}, {transform_indices = #map1}]} {
    %mul3A = arith.constant 16 : i32
    %mul3A_0 = arith.muli %arg0, %mul3A : i32
    %add3A = arith.addi %mul3A_0, %arg1 : i32
    %lt3A = arith.constant 10 : i32
    %lt3A_1 = arith.cmpi slt, %arg1, %lt3A : i32
    %convert_element_type3A = arith.extui %lt3A_1 : i1 to i32
    %cond3A = arith.constant 0 : i32
    %cond3A_2 = arith.cmpi ne, %convert_element_type3A, %cond3A : i32
    scf.if %cond3A_2 {
      %mul3A_135 = arith.constant 1000 : i32
      %mul3A_136 = arith.muli %arg1, %mul3A_135 : i32
      %mul3A_137 = arith.constant 1000 : i32
      %mul3A_138 = arith.muli %arg1, %mul3A_137 : i32
      "tpu.region"() ({
        %run_scoped3A = tpu.sem_alloc : memref<!tpu.dma_semaphore, #tpu.memory_space<semaphore_mem>>
        %dma_start3A_139 = arith.constant 0 : i32
        %dma_start3A_140 = tpu.memref_slice %arg12[%mul3A_138, %dma_start3A_139] : memref<10000x128xf32, #tpu.memory_space<vmem_shared>> -> memref<1000x128xf32, #tpu.memory_space<vmem_shared>>
        %dma_start3A_141 = arith.constant 0 : i32
        %dma_start3A_142 = tpu.memref_slice %arg5[%mul3A_136, %dma_start3A_141] : memref<10000x128xf32, #tpu.memory_space<hbm>> -> memref<1000x128xf32, #tpu.memory_space<hbm>>
        tpu.enqueue_dma source(%dma_start3A_142 : memref<1000x128xf32, #tpu.memory_space<hbm>>) target(%dma_start3A_140 : memref<1000x128xf32, #tpu.memory_space<vmem_shared>>) target_semaphore(%run_scoped3A : memref<!tpu.dma_semaphore, #tpu.memory_space<semaphore_mem>>)
        %dma_wait3A_143 = arith.constant 0 : i32
        %dma_wait3A_144 = tpu.memref_slice %arg12[%mul3A_138, %dma_wait3A_143] : memref<10000x128xf32, #tpu.memory_space<vmem_shared>> -> memref<1000x128xf32, #tpu.memory_space<vmem_shared>>
        %dma_wait3A_145 = arith.constant 0 : i32
        %dma_wait3A_146 = tpu.memref_slice %arg5[%mul3A_136, %dma_wait3A_145] : memref<10000x128xf32, #tpu.memory_space<hbm>> -> memref<1000x128xf32, #tpu.memory_space<hbm>>
        tpu.wait_dma2 semaphore(%run_scoped3A : memref<!tpu.dma_semaphore, #tpu.memory_space<semaphore_mem>>) src(%dma_wait3A_146 : memref<1000x128xf32, #tpu.memory_space<hbm>>) dst(%dma_wait3A_144 : memref<1000x128xf32, #tpu.memory_space<vmem_shared>>)
        tpu.yield
      }) : () -> ()
    } else {
    }
    %barrier3A = arith.constant 0 : index
    tpu.barrier barrier_id(%barrier3A)
    %dma_start3A = arith.constant 0 : i32
    %dma_start3A_3 = arith.constant 0 : i32
    %dma_start3A_4 = arith.constant 0 : i32
    %dma_start3A_5 = arith.constant 0 : i32
    %dma_start3A_6 = tpu.memref_slice %arg9[%dma_start3A_3, %dma_start3A_5] : memref<3x80xi32, #tpu.memory_space<vmem>> -> memref<1x80xi32, #tpu.memory_space<vmem>>
    %dma_start3A_7 = tpu.memref_squeeze %dma_start3A_6 : memref<1x80xi32, #tpu.memory_space<vmem>> -> memref<80xi32, #tpu.memory_space<vmem>>
    %dma_start3A_8 = arith.constant 0 : i32
    %dma_start3A_9 = tpu.memref_slice %arg3[%add3A, %dma_start3A, %dma_start3A_8] : memref<32x125x80xi32, #tpu.memory_space<hbm>> -> memref<1x1x80xi32, #tpu.memory_space<hbm>>
    %dma_start3A_10 = tpu.memref_squeeze %dma_start3A_9 : memref<1x1x80xi32, #tpu.memory_space<hbm>> -> memref<80xi32, #tpu.memory_space<hbm>>
    %dma_start3A_11 = tpu.memref_slice %arg15[%dma_start3A_4] : memref<3x!tpu.dma_semaphore, #tpu.memory_space<semaphore_mem>> -> memref<1x!tpu.dma_semaphore, #tpu.memory_space<semaphore_mem>>
    %dma_start3A_12 = tpu.memref_squeeze %dma_start3A_11 : memref<1x!tpu.dma_semaphore, #tpu.memory_space<semaphore_mem>> -> memref<!tpu.dma_semaphore, #tpu.memory_space<semaphore_mem>>
    %dma_start3A_13 = arith.constant 0 : i32
    %dma_start3A_14 = tpu.memref_slice %arg9[%dma_start3A_3, %dma_start3A_13] : memref<3x80xi32, #tpu.memory_space<vmem>> -> memref<1x80xi32, #tpu.memory_space<vmem>>
    %dma_start3A_15 = tpu.memref_squeeze %dma_start3A_14 : memref<1x80xi32, #tpu.memory_space<vmem>> -> memref<80xi32, #tpu.memory_space<vmem>>
    %dma_start3A_16 = arith.constant 0 : i32
    %dma_start3A_17 = tpu.memref_slice %arg3[%add3A, %dma_start3A, %dma_start3A_16] : memref<32x125x80xi32, #tpu.memory_space<hbm>> -> memref<1x1x80xi32, #tpu.memory_space<hbm>>
    %dma_start3A_18 = tpu.memref_squeeze %dma_start3A_17 : memref<1x1x80xi32, #tpu.memory_space<hbm>> -> memref<80xi32, #tpu.memory_space<hbm>>
    tpu.enqueue_dma source(%dma_start3A_18 : memref<80xi32, #tpu.memory_space<hbm>>) target(%dma_start3A_15 : memref<80xi32, #tpu.memory_space<vmem>>) target_semaphore(%dma_start3A_12 : memref<!tpu.dma_semaphore, #tpu.memory_space<semaphore_mem>>)
    %dma_start3A_19 = arith.constant 1 : i32
    %dma_start3A_20 = arith.constant 1 : i32
    %dma_start3A_21 = arith.constant 1 : i32
    %dma_start3A_22 = arith.constant 0 : i32
    %dma_start3A_23 = tpu.memref_slice %arg9[%dma_start3A_20, %dma_start3A_22] : memref<3x80xi32, #tpu.memory_space<vmem>> -> memref<1x80xi32, #tpu.memory_space<vmem>>
    %dma_start3A_24 = tpu.memref_squeeze %dma_start3A_23 : memref<1x80xi32, #tpu.memory_space<vmem>> -> memref<80xi32, #tpu.memory_space<vmem>>
    %dma_start3A_25 = arith.constant 0 : i32
    %dma_start3A_26 = tpu.memref_slice %arg3[%add3A, %dma_start3A_19, %dma_start3A_25] : memref<32x125x80xi32, #tpu.memory_space<hbm>> -> memref<1x1x80xi32, #tpu.memory_space<hbm>>
    %dma_start3A_27 = tpu.memref_squeeze %dma_start3A_26 : memref<1x1x80xi32, #tpu.memory_space<hbm>> -> memref<80xi32, #tpu.memory_space<hbm>>
    %dma_start3A_28 = tpu.memref_slice %arg15[%dma_start3A_21] : memref<3x!tpu.dma_semaphore, #tpu.memory_space<semaphore_mem>> -> memref<1x!tpu.dma_semaphore, #tpu.memory_space<semaphore_mem>>
    %dma_start3A_29 = tpu.memref_squeeze %dma_start3A_28 : memref<1x!tpu.dma_semaphore, #tpu.memory_space<semaphore_mem>> -> memref<!tpu.dma_semaphore, #tpu.memory_space<semaphore_mem>>
    %dma_start3A_30 = arith.constant 0 : i32
    %dma_start3A_31 = tpu.memref_slice %arg9[%dma_start3A_20, %dma_start3A_30] : memref<3x80xi32, #tpu.memory_space<vmem>> -> memref<1x80xi32, #tpu.memory_space<vmem>>
    %dma_start3A_32 = tpu.memref_squeeze %dma_start3A_31 : memref<1x80xi32, #tpu.memory_space<vmem>> -> memref<80xi32, #tpu.memory_space<vmem>>
    %dma_start3A_33 = arith.constant 0 : i32
    %dma_start3A_34 = tpu.memref_slice %arg3[%add3A, %dma_start3A_19, %dma_start3A_33] : memref<32x125x80xi32, #tpu.memory_space<hbm>> -> memref<1x1x80xi32, #tpu.memory_space<hbm>>
    %dma_start3A_35 = tpu.memref_squeeze %dma_start3A_34 : memref<1x1x80xi32, #tpu.memory_space<hbm>> -> memref<80xi32, #tpu.memory_space<hbm>>
    tpu.enqueue_dma source(%dma_start3A_35 : memref<80xi32, #tpu.memory_space<hbm>>) target(%dma_start3A_32 : memref<80xi32, #tpu.memory_space<vmem>>) target_semaphore(%dma_start3A_29 : memref<!tpu.dma_semaphore, #tpu.memory_space<semaphore_mem>>)
    %dma_start3A_36 = arith.constant 0 : i32
    %dma_start3A_37 = arith.constant 0 : i32
    %dma_start3A_38 = arith.constant 0 : i32
    %dma_start3A_39 = arith.constant 0 : i32
    %dma_start3A_40 = tpu.memref_slice %arg10[%dma_start3A_37, %dma_start3A_39] : memref<3x80xi32, #tpu.memory_space<vmem>> -> memref<1x80xi32, #tpu.memory_space<vmem>>
    %dma_start3A_41 = tpu.memref_squeeze %dma_start3A_40 : memref<1x80xi32, #tpu.memory_space<vmem>> -> memref<80xi32, #tpu.memory_space<vmem>>
    %dma_start3A_42 = arith.constant 0 : i32
    %dma_start3A_43 = tpu.memref_slice %arg4[%add3A, %dma_start3A_36, %dma_start3A_42] : memref<32x125x80xi32, #tpu.memory_space<hbm>> -> memref<1x1x80xi32, #tpu.memory_space<hbm>>
    %dma_start3A_44 = tpu.memref_squeeze %dma_start3A_43 : memref<1x1x80xi32, #tpu.memory_space<hbm>> -> memref<80xi32, #tpu.memory_space<hbm>>
    %dma_start3A_45 = tpu.memref_slice %arg16[%dma_start3A_38] : memref<3x!tpu.dma_semaphore, #tpu.memory_space<semaphore_mem>> -> memref<1x!tpu.dma_semaphore, #tpu.memory_space<semaphore_mem>>
    %dma_start3A_46 = tpu.memref_squeeze %dma_start3A_45 : memref<1x!tpu.dma_semaphore, #tpu.memory_space<semaphore_mem>> -> memref<!tpu.dma_semaphore, #tpu.memory_space<semaphore_mem>>
    %dma_start3A_47 = arith.constant 0 : i32
    %dma_start3A_48 = tpu.memref_slice %arg10[%dma_start3A_37, %dma_start3A_47] : memref<3x80xi32, #tpu.memory_space<vmem>> -> memref<1x80xi32, #tpu.memory_space<vmem>>
    %dma_start3A_49 = tpu.memref_squeeze %dma_start3A_48 : memref<1x80xi32, #tpu.memory_space<vmem>> -> memref<80xi32, #tpu.memory_space<vmem>>
    %dma_start3A_50 = arith.constant 0 : i32
    %dma_start3A_51 = tpu.memref_slice %arg4[%add3A, %dma_start3A_36, %dma_start3A_50] : memref<32x125x80xi32, #tpu.memory_space<hbm>> -> memref<1x1x80xi32, #tpu.memory_space<hbm>>
    %dma_start3A_52 = tpu.memref_squeeze %dma_start3A_51 : memref<1x1x80xi32, #tpu.memory_space<hbm>> -> memref<80xi32, #tpu.memory_space<hbm>>
    tpu.enqueue_dma source(%dma_start3A_52 : memref<80xi32, #tpu.memory_space<hbm>>) target(%dma_start3A_49 : memref<80xi32, #tpu.memory_space<vmem>>) target_semaphore(%dma_start3A_46 : memref<!tpu.dma_semaphore, #tpu.memory_space<semaphore_mem>>)
    %dma_wait3A = arith.constant 0 : i32
    %dma_wait3A_53 = arith.constant 0 : i32
    %dma_wait3A_54 = arith.constant 0 : i32
    %dma_wait3A_55 = arith.constant 0 : i32
    %dma_wait3A_56 = arith.constant 0 : i32
    %dma_wait3A_57 = tpu.memref_slice %arg9[%dma_wait3A_54, %dma_wait3A_56] : memref<3x80xi32, #tpu.memory_space<vmem>> -> memref<1x80xi32, #tpu.memory_space<vmem>>
    %dma_wait3A_58 = tpu.memref_squeeze %dma_wait3A_57 : memref<1x80xi32, #tpu.memory_space<vmem>> -> memref<80xi32, #tpu.memory_space<vmem>>
    %dma_wait3A_59 = arith.constant 0 : i32
    %dma_wait3A_60 = tpu.memref_slice %arg3[%dma_wait3A, %dma_wait3A_53, %dma_wait3A_59] : memref<32x125x80xi32, #tpu.memory_space<hbm>> -> memref<1x1x80xi32, #tpu.memory_space<hbm>>
    %dma_wait3A_61 = tpu.memref_squeeze %dma_wait3A_60 : memref<1x1x80xi32, #tpu.memory_space<hbm>> -> memref<80xi32, #tpu.memory_space<hbm>>
    %dma_wait3A_62 = tpu.memref_slice %arg15[%dma_wait3A_55] : memref<3x!tpu.dma_semaphore, #tpu.memory_space<semaphore_mem>> -> memref<1x!tpu.dma_semaphore, #tpu.memory_space<semaphore_mem>>
    %dma_wait3A_63 = tpu.memref_squeeze %dma_wait3A_62 : memref<1x!tpu.dma_semaphore, #tpu.memory_space<semaphore_mem>> -> memref<!tpu.dma_semaphore, #tpu.memory_space<semaphore_mem>>
    %dma_wait3A_64 = arith.constant 0 : i32
    %dma_wait3A_65 = tpu.memref_slice %arg9[%dma_wait3A_54, %dma_wait3A_64] : memref<3x80xi32, #tpu.memory_space<vmem>> -> memref<1x80xi32, #tpu.memory_space<vmem>>
    %dma_wait3A_66 = tpu.memref_squeeze %dma_wait3A_65 : memref<1x80xi32, #tpu.memory_space<vmem>> -> memref<80xi32, #tpu.memory_space<vmem>>
    %dma_wait3A_67 = arith.constant 0 : i32
    %dma_wait3A_68 = tpu.memref_slice %arg3[%dma_wait3A, %dma_wait3A_53, %dma_wait3A_67] : memref<32x125x80xi32, #tpu.memory_space<hbm>> -> memref<1x1x80xi32, #tpu.memory_space<hbm>>
    %dma_wait3A_69 = tpu.memref_squeeze %dma_wait3A_68 : memref<1x1x80xi32, #tpu.memory_space<hbm>> -> memref<80xi32, #tpu.memory_space<hbm>>
    tpu.wait_dma2 semaphore(%dma_wait3A_63 : memref<!tpu.dma_semaphore, #tpu.memory_space<semaphore_mem>>) src(%dma_wait3A_69 : memref<80xi32, #tpu.memory_space<hbm>>) dst(%dma_wait3A_66 : memref<80xi32, #tpu.memory_space<vmem>>)
    %dma_start3A_70 = arith.constant 0 : i32
    %dma_start3A_71 = arith.constant 0 : i32
    %dma_start3A_72 = arith.constant 0 : i32
    %dma_start3A_73 = arith.constant 0 : i32
    %dma_start3A_74 = arith.constant 0 : i32
    %dma_start3A_75 = arith.constant 0 : i32
    %dma_start3A_76 = tpu.memref_slice %arg11[%dma_start3A_71, %dma_start3A_72, %dma_start3A_74, %dma_start3A_75] : memref<3x1x80x128xf32, #tpu.memory_space<vmem>> -> memref<1x1x80x128xf32, #tpu.memory_space<vmem>>
    %dma_start3A_77 = tpu.memref_squeeze %dma_start3A_76 : memref<1x1x80x128xf32, #tpu.memory_space<vmem>> -> memref<80x128xf32, #tpu.memory_space<vmem>>
    %dma_start3A_78 = arith.constant 0 : i32
    %dma_start3A_79 = tpu.memref_slice %arg9[%dma_start3A_70, %dma_start3A_78] : memref<3x80xi32, #tpu.memory_space<vmem>> -> memref<1x80xi32, #tpu.memory_space<vmem>>
    %dma_start3A_80 = tpu.memref_squeeze %dma_start3A_79 : memref<1x80xi32, #tpu.memory_space<vmem>> -> memref<80xi32, #tpu.memory_space<vmem>>
    %dma_start3A_81 = arith.constant 0 : i32
    %dma_start3A_82 = arith.constant 0 : i32
    %dma_start3A_83 = tpu.memref_slice %arg2[%dma_start3A_81, %dma_start3A_82] : memref<10000x128xf32, #tpu.memory_space<hbm>> -> memref<10000x128xf32, #tpu.memory_space<hbm>>
    %dma_start3A_84 = tpu.memref_slice %arg13[%dma_start3A_73] : memref<3x!tpu.dma_semaphore, #tpu.memory_space<semaphore_mem>> -> memref<1x!tpu.dma_semaphore, #tpu.memory_space<semaphore_mem>>
    %dma_start3A_85 = tpu.memref_squeeze %dma_start3A_84 : memref<1x!tpu.dma_semaphore, #tpu.memory_space<semaphore_mem>> -> memref<!tpu.dma_semaphore, #tpu.memory_space<semaphore_mem>>
    tpu.enqueue_indirect_dma source(%dma_start3A_83 : memref<10000x128xf32, #tpu.memory_space<hbm>>) target(%dma_start3A_77 : memref<80x128xf32, #tpu.memory_space<vmem>>) offsets(%dma_start3A_80 : memref<80xi32, #tpu.memory_space<vmem>>) semaphore(%dma_start3A_85 : memref<!tpu.dma_semaphore, #tpu.memory_space<semaphore_mem>>)
    %scan3A = arith.constant 0 : i32
    %scan3A_86 = arith.constant 0 : i32
    %scan3A_87 = arith.constant 125 : i32
    %scan3A_88 = arith.addi %scan3A_86, %scan3A_87 : i32
    %scan3A_89 = arith.constant 1 : i32
    scf.for %scan3A_135 = %scan3A_86 to %scan3A_88 step %scan3A_89  : i32 {
      %rem3A = arith.constant 3 : i32
      %rem3A_136 = arith.remsi %scan3A_135, %rem3A : i32
      %add3A_137 = arith.constant 1 : i32
      %add3A_138 = arith.addi %scan3A_135, %add3A_137 : i32
      %rem3A_139 = arith.constant 3 : i32
      %rem3A_140 = arith.remsi %add3A_138, %rem3A_139 : i32
      %dma_wait3A_141 = arith.constant 0 : i32
      %dma_wait3A_142 = arith.constant 0 : i32
      %dma_wait3A_143 = arith.constant 0 : i32
      %dma_wait3A_144 = tpu.memref_slice %arg11[%rem3A_136, %dma_wait3A_141, %dma_wait3A_142, %dma_wait3A_143] : memref<3x1x80x128xf32, #tpu.memory_space<vmem>> -> memref<1x1x80x128xf32, #tpu.memory_space<vmem>>
      %dma_wait3A_145 = tpu.memref_squeeze %dma_wait3A_144 : memref<1x1x80x128xf32, #tpu.memory_space<vmem>> -> memref<80x128xf32, #tpu.memory_space<vmem>>
      %dma_wait3A_146 = arith.constant 0 : i32
      %dma_wait3A_147 = arith.constant 0 : i32
      %dma_wait3A_148 = tpu.memref_slice %arg5[%dma_wait3A_146, %dma_wait3A_147] : memref<10000x128xf32, #tpu.memory_space<hbm>> -> memref<80x128xf32, #tpu.memory_space<hbm>>
      %dma_wait3A_149 = tpu.memref_slice %arg13[%rem3A_136] : memref<3x!tpu.dma_semaphore, #tpu.memory_space<semaphore_mem>> -> memref<1x!tpu.dma_semaphore, #tpu.memory_space<semaphore_mem>>
      %dma_wait3A_150 = tpu.memref_squeeze %dma_wait3A_149 : memref<1x!tpu.dma_semaphore, #tpu.memory_space<semaphore_mem>> -> memref<!tpu.dma_semaphore, #tpu.memory_space<semaphore_mem>>
      %dma_wait3A_151 = arith.constant 0 : i32
      %dma_wait3A_152 = arith.constant 0 : i32
      %dma_wait3A_153 = tpu.memref_slice %arg11[%rem3A_136, %dma_wait3A_141, %dma_wait3A_151, %dma_wait3A_152] : memref<3x1x80x128xf32, #tpu.memory_space<vmem>> -> memref<1x1x80x128xf32, #tpu.memory_space<vmem>>
      %dma_wait3A_154 = tpu.memref_squeeze %dma_wait3A_153 : memref<1x1x80x128xf32, #tpu.memory_space<vmem>> -> memref<80x128xf32, #tpu.memory_space<vmem>>
      %dma_wait3A_155 = arith.constant 0 : i32
      %dma_wait3A_156 = arith.constant 0 : i32
      %dma_wait3A_157 = tpu.memref_slice %arg5[%dma_wait3A_155, %dma_wait3A_156] : memref<10000x128xf32, #tpu.memory_space<hbm>> -> memref<80x128xf32, #tpu.memory_space<hbm>>
      tpu.wait_dma2 semaphore(%dma_wait3A_150 : memref<!tpu.dma_semaphore, #tpu.memory_space<semaphore_mem>>) src(%dma_wait3A_157 : memref<80x128xf32, #tpu.memory_space<hbm>>) dst(%dma_wait3A_154 : memref<80x128xf32, #tpu.memory_space<vmem>>)
      %add3A_158 = arith.constant 1 : i32
      %add3A_159 = arith.addi %scan3A_135, %add3A_158 : i32
      %ge3A = arith.constant 3 : i32
      %ge3A_160 = arith.cmpi sge, %add3A_159, %ge3A : i32
      %convert_element_type3A_161 = arith.extui %ge3A_160 : i1 to i32
      %cond3A_162 = arith.constant 0 : i32
      %cond3A_163 = arith.cmpi ne, %convert_element_type3A_161, %cond3A_162 : i32
      scf.if %cond3A_163 {
        %dma_wait3A_208 = arith.constant 0 : i32
        %dma_wait3A_209 = arith.constant 0 : i32
        %dma_wait3A_210 = arith.constant 0 : i32
        %dma_wait3A_211 = tpu.memref_slice %arg11[%rem3A_140, %dma_wait3A_208, %dma_wait3A_209, %dma_wait3A_210] : memref<3x1x80x128xf32, #tpu.memory_space<vmem>> -> memref<1x1x80x128xf32, #tpu.memory_space<vmem>>
        %dma_wait3A_212 = tpu.memref_squeeze %dma_wait3A_211 : memref<1x1x80x128xf32, #tpu.memory_space<vmem>> -> memref<80x128xf32, #tpu.memory_space<vmem>>
        %dma_wait3A_213 = arith.constant 0 : i32
        %dma_wait3A_214 = arith.constant 0 : i32
        %dma_wait3A_215 = tpu.memref_slice %arg5[%dma_wait3A_213, %dma_wait3A_214] : memref<10000x128xf32, #tpu.memory_space<hbm>> -> memref<80x128xf32, #tpu.memory_space<hbm>>
        %dma_wait3A_216 = tpu.memref_slice %arg14[%rem3A_140] : memref<3x!tpu.dma_semaphore, #tpu.memory_space<semaphore_mem>> -> memref<1x!tpu.dma_semaphore, #tpu.memory_space<semaphore_mem>>
        %dma_wait3A_217 = tpu.memref_squeeze %dma_wait3A_216 : memref<1x!tpu.dma_semaphore, #tpu.memory_space<semaphore_mem>> -> memref<!tpu.dma_semaphore, #tpu.memory_space<semaphore_mem>>
        %dma_wait3A_218 = arith.constant 0 : i32
        %dma_wait3A_219 = arith.constant 0 : i32
        %dma_wait3A_220 = tpu.memref_slice %arg11[%rem3A_140, %dma_wait3A_208, %dma_wait3A_218, %dma_wait3A_219] : memref<3x1x80x128xf32, #tpu.memory_space<vmem>> -> memref<1x1x80x128xf32, #tpu.memory_space<vmem>>
        %dma_wait3A_221 = tpu.memref_squeeze %dma_wait3A_220 : memref<1x1x80x128xf32, #tpu.memory_space<vmem>> -> memref<80x128xf32, #tpu.memory_space<vmem>>
        %dma_wait3A_222 = arith.constant 0 : i32
        %dma_wait3A_223 = arith.constant 0 : i32
        %dma_wait3A_224 = tpu.memref_slice %arg5[%dma_wait3A_222, %dma_wait3A_223] : memref<10000x128xf32, #tpu.memory_space<hbm>> -> memref<80x128xf32, #tpu.memory_space<hbm>>
        tpu.wait_dma2 semaphore(%dma_wait3A_217 : memref<!tpu.dma_semaphore, #tpu.memory_space<semaphore_mem>>) src(%dma_wait3A_224 : memref<80x128xf32, #tpu.memory_space<hbm>>) dst(%dma_wait3A_221 : memref<80x128xf32, #tpu.memory_space<vmem>>)
      } else {
      }
      %mul3A_164 = arith.constant 1 : i32
      %mul3A_165 = arith.muli %rem3A_136, %mul3A_164 : i32
      %add3A_166 = arith.constant 0 : i32
      %add3A_167 = arith.addi %mul3A_165, %add3A_166 : i32
      %dma_wait3A_168 = arith.constant 0 : i32
      %dma_wait3A_169 = arith.constant 0 : i32
      %dma_wait3A_170 = arith.constant 0 : i32
      %dma_wait3A_171 = tpu.memref_slice %arg10[%add3A_167, %dma_wait3A_170] : memref<3x80xi32, #tpu.memory_space<vmem>> -> memref<1x80xi32, #tpu.memory_space<vmem>>
      %dma_wait3A_172 = tpu.memref_squeeze %dma_wait3A_171 : memref<1x80xi32, #tpu.memory_space<vmem>> -> memref<80xi32, #tpu.memory_space<vmem>>
      %dma_wait3A_173 = arith.constant 0 : i32
      %dma_wait3A_174 = tpu.memref_slice %arg4[%dma_wait3A_168, %dma_wait3A_169, %dma_wait3A_173] : memref<32x125x80xi32, #tpu.memory_space<hbm>> -> memref<1x1x80xi32, #tpu.memory_space<hbm>>
      %dma_wait3A_175 = tpu.memref_squeeze %dma_wait3A_174 : memref<1x1x80xi32, #tpu.memory_space<hbm>> -> memref<80xi32, #tpu.memory_space<hbm>>
      %dma_wait3A_176 = tpu.memref_slice %arg16[%rem3A_136] : memref<3x!tpu.dma_semaphore, #tpu.memory_space<semaphore_mem>> -> memref<1x!tpu.dma_semaphore, #tpu.memory_space<semaphore_mem>>
      %dma_wait3A_177 = tpu.memref_squeeze %dma_wait3A_176 : memref<1x!tpu.dma_semaphore, #tpu.memory_space<semaphore_mem>> -> memref<!tpu.dma_semaphore, #tpu.memory_space<semaphore_mem>>
      %dma_wait3A_178 = arith.constant 0 : i32
      %dma_wait3A_179 = tpu.memref_slice %arg10[%add3A_167, %dma_wait3A_178] : memref<3x80xi32, #tpu.memory_space<vmem>> -> memref<1x80xi32, #tpu.memory_space<vmem>>
      %dma_wait3A_180 = tpu.memref_squeeze %dma_wait3A_179 : memref<1x80xi32, #tpu.memory_space<vmem>> -> memref<80xi32, #tpu.memory_space<vmem>>
      %dma_wait3A_181 = arith.constant 0 : i32
      %dma_wait3A_182 = tpu.memref_slice %arg4[%dma_wait3A_168, %dma_wait3A_169, %dma_wait3A_181] : memref<32x125x80xi32, #tpu.memory_space<hbm>> -> memref<1x1x80xi32, #tpu.memory_space<hbm>>
      %dma_wait3A_183 = tpu.memref_squeeze %dma_wait3A_182 : memref<1x1x80xi32, #tpu.memory_space<hbm>> -> memref<80xi32, #tpu.memory_space<hbm>>
      tpu.wait_dma2 semaphore(%dma_wait3A_177 : memref<!tpu.dma_semaphore, #tpu.memory_space<semaphore_mem>>) src(%dma_wait3A_183 : memref<80xi32, #tpu.memory_space<hbm>>) dst(%dma_wait3A_180 : memref<80xi32, #tpu.memory_space<vmem>>)
      %mul3A_184 = arith.constant 1 : i32
      %mul3A_185 = arith.muli %rem3A_136, %mul3A_184 : i32
      %add3A_186 = arith.constant 0 : i32
      %add3A_187 = arith.addi %mul3A_185, %add3A_186 : i32
      %dma_start3A_188 = arith.constant 0 : i32
      %dma_start3A_189 = arith.constant 0 : i32
      %dma_start3A_190 = arith.constant 0 : i32
      %dma_start3A_191 = tpu.memref_slice %arg11[%rem3A_136, %dma_start3A_188, %dma_start3A_189, %dma_start3A_190] : memref<3x1x80x128xf32, #tpu.memory_space<vmem>> -> memref<1x1x80x128xf32, #tpu.memory_space<vmem>>
      %dma_start3A_192 = tpu.memref_squeeze %dma_start3A_191 : memref<1x1x80x128xf32, #tpu.memory_space<vmem>> -> memref<80x128xf32, #tpu.memory_space<vmem>>
      %dma_start3A_193 = arith.constant 0 : i32
      %dma_start3A_194 = tpu.memref_slice %arg10[%add3A_187, %dma_start3A_193] : memref<3x80xi32, #tpu.memory_space<vmem>> -> memref<1x80xi32, #tpu.memory_space<vmem>>
      %dma_start3A_195 = tpu.memref_squeeze %dma_start3A_194 : memref<1x80xi32, #tpu.memory_space<vmem>> -> memref<80xi32, #tpu.memory_space<vmem>>
      %dma_start3A_196 = arith.constant 0 : i32
      %dma_start3A_197 = arith.constant 0 : i32
      %dma_start3A_198 = tpu.memref_slice %arg12[%dma_start3A_196, %dma_start3A_197] : memref<10000x128xf32, #tpu.memory_space<vmem_shared>> -> memref<10000x128xf32, #tpu.memory_space<vmem_shared>>
      %dma_start3A_199 = tpu.memref_slice %arg14[%rem3A_136] : memref<3x!tpu.dma_semaphore, #tpu.memory_space<semaphore_mem>> -> memref<1x!tpu.dma_semaphore, #tpu.memory_space<semaphore_mem>>
      %dma_start3A_200 = tpu.memref_squeeze %dma_start3A_199 : memref<1x!tpu.dma_semaphore, #tpu.memory_space<semaphore_mem>> -> memref<!tpu.dma_semaphore, #tpu.memory_space<semaphore_mem>>
      tpu.enqueue_indirect_dma source(%dma_start3A_192 : memref<80x128xf32, #tpu.memory_space<vmem>>) target(%dma_start3A_198 : memref<10000x128xf32, #tpu.memory_space<vmem_shared>>) offsets(%dma_start3A_195 : memref<80xi32, #tpu.memory_space<vmem>>) semaphore(%dma_start3A_200 : memref<!tpu.dma_semaphore, #tpu.memory_space<semaphore_mem>>) {add = true}
      %add3A_201 = arith.constant 1 : i32
      %add3A_202 = arith.addi %scan3A_135, %add3A_201 : i32
      %lt3A_203 = arith.constant 125 : i32
      %lt3A_204 = arith.cmpi slt, %add3A_202, %lt3A_203 : i32
      %convert_element_type3A_205 = arith.extui %lt3A_204 : i1 to i32
      %cond3A_206 = arith.constant 0 : i32
      %cond3A_207 = arith.cmpi ne, %convert_element_type3A_205, %cond3A_206 : i32
      scf.if %cond3A_207 {
        %mul3A_208 = arith.constant 1 : i32
        %mul3A_209 = arith.muli %rem3A_140, %mul3A_208 : i32
        %add3A_210 = arith.constant 0 : i32
        %add3A_211 = arith.addi %mul3A_209, %add3A_210 : i32
        %dma_wait3A_212 = arith.constant 0 : i32
        %dma_wait3A_213 = arith.constant 0 : i32
        %dma_wait3A_214 = arith.constant 0 : i32
        %dma_wait3A_215 = tpu.memref_slice %arg9[%add3A_211, %dma_wait3A_214] : memref<3x80xi32, #tpu.memory_space<vmem>> -> memref<1x80xi32, #tpu.memory_space<vmem>>
        %dma_wait3A_216 = tpu.memref_squeeze %dma_wait3A_215 : memref<1x80xi32, #tpu.memory_space<vmem>> -> memref<80xi32, #tpu.memory_space<vmem>>
        %dma_wait3A_217 = arith.constant 0 : i32
        %dma_wait3A_218 = tpu.memref_slice %arg3[%dma_wait3A_212, %dma_wait3A_213, %dma_wait3A_217] : memref<32x125x80xi32, #tpu.memory_space<hbm>> -> memref<1x1x80xi32, #tpu.memory_space<hbm>>
        %dma_wait3A_219 = tpu.memref_squeeze %dma_wait3A_218 : memref<1x1x80xi32, #tpu.memory_space<hbm>> -> memref<80xi32, #tpu.memory_space<hbm>>
        %dma_wait3A_220 = tpu.memref_slice %arg15[%rem3A_140] : memref<3x!tpu.dma_semaphore, #tpu.memory_space<semaphore_mem>> -> memref<1x!tpu.dma_semaphore, #tpu.memory_space<semaphore_mem>>
        %dma_wait3A_221 = tpu.memref_squeeze %dma_wait3A_220 : memref<1x!tpu.dma_semaphore, #tpu.memory_space<semaphore_mem>> -> memref<!tpu.dma_semaphore, #tpu.memory_space<semaphore_mem>>
        %dma_wait3A_222 = arith.constant 0 : i32
        %dma_wait3A_223 = tpu.memref_slice %arg9[%add3A_211, %dma_wait3A_222] : memref<3x80xi32, #tpu.memory_space<vmem>> -> memref<1x80xi32, #tpu.memory_space<vmem>>
        %dma_wait3A_224 = tpu.memref_squeeze %dma_wait3A_223 : memref<1x80xi32, #tpu.memory_space<vmem>> -> memref<80xi32, #tpu.memory_space<vmem>>
        %dma_wait3A_225 = arith.constant 0 : i32
        %dma_wait3A_226 = tpu.memref_slice %arg3[%dma_wait3A_212, %dma_wait3A_213, %dma_wait3A_225] : memref<32x125x80xi32, #tpu.memory_space<hbm>> -> memref<1x1x80xi32, #tpu.memory_space<hbm>>
        %dma_wait3A_227 = tpu.memref_squeeze %dma_wait3A_226 : memref<1x1x80xi32, #tpu.memory_space<hbm>> -> memref<80xi32, #tpu.memory_space<hbm>>
        tpu.wait_dma2 semaphore(%dma_wait3A_221 : memref<!tpu.dma_semaphore, #tpu.memory_space<semaphore_mem>>) src(%dma_wait3A_227 : memref<80xi32, #tpu.memory_space<hbm>>) dst(%dma_wait3A_224 : memref<80xi32, #tpu.memory_space<vmem>>)
        %mul3A_228 = arith.constant 1 : i32
        %mul3A_229 = arith.muli %rem3A_140, %mul3A_228 : i32
        %add3A_230 = arith.constant 0 : i32
        %add3A_231 = arith.addi %mul3A_229, %add3A_230 : i32
        %dma_start3A_232 = arith.constant 0 : i32
        %dma_start3A_233 = arith.constant 0 : i32
        %dma_start3A_234 = arith.constant 0 : i32
        %dma_start3A_235 = tpu.memref_slice %arg11[%rem3A_140, %dma_start3A_232, %dma_start3A_233, %dma_start3A_234] : memref<3x1x80x128xf32, #tpu.memory_space<vmem>> -> memref<1x1x80x128xf32, #tpu.memory_space<vmem>>
        %dma_start3A_236 = tpu.memref_squeeze %dma_start3A_235 : memref<1x1x80x128xf32, #tpu.memory_space<vmem>> -> memref<80x128xf32, #tpu.memory_space<vmem>>
        %dma_start3A_237 = arith.constant 0 : i32
        %dma_start3A_238 = tpu.memref_slice %arg9[%add3A_231, %dma_start3A_237] : memref<3x80xi32, #tpu.memory_space<vmem>> -> memref<1x80xi32, #tpu.memory_space<vmem>>
        %dma_start3A_239 = tpu.memref_squeeze %dma_start3A_238 : memref<1x80xi32, #tpu.memory_space<vmem>> -> memref<80xi32, #tpu.memory_space<vmem>>
        %dma_start3A_240 = arith.constant 0 : i32
        %dma_start3A_241 = arith.constant 0 : i32
        %dma_start3A_242 = tpu.memref_slice %arg2[%dma_start3A_240, %dma_start3A_241] : memref<10000x128xf32, #tpu.memory_space<hbm>> -> memref<10000x128xf32, #tpu.memory_space<hbm>>
        %dma_start3A_243 = tpu.memref_slice %arg13[%rem3A_140] : memref<3x!tpu.dma_semaphore, #tpu.memory_space<semaphore_mem>> -> memref<1x!tpu.dma_semaphore, #tpu.memory_space<semaphore_mem>>
        %dma_start3A_244 = tpu.memref_squeeze %dma_start3A_243 : memref<1x!tpu.dma_semaphore, #tpu.memory_space<semaphore_mem>> -> memref<!tpu.dma_semaphore, #tpu.memory_space<semaphore_mem>>
        tpu.enqueue_indirect_dma source(%dma_start3A_242 : memref<10000x128xf32, #tpu.memory_space<hbm>>) target(%dma_start3A_236 : memref<80x128xf32, #tpu.memory_space<vmem>>) offsets(%dma_start3A_239 : memref<80xi32, #tpu.memory_space<vmem>>) semaphore(%dma_start3A_244 : memref<!tpu.dma_semaphore, #tpu.memory_space<semaphore_mem>>)
        %add3A_245 = arith.constant 1 : i32
        %add3A_246 = arith.addi %scan3A_135, %add3A_245 : i32
        %mul3A_247 = arith.constant 1 : i32
        %mul3A_248 = arith.muli %add3A_246, %mul3A_247 : i32
        %add3A_249 = arith.constant 0 : i32
        %add3A_250 = arith.addi %mul3A_248, %add3A_249 : i32
        %mul3A_251 = arith.constant 1 : i32
        %mul3A_252 = arith.muli %rem3A_140, %mul3A_251 : i32
        %add3A_253 = arith.constant 0 : i32
        %add3A_254 = arith.addi %mul3A_252, %add3A_253 : i32
        %dma_start3A_255 = arith.constant 0 : i32
        %dma_start3A_256 = tpu.memref_slice %arg10[%add3A_254, %dma_start3A_255] : memref<3x80xi32, #tpu.memory_space<vmem>> -> memref<1x80xi32, #tpu.memory_space<vmem>>
        %dma_start3A_257 = tpu.memref_squeeze %dma_start3A_256 : memref<1x80xi32, #tpu.memory_space<vmem>> -> memref<80xi32, #tpu.memory_space<vmem>>
        %dma_start3A_258 = arith.constant 0 : i32
        %dma_start3A_259 = tpu.memref_slice %arg4[%add3A, %add3A_250, %dma_start3A_258] : memref<32x125x80xi32, #tpu.memory_space<hbm>> -> memref<1x1x80xi32, #tpu.memory_space<hbm>>
        %dma_start3A_260 = tpu.memref_squeeze %dma_start3A_259 : memref<1x1x80xi32, #tpu.memory_space<hbm>> -> memref<80xi32, #tpu.memory_space<hbm>>
        %dma_start3A_261 = tpu.memref_slice %arg16[%rem3A_140] : memref<3x!tpu.dma_semaphore, #tpu.memory_space<semaphore_mem>> -> memref<1x!tpu.dma_semaphore, #tpu.memory_space<semaphore_mem>>
        %dma_start3A_262 = tpu.memref_squeeze %dma_start3A_261 : memref<1x!tpu.dma_semaphore, #tpu.memory_space<semaphore_mem>> -> memref<!tpu.dma_semaphore, #tpu.memory_space<semaphore_mem>>
        %dma_start3A_263 = arith.constant 0 : i32
        %dma_start3A_264 = tpu.memref_slice %arg10[%add3A_254, %dma_start3A_263] : memref<3x80xi32, #tpu.memory_space<vmem>> -> memref<1x80xi32, #tpu.memory_space<vmem>>
        %dma_start3A_265 = tpu.memref_squeeze %dma_start3A_264 : memref<1x80xi32, #tpu.memory_space<vmem>> -> memref<80xi32, #tpu.memory_space<vmem>>
        %dma_start3A_266 = arith.constant 0 : i32
        %dma_start3A_267 = tpu.memref_slice %arg4[%add3A, %add3A_250, %dma_start3A_266] : memref<32x125x80xi32, #tpu.memory_space<hbm>> -> memref<1x1x80xi32, #tpu.memory_space<hbm>>
        %dma_start3A_268 = tpu.memref_squeeze %dma_start3A_267 : memref<1x1x80xi32, #tpu.memory_space<hbm>> -> memref<80xi32, #tpu.memory_space<hbm>>
        tpu.enqueue_dma source(%dma_start3A_268 : memref<80xi32, #tpu.memory_space<hbm>>) target(%dma_start3A_265 : memref<80xi32, #tpu.memory_space<vmem>>) target_semaphore(%dma_start3A_262 : memref<!tpu.dma_semaphore, #tpu.memory_space<semaphore_mem>>)
        %add3A_269 = arith.constant 2 : i32
        %add3A_270 = arith.addi %scan3A_135, %add3A_269 : i32
        %lt3A_271 = arith.constant 125 : i32
        %lt3A_272 = arith.cmpi slt, %add3A_270, %lt3A_271 : i32
        %convert_element_type3A_273 = arith.extui %lt3A_272 : i1 to i32
        %cond3A_274 = arith.constant 0 : i32
        %cond3A_275 = arith.cmpi ne, %convert_element_type3A_273, %cond3A_274 : i32
        scf.if %cond3A_275 {
          %add3A_276 = arith.constant 2 : i32
          %add3A_277 = arith.addi %scan3A_135, %add3A_276 : i32
          %add3A_278 = arith.constant 2 : i32
          %add3A_279 = arith.addi %scan3A_135, %add3A_278 : i32
          %rem3A_280 = arith.constant 3 : i32
          %rem3A_281 = arith.remsi %add3A_279, %rem3A_280 : i32
          %mul3A_282 = arith.constant 1 : i32
          %mul3A_283 = arith.muli %add3A_277, %mul3A_282 : i32
          %add3A_284 = arith.constant 0 : i32
          %add3A_285 = arith.addi %mul3A_283, %add3A_284 : i32
          %mul3A_286 = arith.constant 1 : i32
          %mul3A_287 = arith.muli %rem3A_281, %mul3A_286 : i32
          %add3A_288 = arith.constant 0 : i32
          %add3A_289 = arith.addi %mul3A_287, %add3A_288 : i32
          %dma_start3A_290 = arith.constant 0 : i32
          %dma_start3A_291 = tpu.memref_slice %arg9[%add3A_289, %dma_start3A_290] : memref<3x80xi32, #tpu.memory_space<vmem>> -> memref<1x80xi32, #tpu.memory_space<vmem>>
          %dma_start3A_292 = tpu.memref_squeeze %dma_start3A_291 : memref<1x80xi32, #tpu.memory_space<vmem>> -> memref<80xi32, #tpu.memory_space<vmem>>
          %dma_start3A_293 = arith.constant 0 : i32
          %dma_start3A_294 = tpu.memref_slice %arg3[%add3A, %add3A_285, %dma_start3A_293] : memref<32x125x80xi32, #tpu.memory_space<hbm>> -> memref<1x1x80xi32, #tpu.memory_space<hbm>>
          %dma_start3A_295 = tpu.memref_squeeze %dma_start3A_294 : memref<1x1x80xi32, #tpu.memory_space<hbm>> -> memref<80xi32, #tpu.memory_space<hbm>>
          %dma_start3A_296 = tpu.memref_slice %arg15[%rem3A_281] : memref<3x!tpu.dma_semaphore, #tpu.memory_space<semaphore_mem>> -> memref<1x!tpu.dma_semaphore, #tpu.memory_space<semaphore_mem>>
          %dma_start3A_297 = tpu.memref_squeeze %dma_start3A_296 : memref<1x!tpu.dma_semaphore, #tpu.memory_space<semaphore_mem>> -> memref<!tpu.dma_semaphore, #tpu.memory_space<semaphore_mem>>
          %dma_start3A_298 = arith.constant 0 : i32
          %dma_start3A_299 = tpu.memref_slice %arg9[%add3A_289, %dma_start3A_298] : memref<3x80xi32, #tpu.memory_space<vmem>> -> memref<1x80xi32, #tpu.memory_space<vmem>>
          %dma_start3A_300 = tpu.memref_squeeze %dma_start3A_299 : memref<1x80xi32, #tpu.memory_space<vmem>> -> memref<80xi32, #tpu.memory_space<vmem>>
          %dma_start3A_301 = arith.constant 0 : i32
          %dma_start3A_302 = tpu.memref_slice %arg3[%add3A, %add3A_285, %dma_start3A_301] : memref<32x125x80xi32, #tpu.memory_space<hbm>> -> memref<1x1x80xi32, #tpu.memory_space<hbm>>
          %dma_start3A_303 = tpu.memref_squeeze %dma_start3A_302 : memref<1x1x80xi32, #tpu.memory_space<hbm>> -> memref<80xi32, #tpu.memory_space<hbm>>
          tpu.enqueue_dma source(%dma_start3A_303 : memref<80xi32, #tpu.memory_space<hbm>>) target(%dma_start3A_300 : memref<80xi32, #tpu.memory_space<vmem>>) target_semaphore(%dma_start3A_297 : memref<!tpu.dma_semaphore, #tpu.memory_space<semaphore_mem>>)
        } else {
        }
      } else {
      }
    }
    %scan3A_90 = arith.constant 125 : i32
    %dma_wait3A_91 = arith.constant 1 : i32
    %dma_wait3A_92 = arith.constant 0 : i32
    %dma_wait3A_93 = arith.constant 1 : i32
    %dma_wait3A_94 = arith.constant 0 : i32
    %dma_wait3A_95 = arith.constant 0 : i32
    %dma_wait3A_96 = tpu.memref_slice %arg11[%dma_wait3A_91, %dma_wait3A_92, %dma_wait3A_94, %dma_wait3A_95] : memref<3x1x80x128xf32, #tpu.memory_space<vmem>> -> memref<1x1x80x128xf32, #tpu.memory_space<vmem>>
    %dma_wait3A_97 = tpu.memref_squeeze %dma_wait3A_96 : memref<1x1x80x128xf32, #tpu.memory_space<vmem>> -> memref<80x128xf32, #tpu.memory_space<vmem>>
    %dma_wait3A_98 = arith.constant 0 : i32
    %dma_wait3A_99 = arith.constant 0 : i32
    %dma_wait3A_100 = tpu.memref_slice %arg5[%dma_wait3A_98, %dma_wait3A_99] : memref<10000x128xf32, #tpu.memory_space<hbm>> -> memref<80x128xf32, #tpu.memory_space<hbm>>
    %dma_wait3A_101 = tpu.memref_slice %arg14[%dma_wait3A_93] : memref<3x!tpu.dma_semaphore, #tpu.memory_space<semaphore_mem>> -> memref<1x!tpu.dma_semaphore, #tpu.memory_space<semaphore_mem>>
    %dma_wait3A_102 = tpu.memref_squeeze %dma_wait3A_101 : memref<1x!tpu.dma_semaphore, #tpu.memory_space<semaphore_mem>> -> memref<!tpu.dma_semaphore, #tpu.memory_space<semaphore_mem>>
    %dma_wait3A_103 = arith.constant 0 : i32
    %dma_wait3A_104 = arith.constant 0 : i32
    %dma_wait3A_105 = tpu.memref_slice %arg11[%dma_wait3A_91, %dma_wait3A_92, %dma_wait3A_103, %dma_wait3A_104] : memref<3x1x80x128xf32, #tpu.memory_space<vmem>> -> memref<1x1x80x128xf32, #tpu.memory_space<vmem>>
    %dma_wait3A_106 = tpu.memref_squeeze %dma_wait3A_105 : memref<1x1x80x128xf32, #tpu.memory_space<vmem>> -> memref<80x128xf32, #tpu.memory_space<vmem>>
    %dma_wait3A_107 = arith.constant 0 : i32
    %dma_wait3A_108 = arith.constant 0 : i32
    %dma_wait3A_109 = tpu.memref_slice %arg5[%dma_wait3A_107, %dma_wait3A_108] : memref<10000x128xf32, #tpu.memory_space<hbm>> -> memref<80x128xf32, #tpu.memory_space<hbm>>
    tpu.wait_dma2 semaphore(%dma_wait3A_102 : memref<!tpu.dma_semaphore, #tpu.memory_space<semaphore_mem>>) src(%dma_wait3A_109 : memref<80x128xf32, #tpu.memory_space<hbm>>) dst(%dma_wait3A_106 : memref<80x128xf32, #tpu.memory_space<vmem>>)
    %dma_wait3A_110 = arith.constant 0 : i32
    %dma_wait3A_111 = arith.constant 0 : i32
    %dma_wait3A_112 = arith.constant 0 : i32
    %dma_wait3A_113 = arith.constant 0 : i32
    %dma_wait3A_114 = arith.constant 0 : i32
    %dma_wait3A_115 = tpu.memref_slice %arg11[%dma_wait3A_110, %dma_wait3A_111, %dma_wait3A_113, %dma_wait3A_114] : memref<3x1x80x128xf32, #tpu.memory_space<vmem>> -> memref<1x1x80x128xf32, #tpu.memory_space<vmem>>
    %dma_wait3A_116 = tpu.memref_squeeze %dma_wait3A_115 : memref<1x1x80x128xf32, #tpu.memory_space<vmem>> -> memref<80x128xf32, #tpu.memory_space<vmem>>
    %dma_wait3A_117 = arith.constant 0 : i32
    %dma_wait3A_118 = arith.constant 0 : i32
    %dma_wait3A_119 = tpu.memref_slice %arg5[%dma_wait3A_117, %dma_wait3A_118] : memref<10000x128xf32, #tpu.memory_space<hbm>> -> memref<80x128xf32, #tpu.memory_space<hbm>>
    %dma_wait3A_120 = tpu.memref_slice %arg14[%dma_wait3A_112] : memref<3x!tpu.dma_semaphore, #tpu.memory_space<semaphore_mem>> -> memref<1x!tpu.dma_semaphore, #tpu.memory_space<semaphore_mem>>
    %dma_wait3A_121 = tpu.memref_squeeze %dma_wait3A_120 : memref<1x!tpu.dma_semaphore, #tpu.memory_space<semaphore_mem>> -> memref<!tpu.dma_semaphore, #tpu.memory_space<semaphore_mem>>
    %dma_wait3A_122 = arith.constant 0 : i32
    %dma_wait3A_123 = arith.constant 0 : i32
    %dma_wait3A_124 = tpu.memref_slice %arg11[%dma_wait3A_110, %dma_wait3A_111, %dma_wait3A_122, %dma_wait3A_123] : memref<3x1x80x128xf32, #tpu.memory_space<vmem>> -> memref<1x1x80x128xf32, #tpu.memory_space<vmem>>
    %dma_wait3A_125 = tpu.memref_squeeze %dma_wait3A_124 : memref<1x1x80x128xf32, #tpu.memory_space<vmem>> -> memref<80x128xf32, #tpu.memory_space<vmem>>
    %dma_wait3A_126 = arith.constant 0 : i32
    %dma_wait3A_127 = arith.constant 0 : i32
    %dma_wait3A_128 = tpu.memref_slice %arg5[%dma_wait3A_126, %dma_wait3A_127] : memref<10000x128xf32, #tpu.memory_space<hbm>> -> memref<80x128xf32, #tpu.memory_space<hbm>>
    tpu.wait_dma2 semaphore(%dma_wait3A_121 : memref<!tpu.dma_semaphore, #tpu.memory_space<semaphore_mem>>) src(%dma_wait3A_128 : memref<80x128xf32, #tpu.memory_space<hbm>>) dst(%dma_wait3A_125 : memref<80x128xf32, #tpu.memory_space<vmem>>)
    %barrier3A_129 = arith.constant 0 : index
    tpu.barrier barrier_id(%barrier3A_129)
    %lt3A_130 = arith.constant 10 : i32
    %lt3A_131 = arith.cmpi slt, %arg1, %lt3A_130 : i32
    %convert_element_type3A_132 = arith.extui %lt3A_131 : i1 to i32
    %cond3A_133 = arith.constant 0 : i32
    %cond3A_134 = arith.cmpi ne, %convert_element_type3A_132, %cond3A_133 : i32
    scf.if %cond3A_134 {
      %mul3A_135 = arith.constant 1000 : i32
      %mul3A_136 = arith.muli %arg1, %mul3A_135 : i32
      %mul3A_137 = arith.constant 1000 : i32
      %mul3A_138 = arith.muli %arg1, %mul3A_137 : i32
      "tpu.region"() ({
        %run_scoped3A = tpu.sem_alloc : memref<!tpu.dma_semaphore, #tpu.memory_space<semaphore_mem>>
        %dma_start3A_139 = arith.constant 0 : i32
        %dma_start3A_140 = tpu.memref_slice %arg7[%arg0, %mul3A_138, %dma_start3A_139] : memref<2x10000x128xf32, #tpu.memory_space<hbm>> -> memref<1x1000x128xf32, #tpu.memory_space<hbm>>
        %dma_start3A_141 = tpu.memref_squeeze %dma_start3A_140 : memref<1x1000x128xf32, #tpu.memory_space<hbm>> -> memref<1000x128xf32, #tpu.memory_space<hbm>>
        %dma_start3A_142 = arith.constant 0 : i32
        %dma_start3A_143 = tpu.memref_slice %arg12[%mul3A_136, %dma_start3A_142] : memref<10000x128xf32, #tpu.memory_space<vmem_shared>> -> memref<1000x128xf32, #tpu.memory_space<vmem_shared>>
        tpu.enqueue_dma source(%dma_start3A_143 : memref<1000x128xf32, #tpu.memory_space<vmem_shared>>) target(%dma_start3A_141 : memref<1000x128xf32, #tpu.memory_space<hbm>>) target_semaphore(%run_scoped3A : memref<!tpu.dma_semaphore, #tpu.memory_space<semaphore_mem>>)
        %dma_wait3A_144 = arith.constant 0 : i32
        %dma_wait3A_145 = tpu.memref_slice %arg7[%arg0, %mul3A_138, %dma_wait3A_144] : memref<2x10000x128xf32, #tpu.memory_space<hbm>> -> memref<1x1000x128xf32, #tpu.memory_space<hbm>>
        %dma_wait3A_146 = tpu.memref_squeeze %dma_wait3A_145 : memref<1x1000x128xf32, #tpu.memory_space<hbm>> -> memref<1000x128xf32, #tpu.memory_space<hbm>>
        %dma_wait3A_147 = arith.constant 0 : i32
        %dma_wait3A_148 = tpu.memref_slice %arg12[%mul3A_136, %dma_wait3A_147] : memref<10000x128xf32, #tpu.memory_space<vmem_shared>> -> memref<1000x128xf32, #tpu.memory_space<vmem_shared>>
        tpu.wait_dma2 semaphore(%run_scoped3A : memref<!tpu.dma_semaphore, #tpu.memory_space<semaphore_mem>>) src(%dma_wait3A_148 : memref<1000x128xf32, #tpu.memory_space<vmem_shared>>) dst(%dma_wait3A_146 : memref<1000x128xf32, #tpu.memory_space<hbm>>)
        tpu.yield
      }) : () -> ()
    } else {
    }
    return
  }
}

#map = affine_map<(d0, d1) -> (0, 0)>
#map1 = affine_map<(d0, d1) -> (0, 0, 0)>
module attributes {stable_mosaic.version = 14 : i64} {
  func.func @sc_sage_agg_cnt(%arg0: i32, %arg1: i32, %arg2: memref<10000x128xf32, #tpu.memory_space<hbm>>, %arg3: memref<32x125x80xi32, #tpu.memory_space<hbm>>, %arg4: memref<32x125x80xi32, #tpu.memory_space<hbm>>, %arg5: memref<10000x128xf32, #tpu.memory_space<hbm>>, %arg6: memref<80x128xf32, #tpu.memory_space<hbm>>, %arg7: memref<2x10000x128xf32, #tpu.memory_space<hbm>>, %arg8: memref<2x10000x128xf32, #tpu.memory_space<hbm>>, %arg9: memref<3x80xi32, #tpu.memory_space<vmem>>, %arg10: memref<3x80xi32, #tpu.memory_space<vmem>>, %arg11: memref<3x1x80x128xf32, #tpu.memory_space<vmem>>, %arg12: memref<10000x128xf32, #tpu.memory_space<vmem_shared>>, %arg13: memref<3x!tpu.dma_semaphore, #tpu.memory_space<semaphore_mem>>, %arg14: memref<3x!tpu.dma_semaphore, #tpu.memory_space<semaphore_mem>>, %arg15: memref<3x!tpu.dma_semaphore, #tpu.memory_space<semaphore_mem>>, %arg16: memref<3x!tpu.dma_semaphore, #tpu.memory_space<semaphore_mem>>, %arg17: memref<2x!tpu.dma_semaphore, #tpu.memory_space<semaphore_mem>>) attributes {dimension_semantics = [#tpu.dimension_semantics<core_parallel>, #tpu.dimension_semantics<subcore_parallel>], iteration_bounds = array<i64: 2, 16>, scalar_prefetch = 0 : i64, scratch_operands = 9 : i64, tpu.core_type = #tpu.core_type<sc_vector_subcore>, window_params = [{transform_indices = #map}, {transform_indices = #map1}, {transform_indices = #map1}, {transform_indices = #map}, {transform_indices = #map}, {transform_indices = #map1}, {transform_indices = #map1}]} {
    %mul3A = arith.constant 16 : i32
    %mul3A_0 = arith.muli %arg0, %mul3A : i32
    %add3A = arith.addi %mul3A_0, %arg1 : i32
    %lt3A = arith.constant 10 : i32
    %lt3A_1 = arith.cmpi slt, %arg1, %lt3A : i32
    %convert_element_type3A = arith.extui %lt3A_1 : i1 to i32
    %cond3A = arith.constant 0 : i32
    %cond3A_2 = arith.cmpi ne, %convert_element_type3A, %cond3A : i32
    scf.if %cond3A_2 {
      %mul3A_193 = arith.constant 1000 : i32
      %mul3A_194 = arith.muli %arg1, %mul3A_193 : i32
      %mul3A_195 = arith.constant 1000 : i32
      %mul3A_196 = arith.muli %arg1, %mul3A_195 : i32
      "tpu.region"() ({
        %run_scoped3A_197 = tpu.sem_alloc : memref<!tpu.dma_semaphore, #tpu.memory_space<semaphore_mem>>
        %dma_start3A_198 = arith.constant 0 : i32
        %dma_start3A_199 = tpu.memref_slice %arg12[%mul3A_196, %dma_start3A_198] : memref<10000x128xf32, #tpu.memory_space<vmem_shared>> -> memref<1000x128xf32, #tpu.memory_space<vmem_shared>>
        %dma_start3A_200 = arith.constant 0 : i32
        %dma_start3A_201 = tpu.memref_slice %arg5[%mul3A_194, %dma_start3A_200] : memref<10000x128xf32, #tpu.memory_space<hbm>> -> memref<1000x128xf32, #tpu.memory_space<hbm>>
        tpu.enqueue_dma source(%dma_start3A_201 : memref<1000x128xf32, #tpu.memory_space<hbm>>) target(%dma_start3A_199 : memref<1000x128xf32, #tpu.memory_space<vmem_shared>>) target_semaphore(%run_scoped3A_197 : memref<!tpu.dma_semaphore, #tpu.memory_space<semaphore_mem>>)
        %dma_wait3A_202 = arith.constant 0 : i32
        %dma_wait3A_203 = tpu.memref_slice %arg12[%mul3A_196, %dma_wait3A_202] : memref<10000x128xf32, #tpu.memory_space<vmem_shared>> -> memref<1000x128xf32, #tpu.memory_space<vmem_shared>>
        %dma_wait3A_204 = arith.constant 0 : i32
        %dma_wait3A_205 = tpu.memref_slice %arg5[%mul3A_194, %dma_wait3A_204] : memref<10000x128xf32, #tpu.memory_space<hbm>> -> memref<1000x128xf32, #tpu.memory_space<hbm>>
        tpu.wait_dma2 semaphore(%run_scoped3A_197 : memref<!tpu.dma_semaphore, #tpu.memory_space<semaphore_mem>>) src(%dma_wait3A_205 : memref<1000x128xf32, #tpu.memory_space<hbm>>) dst(%dma_wait3A_203 : memref<1000x128xf32, #tpu.memory_space<vmem_shared>>)
        tpu.yield
      }) : () -> ()
    } else {
    }
    %run_scoped3A = arith.constant 0 : i32
    %run_scoped3A_3 = arith.constant 0 : i32
    "tpu.region"() ({
      %run_scoped3A_193 = tpu.sem_alloc : memref<!tpu.dma_semaphore, #tpu.memory_space<semaphore_mem>>
      %dma_start3A_194 = arith.constant 0 : i32
      %dma_start3A_195 = arith.constant 0 : i32
      %dma_start3A_196 = tpu.memref_slice %arg11[%run_scoped3A, %run_scoped3A_3, %dma_start3A_194, %dma_start3A_195] : memref<3x1x80x128xf32, #tpu.memory_space<vmem>> -> memref<1x1x80x128xf32, #tpu.memory_space<vmem>>
      %dma_start3A_197 = tpu.memref_squeeze %dma_start3A_196 : memref<1x1x80x128xf32, #tpu.memory_space<vmem>> -> memref<80x128xf32, #tpu.memory_space<vmem>>
      %dma_start3A_198 = arith.constant 0 : i32
      %dma_start3A_199 = arith.constant 0 : i32
      %dma_start3A_200 = tpu.memref_slice %arg11[%run_scoped3A, %run_scoped3A_3, %dma_start3A_198, %dma_start3A_199] : memref<3x1x80x128xf32, #tpu.memory_space<vmem>> -> memref<1x1x80x128xf32, #tpu.memory_space<vmem>>
      %dma_start3A_201 = tpu.memref_squeeze %dma_start3A_200 : memref<1x1x80x128xf32, #tpu.memory_space<vmem>> -> memref<80x128xf32, #tpu.memory_space<vmem>>
      tpu.enqueue_dma source(%arg6 : memref<80x128xf32, #tpu.memory_space<hbm>>) target(%dma_start3A_201 : memref<80x128xf32, #tpu.memory_space<vmem>>) target_semaphore(%run_scoped3A_193 : memref<!tpu.dma_semaphore, #tpu.memory_space<semaphore_mem>>)
      %dma_wait3A_202 = arith.constant 0 : i32
      %dma_wait3A_203 = arith.constant 0 : i32
      %dma_wait3A_204 = tpu.memref_slice %arg11[%run_scoped3A, %run_scoped3A_3, %dma_wait3A_202, %dma_wait3A_203] : memref<3x1x80x128xf32, #tpu.memory_space<vmem>> -> memref<1x1x80x128xf32, #tpu.memory_space<vmem>>
      %dma_wait3A_205 = tpu.memref_squeeze %dma_wait3A_204 : memref<1x1x80x128xf32, #tpu.memory_space<vmem>> -> memref<80x128xf32, #tpu.memory_space<vmem>>
      %dma_wait3A_206 = arith.constant 0 : i32
      %dma_wait3A_207 = arith.constant 0 : i32
      %dma_wait3A_208 = tpu.memref_slice %arg11[%run_scoped3A, %run_scoped3A_3, %dma_wait3A_206, %dma_wait3A_207] : memref<3x1x80x128xf32, #tpu.memory_space<vmem>> -> memref<1x1x80x128xf32, #tpu.memory_space<vmem>>
      %dma_wait3A_209 = tpu.memref_squeeze %dma_wait3A_208 : memref<1x1x80x128xf32, #tpu.memory_space<vmem>> -> memref<80x128xf32, #tpu.memory_space<vmem>>
      tpu.wait_dma2 semaphore(%run_scoped3A_193 : memref<!tpu.dma_semaphore, #tpu.memory_space<semaphore_mem>>) src(%arg6 : memref<80x128xf32, #tpu.memory_space<hbm>>) dst(%dma_wait3A_209 : memref<80x128xf32, #tpu.memory_space<vmem>>)
      tpu.yield
    }) : () -> ()
    %barrier3A = arith.constant 0 : index
    tpu.barrier barrier_id(%barrier3A)
    %dma_start3A = arith.constant 0 : i32
    %dma_start3A_4 = arith.constant 0 : i32
    %dma_start3A_5 = arith.constant 0 : i32
    %dma_start3A_6 = arith.constant 0 : i32
    %dma_start3A_7 = tpu.memref_slice %arg10[%dma_start3A_4, %dma_start3A_6] : memref<3x80xi32, #tpu.memory_space<vmem>> -> memref<1x80xi32, #tpu.memory_space<vmem>>
    %dma_start3A_8 = tpu.memref_squeeze %dma_start3A_7 : memref<1x80xi32, #tpu.memory_space<vmem>> -> memref<80xi32, #tpu.memory_space<vmem>>
    %dma_start3A_9 = arith.constant 0 : i32
    %dma_start3A_10 = tpu.memref_slice %arg4[%add3A, %dma_start3A, %dma_start3A_9] : memref<32x125x80xi32, #tpu.memory_space<hbm>> -> memref<1x1x80xi32, #tpu.memory_space<hbm>>
    %dma_start3A_11 = tpu.memref_squeeze %dma_start3A_10 : memref<1x1x80xi32, #tpu.memory_space<hbm>> -> memref<80xi32, #tpu.memory_space<hbm>>
    %dma_start3A_12 = tpu.memref_slice %arg16[%dma_start3A_5] : memref<3x!tpu.dma_semaphore, #tpu.memory_space<semaphore_mem>> -> memref<1x!tpu.dma_semaphore, #tpu.memory_space<semaphore_mem>>
    %dma_start3A_13 = tpu.memref_squeeze %dma_start3A_12 : memref<1x!tpu.dma_semaphore, #tpu.memory_space<semaphore_mem>> -> memref<!tpu.dma_semaphore, #tpu.memory_space<semaphore_mem>>
    %dma_start3A_14 = arith.constant 0 : i32
    %dma_start3A_15 = tpu.memref_slice %arg10[%dma_start3A_4, %dma_start3A_14] : memref<3x80xi32, #tpu.memory_space<vmem>> -> memref<1x80xi32, #tpu.memory_space<vmem>>
    %dma_start3A_16 = tpu.memref_squeeze %dma_start3A_15 : memref<1x80xi32, #tpu.memory_space<vmem>> -> memref<80xi32, #tpu.memory_space<vmem>>
    %dma_start3A_17 = arith.constant 0 : i32
    %dma_start3A_18 = tpu.memref_slice %arg4[%add3A, %dma_start3A, %dma_start3A_17] : memref<32x125x80xi32, #tpu.memory_space<hbm>> -> memref<1x1x80xi32, #tpu.memory_space<hbm>>
    %dma_start3A_19 = tpu.memref_squeeze %dma_start3A_18 : memref<1x1x80xi32, #tpu.memory_space<hbm>> -> memref<80xi32, #tpu.memory_space<hbm>>
    tpu.enqueue_dma source(%dma_start3A_19 : memref<80xi32, #tpu.memory_space<hbm>>) target(%dma_start3A_16 : memref<80xi32, #tpu.memory_space<vmem>>) target_semaphore(%dma_start3A_13 : memref<!tpu.dma_semaphore, #tpu.memory_space<semaphore_mem>>)
    %scan3A = arith.constant 0 : i32
    %scan3A_20 = arith.constant 0 : i32
    %scan3A_21 = arith.constant 0 : i32
    %scan3A_22 = arith.constant 0 : i32
    %scan3A_23 = arith.constant 125 : i32
    %scan3A_24 = arith.addi %scan3A_22, %scan3A_23 : i32
    %scan3A_25 = arith.constant 1 : i32
    scf.for %scan3A_193 = %scan3A_22 to %scan3A_24 step %scan3A_25  : i32 {
      %rem3A = arith.constant 2 : i32
      %rem3A_194 = arith.remsi %scan3A_193, %rem3A : i32
      %sub3A = arith.constant 1 : i32
      %sub3A_195 = arith.subi %sub3A, %rem3A_194 : i32
      %mul3A_196 = arith.constant 1 : i32
      %mul3A_197 = arith.muli %rem3A_194, %mul3A_196 : i32
      %add3A_198 = arith.constant 0 : i32
      %add3A_199 = arith.addi %mul3A_197, %add3A_198 : i32
      %dma_wait3A_200 = arith.constant 0 : i32
      %dma_wait3A_201 = arith.constant 0 : i32
      %dma_wait3A_202 = arith.constant 0 : i32
      %dma_wait3A_203 = tpu.memref_slice %arg10[%add3A_199, %dma_wait3A_202] : memref<3x80xi32, #tpu.memory_space<vmem>> -> memref<1x80xi32, #tpu.memory_space<vmem>>
      %dma_wait3A_204 = tpu.memref_squeeze %dma_wait3A_203 : memref<1x80xi32, #tpu.memory_space<vmem>> -> memref<80xi32, #tpu.memory_space<vmem>>
      %dma_wait3A_205 = arith.constant 0 : i32
      %dma_wait3A_206 = tpu.memref_slice %arg4[%dma_wait3A_200, %dma_wait3A_201, %dma_wait3A_205] : memref<32x125x80xi32, #tpu.memory_space<hbm>> -> memref<1x1x80xi32, #tpu.memory_space<hbm>>
      %dma_wait3A_207 = tpu.memref_squeeze %dma_wait3A_206 : memref<1x1x80xi32, #tpu.memory_space<hbm>> -> memref<80xi32, #tpu.memory_space<hbm>>
      %dma_wait3A_208 = tpu.memref_slice %arg16[%rem3A_194] : memref<3x!tpu.dma_semaphore, #tpu.memory_space<semaphore_mem>> -> memref<1x!tpu.dma_semaphore, #tpu.memory_space<semaphore_mem>>
      %dma_wait3A_209 = tpu.memref_squeeze %dma_wait3A_208 : memref<1x!tpu.dma_semaphore, #tpu.memory_space<semaphore_mem>> -> memref<!tpu.dma_semaphore, #tpu.memory_space<semaphore_mem>>
      %dma_wait3A_210 = arith.constant 0 : i32
      %dma_wait3A_211 = tpu.memref_slice %arg10[%add3A_199, %dma_wait3A_210] : memref<3x80xi32, #tpu.memory_space<vmem>> -> memref<1x80xi32, #tpu.memory_space<vmem>>
      %dma_wait3A_212 = tpu.memref_squeeze %dma_wait3A_211 : memref<1x80xi32, #tpu.memory_space<vmem>> -> memref<80xi32, #tpu.memory_space<vmem>>
      %dma_wait3A_213 = arith.constant 0 : i32
      %dma_wait3A_214 = tpu.memref_slice %arg4[%dma_wait3A_200, %dma_wait3A_201, %dma_wait3A_213] : memref<32x125x80xi32, #tpu.memory_space<hbm>> -> memref<1x1x80xi32, #tpu.memory_space<hbm>>
      %dma_wait3A_215 = tpu.memref_squeeze %dma_wait3A_214 : memref<1x1x80xi32, #tpu.memory_space<hbm>> -> memref<80xi32, #tpu.memory_space<hbm>>
      tpu.wait_dma2 semaphore(%dma_wait3A_209 : memref<!tpu.dma_semaphore, #tpu.memory_space<semaphore_mem>>) src(%dma_wait3A_215 : memref<80xi32, #tpu.memory_space<hbm>>) dst(%dma_wait3A_212 : memref<80xi32, #tpu.memory_space<vmem>>)
      %mul3A_216 = arith.constant 1 : i32
      %mul3A_217 = arith.muli %rem3A_194, %mul3A_216 : i32
      %add3A_218 = arith.constant 0 : i32
      %add3A_219 = arith.addi %mul3A_217, %add3A_218 : i32
      %dma_start3A_220 = arith.constant 0 : i32
      %dma_start3A_221 = arith.constant 0 : i32
      %dma_start3A_222 = tpu.memref_slice %arg11[%scan3A_20, %scan3A_21, %dma_start3A_220, %dma_start3A_221] : memref<3x1x80x128xf32, #tpu.memory_space<vmem>> -> memref<1x1x80x128xf32, #tpu.memory_space<vmem>>
      %dma_start3A_223 = tpu.memref_squeeze %dma_start3A_222 : memref<1x1x80x128xf32, #tpu.memory_space<vmem>> -> memref<80x128xf32, #tpu.memory_space<vmem>>
      %dma_start3A_224 = arith.constant 0 : i32
      %dma_start3A_225 = tpu.memref_slice %arg10[%add3A_219, %dma_start3A_224] : memref<3x80xi32, #tpu.memory_space<vmem>> -> memref<1x80xi32, #tpu.memory_space<vmem>>
      %dma_start3A_226 = tpu.memref_squeeze %dma_start3A_225 : memref<1x80xi32, #tpu.memory_space<vmem>> -> memref<80xi32, #tpu.memory_space<vmem>>
      %dma_start3A_227 = arith.constant 0 : i32
      %dma_start3A_228 = arith.constant 0 : i32
      %dma_start3A_229 = tpu.memref_slice %arg12[%dma_start3A_227, %dma_start3A_228] : memref<10000x128xf32, #tpu.memory_space<vmem_shared>> -> memref<10000x128xf32, #tpu.memory_space<vmem_shared>>
      %dma_start3A_230 = tpu.memref_slice %arg17[%rem3A_194] : memref<2x!tpu.dma_semaphore, #tpu.memory_space<semaphore_mem>> -> memref<1x!tpu.dma_semaphore, #tpu.memory_space<semaphore_mem>>
      %dma_start3A_231 = tpu.memref_squeeze %dma_start3A_230 : memref<1x!tpu.dma_semaphore, #tpu.memory_space<semaphore_mem>> -> memref<!tpu.dma_semaphore, #tpu.memory_space<semaphore_mem>>
      tpu.enqueue_indirect_dma source(%dma_start3A_223 : memref<80x128xf32, #tpu.memory_space<vmem>>) target(%dma_start3A_229 : memref<10000x128xf32, #tpu.memory_space<vmem_shared>>) offsets(%dma_start3A_226 : memref<80xi32, #tpu.memory_space<vmem>>) semaphore(%dma_start3A_231 : memref<!tpu.dma_semaphore, #tpu.memory_space<semaphore_mem>>) {add = true}
      %gt3A = arith.constant 0 : i32
      %gt3A_232 = arith.cmpi sgt, %scan3A_193, %gt3A : i32
      %convert_element_type3A_233 = arith.extui %gt3A_232 : i1 to i32
      %cond3A_234 = arith.constant 0 : i32
      %cond3A_235 = arith.cmpi ne, %convert_element_type3A_233, %cond3A_234 : i32
      scf.if %cond3A_235 {
        %dma_wait3A_243 = arith.constant 0 : i32
        %dma_wait3A_244 = arith.constant 0 : i32
        %dma_wait3A_245 = tpu.memref_slice %arg11[%scan3A_20, %scan3A_21, %dma_wait3A_243, %dma_wait3A_244] : memref<3x1x80x128xf32, #tpu.memory_space<vmem>> -> memref<1x1x80x128xf32, #tpu.memory_space<vmem>>
        %dma_wait3A_246 = tpu.memref_squeeze %dma_wait3A_245 : memref<1x1x80x128xf32, #tpu.memory_space<vmem>> -> memref<80x128xf32, #tpu.memory_space<vmem>>
        %dma_wait3A_247 = arith.constant 0 : i32
        %dma_wait3A_248 = arith.constant 0 : i32
        %dma_wait3A_249 = tpu.memref_slice %arg5[%dma_wait3A_247, %dma_wait3A_248] : memref<10000x128xf32, #tpu.memory_space<hbm>> -> memref<80x128xf32, #tpu.memory_space<hbm>>
        %dma_wait3A_250 = tpu.memref_slice %arg17[%sub3A_195] : memref<2x!tpu.dma_semaphore, #tpu.memory_space<semaphore_mem>> -> memref<1x!tpu.dma_semaphore, #tpu.memory_space<semaphore_mem>>
        %dma_wait3A_251 = tpu.memref_squeeze %dma_wait3A_250 : memref<1x!tpu.dma_semaphore, #tpu.memory_space<semaphore_mem>> -> memref<!tpu.dma_semaphore, #tpu.memory_space<semaphore_mem>>
        %dma_wait3A_252 = arith.constant 0 : i32
        %dma_wait3A_253 = arith.constant 0 : i32
        %dma_wait3A_254 = tpu.memref_slice %arg11[%scan3A_20, %scan3A_21, %dma_wait3A_252, %dma_wait3A_253] : memref<3x1x80x128xf32, #tpu.memory_space<vmem>> -> memref<1x1x80x128xf32, #tpu.memory_space<vmem>>
        %dma_wait3A_255 = tpu.memref_squeeze %dma_wait3A_254 : memref<1x1x80x128xf32, #tpu.memory_space<vmem>> -> memref<80x128xf32, #tpu.memory_space<vmem>>
        %dma_wait3A_256 = arith.constant 0 : i32
        %dma_wait3A_257 = arith.constant 0 : i32
        %dma_wait3A_258 = tpu.memref_slice %arg5[%dma_wait3A_256, %dma_wait3A_257] : memref<10000x128xf32, #tpu.memory_space<hbm>> -> memref<80x128xf32, #tpu.memory_space<hbm>>
        tpu.wait_dma2 semaphore(%dma_wait3A_251 : memref<!tpu.dma_semaphore, #tpu.memory_space<semaphore_mem>>) src(%dma_wait3A_258 : memref<80x128xf32, #tpu.memory_space<hbm>>) dst(%dma_wait3A_255 : memref<80x128xf32, #tpu.memory_space<vmem>>)
      } else {
      }
      %add3A_236 = arith.constant 1 : i32
      %add3A_237 = arith.addi %scan3A_193, %add3A_236 : i32
      %lt3A_238 = arith.constant 125 : i32
      %lt3A_239 = arith.cmpi slt, %add3A_237, %lt3A_238 : i32
      %convert_element_type3A_240 = arith.extui %lt3A_239 : i1 to i32
      %cond3A_241 = arith.constant 0 : i32
      %cond3A_242 = arith.cmpi ne, %convert_element_type3A_240, %cond3A_241 : i32
      scf.if %cond3A_242 {
        %add3A_243 = arith.constant 1 : i32
        %add3A_244 = arith.addi %scan3A_193, %add3A_243 : i32
        %mul3A_245 = arith.constant 1 : i32
        %mul3A_246 = arith.muli %add3A_244, %mul3A_245 : i32
        %add3A_247 = arith.constant 0 : i32
        %add3A_248 = arith.addi %mul3A_246, %add3A_247 : i32
        %mul3A_249 = arith.constant 1 : i32
        %mul3A_250 = arith.muli %sub3A_195, %mul3A_249 : i32
        %add3A_251 = arith.constant 0 : i32
        %add3A_252 = arith.addi %mul3A_250, %add3A_251 : i32
        %dma_start3A_253 = arith.constant 0 : i32
        %dma_start3A_254 = tpu.memref_slice %arg10[%add3A_252, %dma_start3A_253] : memref<3x80xi32, #tpu.memory_space<vmem>> -> memref<1x80xi32, #tpu.memory_space<vmem>>
        %dma_start3A_255 = tpu.memref_squeeze %dma_start3A_254 : memref<1x80xi32, #tpu.memory_space<vmem>> -> memref<80xi32, #tpu.memory_space<vmem>>
        %dma_start3A_256 = arith.constant 0 : i32
        %dma_start3A_257 = tpu.memref_slice %arg4[%add3A, %add3A_248, %dma_start3A_256] : memref<32x125x80xi32, #tpu.memory_space<hbm>> -> memref<1x1x80xi32, #tpu.memory_space<hbm>>
        %dma_start3A_258 = tpu.memref_squeeze %dma_start3A_257 : memref<1x1x80xi32, #tpu.memory_space<hbm>> -> memref<80xi32, #tpu.memory_space<hbm>>
        %dma_start3A_259 = tpu.memref_slice %arg16[%sub3A_195] : memref<3x!tpu.dma_semaphore, #tpu.memory_space<semaphore_mem>> -> memref<1x!tpu.dma_semaphore, #tpu.memory_space<semaphore_mem>>
        %dma_start3A_260 = tpu.memref_squeeze %dma_start3A_259 : memref<1x!tpu.dma_semaphore, #tpu.memory_space<semaphore_mem>> -> memref<!tpu.dma_semaphore, #tpu.memory_space<semaphore_mem>>
        %dma_start3A_261 = arith.constant 0 : i32
        %dma_start3A_262 = tpu.memref_slice %arg10[%add3A_252, %dma_start3A_261] : memref<3x80xi32, #tpu.memory_space<vmem>> -> memref<1x80xi32, #tpu.memory_space<vmem>>
        %dma_start3A_263 = tpu.memref_squeeze %dma_start3A_262 : memref<1x80xi32, #tpu.memory_space<vmem>> -> memref<80xi32, #tpu.memory_space<vmem>>
        %dma_start3A_264 = arith.constant 0 : i32
        %dma_start3A_265 = tpu.memref_slice %arg4[%add3A, %add3A_248, %dma_start3A_264] : memref<32x125x80xi32, #tpu.memory_space<hbm>> -> memref<1x1x80xi32, #tpu.memory_space<hbm>>
        %dma_start3A_266 = tpu.memref_squeeze %dma_start3A_265 : memref<1x1x80xi32, #tpu.memory_space<hbm>> -> memref<80xi32, #tpu.memory_space<hbm>>
        tpu.enqueue_dma source(%dma_start3A_266 : memref<80xi32, #tpu.memory_space<hbm>>) target(%dma_start3A_263 : memref<80xi32, #tpu.memory_space<vmem>>) target_semaphore(%dma_start3A_260 : memref<!tpu.dma_semaphore, #tpu.memory_space<semaphore_mem>>)
      } else {
      }
    }
    %scan3A_26 = arith.constant 125 : i32
    %dma_wait3A = arith.constant 0 : i32
    %dma_wait3A_27 = arith.constant 0 : i32
    %dma_wait3A_28 = arith.constant 0 : i32
    %dma_wait3A_29 = arith.constant 0 : i32
    %dma_wait3A_30 = arith.constant 0 : i32
    %dma_wait3A_31 = tpu.memref_slice %arg11[%dma_wait3A, %dma_wait3A_27, %dma_wait3A_29, %dma_wait3A_30] : memref<3x1x80x128xf32, #tpu.memory_space<vmem>> -> memref<1x1x80x128xf32, #tpu.memory_space<vmem>>
    %dma_wait3A_32 = tpu.memref_squeeze %dma_wait3A_31 : memref<1x1x80x128xf32, #tpu.memory_space<vmem>> -> memref<80x128xf32, #tpu.memory_space<vmem>>
    %dma_wait3A_33 = arith.constant 0 : i32
    %dma_wait3A_34 = arith.constant 0 : i32
    %dma_wait3A_35 = tpu.memref_slice %arg5[%dma_wait3A_33, %dma_wait3A_34] : memref<10000x128xf32, #tpu.memory_space<hbm>> -> memref<80x128xf32, #tpu.memory_space<hbm>>
    %dma_wait3A_36 = tpu.memref_slice %arg17[%dma_wait3A_28] : memref<2x!tpu.dma_semaphore, #tpu.memory_space<semaphore_mem>> -> memref<1x!tpu.dma_semaphore, #tpu.memory_space<semaphore_mem>>
    %dma_wait3A_37 = tpu.memref_squeeze %dma_wait3A_36 : memref<1x!tpu.dma_semaphore, #tpu.memory_space<semaphore_mem>> -> memref<!tpu.dma_semaphore, #tpu.memory_space<semaphore_mem>>
    %dma_wait3A_38 = arith.constant 0 : i32
    %dma_wait3A_39 = arith.constant 0 : i32
    %dma_wait3A_40 = tpu.memref_slice %arg11[%dma_wait3A, %dma_wait3A_27, %dma_wait3A_38, %dma_wait3A_39] : memref<3x1x80x128xf32, #tpu.memory_space<vmem>> -> memref<1x1x80x128xf32, #tpu.memory_space<vmem>>
    %dma_wait3A_41 = tpu.memref_squeeze %dma_wait3A_40 : memref<1x1x80x128xf32, #tpu.memory_space<vmem>> -> memref<80x128xf32, #tpu.memory_space<vmem>>
    %dma_wait3A_42 = arith.constant 0 : i32
    %dma_wait3A_43 = arith.constant 0 : i32
    %dma_wait3A_44 = tpu.memref_slice %arg5[%dma_wait3A_42, %dma_wait3A_43] : memref<10000x128xf32, #tpu.memory_space<hbm>> -> memref<80x128xf32, #tpu.memory_space<hbm>>
    tpu.wait_dma2 semaphore(%dma_wait3A_37 : memref<!tpu.dma_semaphore, #tpu.memory_space<semaphore_mem>>) src(%dma_wait3A_44 : memref<80x128xf32, #tpu.memory_space<hbm>>) dst(%dma_wait3A_41 : memref<80x128xf32, #tpu.memory_space<vmem>>)
    %barrier3A_45 = arith.constant 0 : index
    tpu.barrier barrier_id(%barrier3A_45)
    %lt3A_46 = arith.constant 10 : i32
    %lt3A_47 = arith.cmpi slt, %arg1, %lt3A_46 : i32
    %convert_element_type3A_48 = arith.extui %lt3A_47 : i1 to i32
    %cond3A_49 = arith.constant 0 : i32
    %cond3A_50 = arith.cmpi ne, %convert_element_type3A_48, %cond3A_49 : i32
    scf.if %cond3A_50 {
      %mul3A_193 = arith.constant 1000 : i32
      %mul3A_194 = arith.muli %arg1, %mul3A_193 : i32
      %mul3A_195 = arith.constant 1000 : i32
      %mul3A_196 = arith.muli %arg1, %mul3A_195 : i32
      "tpu.region"() ({
        %run_scoped3A_197 = tpu.sem_alloc : memref<!tpu.dma_semaphore, #tpu.memory_space<semaphore_mem>>
        %dma_start3A_198 = arith.constant 0 : i32
        %dma_start3A_199 = tpu.memref_slice %arg8[%arg0, %mul3A_196, %dma_start3A_198] : memref<2x10000x128xf32, #tpu.memory_space<hbm>> -> memref<1x1000x128xf32, #tpu.memory_space<hbm>>
        %dma_start3A_200 = tpu.memref_squeeze %dma_start3A_199 : memref<1x1000x128xf32, #tpu.memory_space<hbm>> -> memref<1000x128xf32, #tpu.memory_space<hbm>>
        %dma_start3A_201 = arith.constant 0 : i32
        %dma_start3A_202 = tpu.memref_slice %arg12[%mul3A_194, %dma_start3A_201] : memref<10000x128xf32, #tpu.memory_space<vmem_shared>> -> memref<1000x128xf32, #tpu.memory_space<vmem_shared>>
        tpu.enqueue_dma source(%dma_start3A_202 : memref<1000x128xf32, #tpu.memory_space<vmem_shared>>) target(%dma_start3A_200 : memref<1000x128xf32, #tpu.memory_space<hbm>>) target_semaphore(%run_scoped3A_197 : memref<!tpu.dma_semaphore, #tpu.memory_space<semaphore_mem>>)
        %dma_wait3A_203 = arith.constant 0 : i32
        %dma_wait3A_204 = tpu.memref_slice %arg8[%arg0, %mul3A_196, %dma_wait3A_203] : memref<2x10000x128xf32, #tpu.memory_space<hbm>> -> memref<1x1000x128xf32, #tpu.memory_space<hbm>>
        %dma_wait3A_205 = tpu.memref_squeeze %dma_wait3A_204 : memref<1x1000x128xf32, #tpu.memory_space<hbm>> -> memref<1000x128xf32, #tpu.memory_space<hbm>>
        %dma_wait3A_206 = arith.constant 0 : i32
        %dma_wait3A_207 = tpu.memref_slice %arg12[%mul3A_194, %dma_wait3A_206] : memref<10000x128xf32, #tpu.memory_space<vmem_shared>> -> memref<1000x128xf32, #tpu.memory_space<vmem_shared>>
        tpu.wait_dma2 semaphore(%run_scoped3A_197 : memref<!tpu.dma_semaphore, #tpu.memory_space<semaphore_mem>>) src(%dma_wait3A_207 : memref<1000x128xf32, #tpu.memory_space<vmem_shared>>) dst(%dma_wait3A_205 : memref<1000x128xf32, #tpu.memory_space<hbm>>)
        tpu.yield
      }) : () -> ()
    } else {
    }
    %barrier3A_51 = arith.constant 0 : index
    tpu.barrier barrier_id(%barrier3A_51)
    %lt3A_52 = arith.constant 10 : i32
    %lt3A_53 = arith.cmpi slt, %arg1, %lt3A_52 : i32
    %convert_element_type3A_54 = arith.extui %lt3A_53 : i1 to i32
    %cond3A_55 = arith.constant 0 : i32
    %cond3A_56 = arith.cmpi ne, %convert_element_type3A_54, %cond3A_55 : i32
    scf.if %cond3A_56 {
      %mul3A_193 = arith.constant 1000 : i32
      %mul3A_194 = arith.muli %arg1, %mul3A_193 : i32
      %mul3A_195 = arith.constant 1000 : i32
      %mul3A_196 = arith.muli %arg1, %mul3A_195 : i32
      "tpu.region"() ({
        %run_scoped3A_197 = tpu.sem_alloc : memref<!tpu.dma_semaphore, #tpu.memory_space<semaphore_mem>>
        %dma_start3A_198 = arith.constant 0 : i32
        %dma_start3A_199 = tpu.memref_slice %arg12[%mul3A_196, %dma_start3A_198] : memref<10000x128xf32, #tpu.memory_space<vmem_shared>> -> memref<1000x128xf32, #tpu.memory_space<vmem_shared>>
        %dma_start3A_200 = arith.constant 0 : i32
        %dma_start3A_201 = tpu.memref_slice %arg5[%mul3A_194, %dma_start3A_200] : memref<10000x128xf32, #tpu.memory_space<hbm>> -> memref<1000x128xf32, #tpu.memory_space<hbm>>
        tpu.enqueue_dma source(%dma_start3A_201 : memref<1000x128xf32, #tpu.memory_space<hbm>>) target(%dma_start3A_199 : memref<1000x128xf32, #tpu.memory_space<vmem_shared>>) target_semaphore(%run_scoped3A_197 : memref<!tpu.dma_semaphore, #tpu.memory_space<semaphore_mem>>)
        %dma_wait3A_202 = arith.constant 0 : i32
        %dma_wait3A_203 = tpu.memref_slice %arg12[%mul3A_196, %dma_wait3A_202] : memref<10000x128xf32, #tpu.memory_space<vmem_shared>> -> memref<1000x128xf32, #tpu.memory_space<vmem_shared>>
        %dma_wait3A_204 = arith.constant 0 : i32
        %dma_wait3A_205 = tpu.memref_slice %arg5[%mul3A_194, %dma_wait3A_204] : memref<10000x128xf32, #tpu.memory_space<hbm>> -> memref<1000x128xf32, #tpu.memory_space<hbm>>
        tpu.wait_dma2 semaphore(%run_scoped3A_197 : memref<!tpu.dma_semaphore, #tpu.memory_space<semaphore_mem>>) src(%dma_wait3A_205 : memref<1000x128xf32, #tpu.memory_space<hbm>>) dst(%dma_wait3A_203 : memref<1000x128xf32, #tpu.memory_space<vmem_shared>>)
        tpu.yield
      }) : () -> ()
    } else {
    }
    %barrier3A_57 = arith.constant 0 : index
    tpu.barrier barrier_id(%barrier3A_57)
    %dma_start3A_58 = arith.constant 0 : i32
    %dma_start3A_59 = arith.constant 0 : i32
    %dma_start3A_60 = arith.constant 0 : i32
    %dma_start3A_61 = arith.constant 0 : i32
    %dma_start3A_62 = tpu.memref_slice %arg9[%dma_start3A_59, %dma_start3A_61] : memref<3x80xi32, #tpu.memory_space<vmem>> -> memref<1x80xi32, #tpu.memory_space<vmem>>
    %dma_start3A_63 = tpu.memref_squeeze %dma_start3A_62 : memref<1x80xi32, #tpu.memory_space<vmem>> -> memref<80xi32, #tpu.memory_space<vmem>>
    %dma_start3A_64 = arith.constant 0 : i32
    %dma_start3A_65 = tpu.memref_slice %arg3[%add3A, %dma_start3A_58, %dma_start3A_64] : memref<32x125x80xi32, #tpu.memory_space<hbm>> -> memref<1x1x80xi32, #tpu.memory_space<hbm>>
    %dma_start3A_66 = tpu.memref_squeeze %dma_start3A_65 : memref<1x1x80xi32, #tpu.memory_space<hbm>> -> memref<80xi32, #tpu.memory_space<hbm>>
    %dma_start3A_67 = tpu.memref_slice %arg15[%dma_start3A_60] : memref<3x!tpu.dma_semaphore, #tpu.memory_space<semaphore_mem>> -> memref<1x!tpu.dma_semaphore, #tpu.memory_space<semaphore_mem>>
    %dma_start3A_68 = tpu.memref_squeeze %dma_start3A_67 : memref<1x!tpu.dma_semaphore, #tpu.memory_space<semaphore_mem>> -> memref<!tpu.dma_semaphore, #tpu.memory_space<semaphore_mem>>
    %dma_start3A_69 = arith.constant 0 : i32
    %dma_start3A_70 = tpu.memref_slice %arg9[%dma_start3A_59, %dma_start3A_69] : memref<3x80xi32, #tpu.memory_space<vmem>> -> memref<1x80xi32, #tpu.memory_space<vmem>>
    %dma_start3A_71 = tpu.memref_squeeze %dma_start3A_70 : memref<1x80xi32, #tpu.memory_space<vmem>> -> memref<80xi32, #tpu.memory_space<vmem>>
    %dma_start3A_72 = arith.constant 0 : i32
    %dma_start3A_73 = tpu.memref_slice %arg3[%add3A, %dma_start3A_58, %dma_start3A_72] : memref<32x125x80xi32, #tpu.memory_space<hbm>> -> memref<1x1x80xi32, #tpu.memory_space<hbm>>
    %dma_start3A_74 = tpu.memref_squeeze %dma_start3A_73 : memref<1x1x80xi32, #tpu.memory_space<hbm>> -> memref<80xi32, #tpu.memory_space<hbm>>
    tpu.enqueue_dma source(%dma_start3A_74 : memref<80xi32, #tpu.memory_space<hbm>>) target(%dma_start3A_71 : memref<80xi32, #tpu.memory_space<vmem>>) target_semaphore(%dma_start3A_68 : memref<!tpu.dma_semaphore, #tpu.memory_space<semaphore_mem>>)
    %dma_start3A_75 = arith.constant 1 : i32
    %dma_start3A_76 = arith.constant 1 : i32
    %dma_start3A_77 = arith.constant 1 : i32
    %dma_start3A_78 = arith.constant 0 : i32
    %dma_start3A_79 = tpu.memref_slice %arg9[%dma_start3A_76, %dma_start3A_78] : memref<3x80xi32, #tpu.memory_space<vmem>> -> memref<1x80xi32, #tpu.memory_space<vmem>>
    %dma_start3A_80 = tpu.memref_squeeze %dma_start3A_79 : memref<1x80xi32, #tpu.memory_space<vmem>> -> memref<80xi32, #tpu.memory_space<vmem>>
    %dma_start3A_81 = arith.constant 0 : i32
    %dma_start3A_82 = tpu.memref_slice %arg3[%add3A, %dma_start3A_75, %dma_start3A_81] : memref<32x125x80xi32, #tpu.memory_space<hbm>> -> memref<1x1x80xi32, #tpu.memory_space<hbm>>
    %dma_start3A_83 = tpu.memref_squeeze %dma_start3A_82 : memref<1x1x80xi32, #tpu.memory_space<hbm>> -> memref<80xi32, #tpu.memory_space<hbm>>
    %dma_start3A_84 = tpu.memref_slice %arg15[%dma_start3A_77] : memref<3x!tpu.dma_semaphore, #tpu.memory_space<semaphore_mem>> -> memref<1x!tpu.dma_semaphore, #tpu.memory_space<semaphore_mem>>
    %dma_start3A_85 = tpu.memref_squeeze %dma_start3A_84 : memref<1x!tpu.dma_semaphore, #tpu.memory_space<semaphore_mem>> -> memref<!tpu.dma_semaphore, #tpu.memory_space<semaphore_mem>>
    %dma_start3A_86 = arith.constant 0 : i32
    %dma_start3A_87 = tpu.memref_slice %arg9[%dma_start3A_76, %dma_start3A_86] : memref<3x80xi32, #tpu.memory_space<vmem>> -> memref<1x80xi32, #tpu.memory_space<vmem>>
    %dma_start3A_88 = tpu.memref_squeeze %dma_start3A_87 : memref<1x80xi32, #tpu.memory_space<vmem>> -> memref<80xi32, #tpu.memory_space<vmem>>
    %dma_start3A_89 = arith.constant 0 : i32
    %dma_start3A_90 = tpu.memref_slice %arg3[%add3A, %dma_start3A_75, %dma_start3A_89] : memref<32x125x80xi32, #tpu.memory_space<hbm>> -> memref<1x1x80xi32, #tpu.memory_space<hbm>>
    %dma_start3A_91 = tpu.memref_squeeze %dma_start3A_90 : memref<1x1x80xi32, #tpu.memory_space<hbm>> -> memref<80xi32, #tpu.memory_space<hbm>>
    tpu.enqueue_dma source(%dma_start3A_91 : memref<80xi32, #tpu.memory_space<hbm>>) target(%dma_start3A_88 : memref<80xi32, #tpu.memory_space<vmem>>) target_semaphore(%dma_start3A_85 : memref<!tpu.dma_semaphore, #tpu.memory_space<semaphore_mem>>)
    %dma_start3A_92 = arith.constant 0 : i32
    %dma_start3A_93 = arith.constant 0 : i32
    %dma_start3A_94 = arith.constant 0 : i32
    %dma_start3A_95 = arith.constant 0 : i32
    %dma_start3A_96 = tpu.memref_slice %arg10[%dma_start3A_93, %dma_start3A_95] : memref<3x80xi32, #tpu.memory_space<vmem>> -> memref<1x80xi32, #tpu.memory_space<vmem>>
    %dma_start3A_97 = tpu.memref_squeeze %dma_start3A_96 : memref<1x80xi32, #tpu.memory_space<vmem>> -> memref<80xi32, #tpu.memory_space<vmem>>
    %dma_start3A_98 = arith.constant 0 : i32
    %dma_start3A_99 = tpu.memref_slice %arg4[%add3A, %dma_start3A_92, %dma_start3A_98] : memref<32x125x80xi32, #tpu.memory_space<hbm>> -> memref<1x1x80xi32, #tpu.memory_space<hbm>>
    %dma_start3A_100 = tpu.memref_squeeze %dma_start3A_99 : memref<1x1x80xi32, #tpu.memory_space<hbm>> -> memref<80xi32, #tpu.memory_space<hbm>>
    %dma_start3A_101 = tpu.memref_slice %arg16[%dma_start3A_94] : memref<3x!tpu.dma_semaphore, #tpu.memory_space<semaphore_mem>> -> memref<1x!tpu.dma_semaphore, #tpu.memory_space<semaphore_mem>>
    %dma_start3A_102 = tpu.memref_squeeze %dma_start3A_101 : memref<1x!tpu.dma_semaphore, #tpu.memory_space<semaphore_mem>> -> memref<!tpu.dma_semaphore, #tpu.memory_space<semaphore_mem>>
    %dma_start3A_103 = arith.constant 0 : i32
    %dma_start3A_104 = tpu.memref_slice %arg10[%dma_start3A_93, %dma_start3A_103] : memref<3x80xi32, #tpu.memory_space<vmem>> -> memref<1x80xi32, #tpu.memory_space<vmem>>
    %dma_start3A_105 = tpu.memref_squeeze %dma_start3A_104 : memref<1x80xi32, #tpu.memory_space<vmem>> -> memref<80xi32, #tpu.memory_space<vmem>>
    %dma_start3A_106 = arith.constant 0 : i32
    %dma_start3A_107 = tpu.memref_slice %arg4[%add3A, %dma_start3A_92, %dma_start3A_106] : memref<32x125x80xi32, #tpu.memory_space<hbm>> -> memref<1x1x80xi32, #tpu.memory_space<hbm>>
    %dma_start3A_108 = tpu.memref_squeeze %dma_start3A_107 : memref<1x1x80xi32, #tpu.memory_space<hbm>> -> memref<80xi32, #tpu.memory_space<hbm>>
    tpu.enqueue_dma source(%dma_start3A_108 : memref<80xi32, #tpu.memory_space<hbm>>) target(%dma_start3A_105 : memref<80xi32, #tpu.memory_space<vmem>>) target_semaphore(%dma_start3A_102 : memref<!tpu.dma_semaphore, #tpu.memory_space<semaphore_mem>>)
    %dma_wait3A_109 = arith.constant 0 : i32
    %dma_wait3A_110 = arith.constant 0 : i32
    %dma_wait3A_111 = arith.constant 0 : i32
    %dma_wait3A_112 = arith.constant 0 : i32
    %dma_wait3A_113 = arith.constant 0 : i32
    %dma_wait3A_114 = tpu.memref_slice %arg9[%dma_wait3A_111, %dma_wait3A_113] : memref<3x80xi32, #tpu.memory_space<vmem>> -> memref<1x80xi32, #tpu.memory_space<vmem>>
    %dma_wait3A_115 = tpu.memref_squeeze %dma_wait3A_114 : memref<1x80xi32, #tpu.memory_space<vmem>> -> memref<80xi32, #tpu.memory_space<vmem>>
    %dma_wait3A_116 = arith.constant 0 : i32
    %dma_wait3A_117 = tpu.memref_slice %arg3[%dma_wait3A_109, %dma_wait3A_110, %dma_wait3A_116] : memref<32x125x80xi32, #tpu.memory_space<hbm>> -> memref<1x1x80xi32, #tpu.memory_space<hbm>>
    %dma_wait3A_118 = tpu.memref_squeeze %dma_wait3A_117 : memref<1x1x80xi32, #tpu.memory_space<hbm>> -> memref<80xi32, #tpu.memory_space<hbm>>
    %dma_wait3A_119 = tpu.memref_slice %arg15[%dma_wait3A_112] : memref<3x!tpu.dma_semaphore, #tpu.memory_space<semaphore_mem>> -> memref<1x!tpu.dma_semaphore, #tpu.memory_space<semaphore_mem>>
    %dma_wait3A_120 = tpu.memref_squeeze %dma_wait3A_119 : memref<1x!tpu.dma_semaphore, #tpu.memory_space<semaphore_mem>> -> memref<!tpu.dma_semaphore, #tpu.memory_space<semaphore_mem>>
    %dma_wait3A_121 = arith.constant 0 : i32
    %dma_wait3A_122 = tpu.memref_slice %arg9[%dma_wait3A_111, %dma_wait3A_121] : memref<3x80xi32, #tpu.memory_space<vmem>> -> memref<1x80xi32, #tpu.memory_space<vmem>>
    %dma_wait3A_123 = tpu.memref_squeeze %dma_wait3A_122 : memref<1x80xi32, #tpu.memory_space<vmem>> -> memref<80xi32, #tpu.memory_space<vmem>>
    %dma_wait3A_124 = arith.constant 0 : i32
    %dma_wait3A_125 = tpu.memref_slice %arg3[%dma_wait3A_109, %dma_wait3A_110, %dma_wait3A_124] : memref<32x125x80xi32, #tpu.memory_space<hbm>> -> memref<1x1x80xi32, #tpu.memory_space<hbm>>
    %dma_wait3A_126 = tpu.memref_squeeze %dma_wait3A_125 : memref<1x1x80xi32, #tpu.memory_space<hbm>> -> memref<80xi32, #tpu.memory_space<hbm>>
    tpu.wait_dma2 semaphore(%dma_wait3A_120 : memref<!tpu.dma_semaphore, #tpu.memory_space<semaphore_mem>>) src(%dma_wait3A_126 : memref<80xi32, #tpu.memory_space<hbm>>) dst(%dma_wait3A_123 : memref<80xi32, #tpu.memory_space<vmem>>)
    %dma_start3A_127 = arith.constant 0 : i32
    %dma_start3A_128 = arith.constant 0 : i32
    %dma_start3A_129 = arith.constant 0 : i32
    %dma_start3A_130 = arith.constant 0 : i32
    %dma_start3A_131 = arith.constant 0 : i32
    %dma_start3A_132 = arith.constant 0 : i32
    %dma_start3A_133 = tpu.memref_slice %arg11[%dma_start3A_128, %dma_start3A_129, %dma_start3A_131, %dma_start3A_132] : memref<3x1x80x128xf32, #tpu.memory_space<vmem>> -> memref<1x1x80x128xf32, #tpu.memory_space<vmem>>
    %dma_start3A_134 = tpu.memref_squeeze %dma_start3A_133 : memref<1x1x80x128xf32, #tpu.memory_space<vmem>> -> memref<80x128xf32, #tpu.memory_space<vmem>>
    %dma_start3A_135 = arith.constant 0 : i32
    %dma_start3A_136 = tpu.memref_slice %arg9[%dma_start3A_127, %dma_start3A_135] : memref<3x80xi32, #tpu.memory_space<vmem>> -> memref<1x80xi32, #tpu.memory_space<vmem>>
    %dma_start3A_137 = tpu.memref_squeeze %dma_start3A_136 : memref<1x80xi32, #tpu.memory_space<vmem>> -> memref<80xi32, #tpu.memory_space<vmem>>
    %dma_start3A_138 = arith.constant 0 : i32
    %dma_start3A_139 = arith.constant 0 : i32
    %dma_start3A_140 = tpu.memref_slice %arg2[%dma_start3A_138, %dma_start3A_139] : memref<10000x128xf32, #tpu.memory_space<hbm>> -> memref<10000x128xf32, #tpu.memory_space<hbm>>
    %dma_start3A_141 = tpu.memref_slice %arg13[%dma_start3A_130] : memref<3x!tpu.dma_semaphore, #tpu.memory_space<semaphore_mem>> -> memref<1x!tpu.dma_semaphore, #tpu.memory_space<semaphore_mem>>
    %dma_start3A_142 = tpu.memref_squeeze %dma_start3A_141 : memref<1x!tpu.dma_semaphore, #tpu.memory_space<semaphore_mem>> -> memref<!tpu.dma_semaphore, #tpu.memory_space<semaphore_mem>>
    tpu.enqueue_indirect_dma source(%dma_start3A_140 : memref<10000x128xf32, #tpu.memory_space<hbm>>) target(%dma_start3A_134 : memref<80x128xf32, #tpu.memory_space<vmem>>) offsets(%dma_start3A_137 : memref<80xi32, #tpu.memory_space<vmem>>) semaphore(%dma_start3A_142 : memref<!tpu.dma_semaphore, #tpu.memory_space<semaphore_mem>>)
    %scan3A_143 = arith.constant 0 : i32
    %scan3A_144 = arith.constant 0 : i32
    %scan3A_145 = arith.constant 125 : i32
    %scan3A_146 = arith.addi %scan3A_144, %scan3A_145 : i32
    %scan3A_147 = arith.constant 1 : i32
    scf.for %scan3A_193 = %scan3A_144 to %scan3A_146 step %scan3A_147  : i32 {
      %rem3A = arith.constant 3 : i32
      %rem3A_194 = arith.remsi %scan3A_193, %rem3A : i32
      %add3A_195 = arith.constant 1 : i32
      %add3A_196 = arith.addi %scan3A_193, %add3A_195 : i32
      %rem3A_197 = arith.constant 3 : i32
      %rem3A_198 = arith.remsi %add3A_196, %rem3A_197 : i32
      %dma_wait3A_199 = arith.constant 0 : i32
      %dma_wait3A_200 = arith.constant 0 : i32
      %dma_wait3A_201 = arith.constant 0 : i32
      %dma_wait3A_202 = tpu.memref_slice %arg11[%rem3A_194, %dma_wait3A_199, %dma_wait3A_200, %dma_wait3A_201] : memref<3x1x80x128xf32, #tpu.memory_space<vmem>> -> memref<1x1x80x128xf32, #tpu.memory_space<vmem>>
      %dma_wait3A_203 = tpu.memref_squeeze %dma_wait3A_202 : memref<1x1x80x128xf32, #tpu.memory_space<vmem>> -> memref<80x128xf32, #tpu.memory_space<vmem>>
      %dma_wait3A_204 = arith.constant 0 : i32
      %dma_wait3A_205 = arith.constant 0 : i32
      %dma_wait3A_206 = tpu.memref_slice %arg5[%dma_wait3A_204, %dma_wait3A_205] : memref<10000x128xf32, #tpu.memory_space<hbm>> -> memref<80x128xf32, #tpu.memory_space<hbm>>
      %dma_wait3A_207 = tpu.memref_slice %arg13[%rem3A_194] : memref<3x!tpu.dma_semaphore, #tpu.memory_space<semaphore_mem>> -> memref<1x!tpu.dma_semaphore, #tpu.memory_space<semaphore_mem>>
      %dma_wait3A_208 = tpu.memref_squeeze %dma_wait3A_207 : memref<1x!tpu.dma_semaphore, #tpu.memory_space<semaphore_mem>> -> memref<!tpu.dma_semaphore, #tpu.memory_space<semaphore_mem>>
      %dma_wait3A_209 = arith.constant 0 : i32
      %dma_wait3A_210 = arith.constant 0 : i32
      %dma_wait3A_211 = tpu.memref_slice %arg11[%rem3A_194, %dma_wait3A_199, %dma_wait3A_209, %dma_wait3A_210] : memref<3x1x80x128xf32, #tpu.memory_space<vmem>> -> memref<1x1x80x128xf32, #tpu.memory_space<vmem>>
      %dma_wait3A_212 = tpu.memref_squeeze %dma_wait3A_211 : memref<1x1x80x128xf32, #tpu.memory_space<vmem>> -> memref<80x128xf32, #tpu.memory_space<vmem>>
      %dma_wait3A_213 = arith.constant 0 : i32
      %dma_wait3A_214 = arith.constant 0 : i32
      %dma_wait3A_215 = tpu.memref_slice %arg5[%dma_wait3A_213, %dma_wait3A_214] : memref<10000x128xf32, #tpu.memory_space<hbm>> -> memref<80x128xf32, #tpu.memory_space<hbm>>
      tpu.wait_dma2 semaphore(%dma_wait3A_208 : memref<!tpu.dma_semaphore, #tpu.memory_space<semaphore_mem>>) src(%dma_wait3A_215 : memref<80x128xf32, #tpu.memory_space<hbm>>) dst(%dma_wait3A_212 : memref<80x128xf32, #tpu.memory_space<vmem>>)
      %add3A_216 = arith.constant 1 : i32
      %add3A_217 = arith.addi %scan3A_193, %add3A_216 : i32
      %ge3A = arith.constant 3 : i32
      %ge3A_218 = arith.cmpi sge, %add3A_217, %ge3A : i32
      %convert_element_type3A_219 = arith.extui %ge3A_218 : i1 to i32
      %cond3A_220 = arith.constant 0 : i32
      %cond3A_221 = arith.cmpi ne, %convert_element_type3A_219, %cond3A_220 : i32
      scf.if %cond3A_221 {
        %dma_wait3A_266 = arith.constant 0 : i32
        %dma_wait3A_267 = arith.constant 0 : i32
        %dma_wait3A_268 = arith.constant 0 : i32
        %dma_wait3A_269 = tpu.memref_slice %arg11[%rem3A_198, %dma_wait3A_266, %dma_wait3A_267, %dma_wait3A_268] : memref<3x1x80x128xf32, #tpu.memory_space<vmem>> -> memref<1x1x80x128xf32, #tpu.memory_space<vmem>>
        %dma_wait3A_270 = tpu.memref_squeeze %dma_wait3A_269 : memref<1x1x80x128xf32, #tpu.memory_space<vmem>> -> memref<80x128xf32, #tpu.memory_space<vmem>>
        %dma_wait3A_271 = arith.constant 0 : i32
        %dma_wait3A_272 = arith.constant 0 : i32
        %dma_wait3A_273 = tpu.memref_slice %arg5[%dma_wait3A_271, %dma_wait3A_272] : memref<10000x128xf32, #tpu.memory_space<hbm>> -> memref<80x128xf32, #tpu.memory_space<hbm>>
        %dma_wait3A_274 = tpu.memref_slice %arg14[%rem3A_198] : memref<3x!tpu.dma_semaphore, #tpu.memory_space<semaphore_mem>> -> memref<1x!tpu.dma_semaphore, #tpu.memory_space<semaphore_mem>>
        %dma_wait3A_275 = tpu.memref_squeeze %dma_wait3A_274 : memref<1x!tpu.dma_semaphore, #tpu.memory_space<semaphore_mem>> -> memref<!tpu.dma_semaphore, #tpu.memory_space<semaphore_mem>>
        %dma_wait3A_276 = arith.constant 0 : i32
        %dma_wait3A_277 = arith.constant 0 : i32
        %dma_wait3A_278 = tpu.memref_slice %arg11[%rem3A_198, %dma_wait3A_266, %dma_wait3A_276, %dma_wait3A_277] : memref<3x1x80x128xf32, #tpu.memory_space<vmem>> -> memref<1x1x80x128xf32, #tpu.memory_space<vmem>>
        %dma_wait3A_279 = tpu.memref_squeeze %dma_wait3A_278 : memref<1x1x80x128xf32, #tpu.memory_space<vmem>> -> memref<80x128xf32, #tpu.memory_space<vmem>>
        %dma_wait3A_280 = arith.constant 0 : i32
        %dma_wait3A_281 = arith.constant 0 : i32
        %dma_wait3A_282 = tpu.memref_slice %arg5[%dma_wait3A_280, %dma_wait3A_281] : memref<10000x128xf32, #tpu.memory_space<hbm>> -> memref<80x128xf32, #tpu.memory_space<hbm>>
        tpu.wait_dma2 semaphore(%dma_wait3A_275 : memref<!tpu.dma_semaphore, #tpu.memory_space<semaphore_mem>>) src(%dma_wait3A_282 : memref<80x128xf32, #tpu.memory_space<hbm>>) dst(%dma_wait3A_279 : memref<80x128xf32, #tpu.memory_space<vmem>>)
      } else {
      }
      %mul3A_222 = arith.constant 1 : i32
      %mul3A_223 = arith.muli %rem3A_194, %mul3A_222 : i32
      %add3A_224 = arith.constant 0 : i32
      %add3A_225 = arith.addi %mul3A_223, %add3A_224 : i32
      %dma_wait3A_226 = arith.constant 0 : i32
      %dma_wait3A_227 = arith.constant 0 : i32
      %dma_wait3A_228 = arith.constant 0 : i32
      %dma_wait3A_229 = tpu.memref_slice %arg10[%add3A_225, %dma_wait3A_228] : memref<3x80xi32, #tpu.memory_space<vmem>> -> memref<1x80xi32, #tpu.memory_space<vmem>>
      %dma_wait3A_230 = tpu.memref_squeeze %dma_wait3A_229 : memref<1x80xi32, #tpu.memory_space<vmem>> -> memref<80xi32, #tpu.memory_space<vmem>>
      %dma_wait3A_231 = arith.constant 0 : i32
      %dma_wait3A_232 = tpu.memref_slice %arg4[%dma_wait3A_226, %dma_wait3A_227, %dma_wait3A_231] : memref<32x125x80xi32, #tpu.memory_space<hbm>> -> memref<1x1x80xi32, #tpu.memory_space<hbm>>
      %dma_wait3A_233 = tpu.memref_squeeze %dma_wait3A_232 : memref<1x1x80xi32, #tpu.memory_space<hbm>> -> memref<80xi32, #tpu.memory_space<hbm>>
      %dma_wait3A_234 = tpu.memref_slice %arg16[%rem3A_194] : memref<3x!tpu.dma_semaphore, #tpu.memory_space<semaphore_mem>> -> memref<1x!tpu.dma_semaphore, #tpu.memory_space<semaphore_mem>>
      %dma_wait3A_235 = tpu.memref_squeeze %dma_wait3A_234 : memref<1x!tpu.dma_semaphore, #tpu.memory_space<semaphore_mem>> -> memref<!tpu.dma_semaphore, #tpu.memory_space<semaphore_mem>>
      %dma_wait3A_236 = arith.constant 0 : i32
      %dma_wait3A_237 = tpu.memref_slice %arg10[%add3A_225, %dma_wait3A_236] : memref<3x80xi32, #tpu.memory_space<vmem>> -> memref<1x80xi32, #tpu.memory_space<vmem>>
      %dma_wait3A_238 = tpu.memref_squeeze %dma_wait3A_237 : memref<1x80xi32, #tpu.memory_space<vmem>> -> memref<80xi32, #tpu.memory_space<vmem>>
      %dma_wait3A_239 = arith.constant 0 : i32
      %dma_wait3A_240 = tpu.memref_slice %arg4[%dma_wait3A_226, %dma_wait3A_227, %dma_wait3A_239] : memref<32x125x80xi32, #tpu.memory_space<hbm>> -> memref<1x1x80xi32, #tpu.memory_space<hbm>>
      %dma_wait3A_241 = tpu.memref_squeeze %dma_wait3A_240 : memref<1x1x80xi32, #tpu.memory_space<hbm>> -> memref<80xi32, #tpu.memory_space<hbm>>
      tpu.wait_dma2 semaphore(%dma_wait3A_235 : memref<!tpu.dma_semaphore, #tpu.memory_space<semaphore_mem>>) src(%dma_wait3A_241 : memref<80xi32, #tpu.memory_space<hbm>>) dst(%dma_wait3A_238 : memref<80xi32, #tpu.memory_space<vmem>>)
      %mul3A_242 = arith.constant 1 : i32
      %mul3A_243 = arith.muli %rem3A_194, %mul3A_242 : i32
      %add3A_244 = arith.constant 0 : i32
      %add3A_245 = arith.addi %mul3A_243, %add3A_244 : i32
      %dma_start3A_246 = arith.constant 0 : i32
      %dma_start3A_247 = arith.constant 0 : i32
      %dma_start3A_248 = arith.constant 0 : i32
      %dma_start3A_249 = tpu.memref_slice %arg11[%rem3A_194, %dma_start3A_246, %dma_start3A_247, %dma_start3A_248] : memref<3x1x80x128xf32, #tpu.memory_space<vmem>> -> memref<1x1x80x128xf32, #tpu.memory_space<vmem>>
      %dma_start3A_250 = tpu.memref_squeeze %dma_start3A_249 : memref<1x1x80x128xf32, #tpu.memory_space<vmem>> -> memref<80x128xf32, #tpu.memory_space<vmem>>
      %dma_start3A_251 = arith.constant 0 : i32
      %dma_start3A_252 = tpu.memref_slice %arg10[%add3A_245, %dma_start3A_251] : memref<3x80xi32, #tpu.memory_space<vmem>> -> memref<1x80xi32, #tpu.memory_space<vmem>>
      %dma_start3A_253 = tpu.memref_squeeze %dma_start3A_252 : memref<1x80xi32, #tpu.memory_space<vmem>> -> memref<80xi32, #tpu.memory_space<vmem>>
      %dma_start3A_254 = arith.constant 0 : i32
      %dma_start3A_255 = arith.constant 0 : i32
      %dma_start3A_256 = tpu.memref_slice %arg12[%dma_start3A_254, %dma_start3A_255] : memref<10000x128xf32, #tpu.memory_space<vmem_shared>> -> memref<10000x128xf32, #tpu.memory_space<vmem_shared>>
      %dma_start3A_257 = tpu.memref_slice %arg14[%rem3A_194] : memref<3x!tpu.dma_semaphore, #tpu.memory_space<semaphore_mem>> -> memref<1x!tpu.dma_semaphore, #tpu.memory_space<semaphore_mem>>
      %dma_start3A_258 = tpu.memref_squeeze %dma_start3A_257 : memref<1x!tpu.dma_semaphore, #tpu.memory_space<semaphore_mem>> -> memref<!tpu.dma_semaphore, #tpu.memory_space<semaphore_mem>>
      tpu.enqueue_indirect_dma source(%dma_start3A_250 : memref<80x128xf32, #tpu.memory_space<vmem>>) target(%dma_start3A_256 : memref<10000x128xf32, #tpu.memory_space<vmem_shared>>) offsets(%dma_start3A_253 : memref<80xi32, #tpu.memory_space<vmem>>) semaphore(%dma_start3A_258 : memref<!tpu.dma_semaphore, #tpu.memory_space<semaphore_mem>>) {add = true}
      %add3A_259 = arith.constant 1 : i32
      %add3A_260 = arith.addi %scan3A_193, %add3A_259 : i32
      %lt3A_261 = arith.constant 125 : i32
      %lt3A_262 = arith.cmpi slt, %add3A_260, %lt3A_261 : i32
      %convert_element_type3A_263 = arith.extui %lt3A_262 : i1 to i32
      %cond3A_264 = arith.constant 0 : i32
      %cond3A_265 = arith.cmpi ne, %convert_element_type3A_263, %cond3A_264 : i32
      scf.if %cond3A_265 {
        %mul3A_266 = arith.constant 1 : i32
        %mul3A_267 = arith.muli %rem3A_198, %mul3A_266 : i32
        %add3A_268 = arith.constant 0 : i32
        %add3A_269 = arith.addi %mul3A_267, %add3A_268 : i32
        %dma_wait3A_270 = arith.constant 0 : i32
        %dma_wait3A_271 = arith.constant 0 : i32
        %dma_wait3A_272 = arith.constant 0 : i32
        %dma_wait3A_273 = tpu.memref_slice %arg9[%add3A_269, %dma_wait3A_272] : memref<3x80xi32, #tpu.memory_space<vmem>> -> memref<1x80xi32, #tpu.memory_space<vmem>>
        %dma_wait3A_274 = tpu.memref_squeeze %dma_wait3A_273 : memref<1x80xi32, #tpu.memory_space<vmem>> -> memref<80xi32, #tpu.memory_space<vmem>>
        %dma_wait3A_275 = arith.constant 0 : i32
        %dma_wait3A_276 = tpu.memref_slice %arg3[%dma_wait3A_270, %dma_wait3A_271, %dma_wait3A_275] : memref<32x125x80xi32, #tpu.memory_space<hbm>> -> memref<1x1x80xi32, #tpu.memory_space<hbm>>
        %dma_wait3A_277 = tpu.memref_squeeze %dma_wait3A_276 : memref<1x1x80xi32, #tpu.memory_space<hbm>> -> memref<80xi32, #tpu.memory_space<hbm>>
        %dma_wait3A_278 = tpu.memref_slice %arg15[%rem3A_198] : memref<3x!tpu.dma_semaphore, #tpu.memory_space<semaphore_mem>> -> memref<1x!tpu.dma_semaphore, #tpu.memory_space<semaphore_mem>>
        %dma_wait3A_279 = tpu.memref_squeeze %dma_wait3A_278 : memref<1x!tpu.dma_semaphore, #tpu.memory_space<semaphore_mem>> -> memref<!tpu.dma_semaphore, #tpu.memory_space<semaphore_mem>>
        %dma_wait3A_280 = arith.constant 0 : i32
        %dma_wait3A_281 = tpu.memref_slice %arg9[%add3A_269, %dma_wait3A_280] : memref<3x80xi32, #tpu.memory_space<vmem>> -> memref<1x80xi32, #tpu.memory_space<vmem>>
        %dma_wait3A_282 = tpu.memref_squeeze %dma_wait3A_281 : memref<1x80xi32, #tpu.memory_space<vmem>> -> memref<80xi32, #tpu.memory_space<vmem>>
        %dma_wait3A_283 = arith.constant 0 : i32
        %dma_wait3A_284 = tpu.memref_slice %arg3[%dma_wait3A_270, %dma_wait3A_271, %dma_wait3A_283] : memref<32x125x80xi32, #tpu.memory_space<hbm>> -> memref<1x1x80xi32, #tpu.memory_space<hbm>>
        %dma_wait3A_285 = tpu.memref_squeeze %dma_wait3A_284 : memref<1x1x80xi32, #tpu.memory_space<hbm>> -> memref<80xi32, #tpu.memory_space<hbm>>
        tpu.wait_dma2 semaphore(%dma_wait3A_279 : memref<!tpu.dma_semaphore, #tpu.memory_space<semaphore_mem>>) src(%dma_wait3A_285 : memref<80xi32, #tpu.memory_space<hbm>>) dst(%dma_wait3A_282 : memref<80xi32, #tpu.memory_space<vmem>>)
        %mul3A_286 = arith.constant 1 : i32
        %mul3A_287 = arith.muli %rem3A_198, %mul3A_286 : i32
        %add3A_288 = arith.constant 0 : i32
        %add3A_289 = arith.addi %mul3A_287, %add3A_288 : i32
        %dma_start3A_290 = arith.constant 0 : i32
        %dma_start3A_291 = arith.constant 0 : i32
        %dma_start3A_292 = arith.constant 0 : i32
        %dma_start3A_293 = tpu.memref_slice %arg11[%rem3A_198, %dma_start3A_290, %dma_start3A_291, %dma_start3A_292] : memref<3x1x80x128xf32, #tpu.memory_space<vmem>> -> memref<1x1x80x128xf32, #tpu.memory_space<vmem>>
        %dma_start3A_294 = tpu.memref_squeeze %dma_start3A_293 : memref<1x1x80x128xf32, #tpu.memory_space<vmem>> -> memref<80x128xf32, #tpu.memory_space<vmem>>
        %dma_start3A_295 = arith.constant 0 : i32
        %dma_start3A_296 = tpu.memref_slice %arg9[%add3A_289, %dma_start3A_295] : memref<3x80xi32, #tpu.memory_space<vmem>> -> memref<1x80xi32, #tpu.memory_space<vmem>>
        %dma_start3A_297 = tpu.memref_squeeze %dma_start3A_296 : memref<1x80xi32, #tpu.memory_space<vmem>> -> memref<80xi32, #tpu.memory_space<vmem>>
        %dma_start3A_298 = arith.constant 0 : i32
        %dma_start3A_299 = arith.constant 0 : i32
        %dma_start3A_300 = tpu.memref_slice %arg2[%dma_start3A_298, %dma_start3A_299] : memref<10000x128xf32, #tpu.memory_space<hbm>> -> memref<10000x128xf32, #tpu.memory_space<hbm>>
        %dma_start3A_301 = tpu.memref_slice %arg13[%rem3A_198] : memref<3x!tpu.dma_semaphore, #tpu.memory_space<semaphore_mem>> -> memref<1x!tpu.dma_semaphore, #tpu.memory_space<semaphore_mem>>
        %dma_start3A_302 = tpu.memref_squeeze %dma_start3A_301 : memref<1x!tpu.dma_semaphore, #tpu.memory_space<semaphore_mem>> -> memref<!tpu.dma_semaphore, #tpu.memory_space<semaphore_mem>>
        tpu.enqueue_indirect_dma source(%dma_start3A_300 : memref<10000x128xf32, #tpu.memory_space<hbm>>) target(%dma_start3A_294 : memref<80x128xf32, #tpu.memory_space<vmem>>) offsets(%dma_start3A_297 : memref<80xi32, #tpu.memory_space<vmem>>) semaphore(%dma_start3A_302 : memref<!tpu.dma_semaphore, #tpu.memory_space<semaphore_mem>>)
        %add3A_303 = arith.constant 1 : i32
        %add3A_304 = arith.addi %scan3A_193, %add3A_303 : i32
        %mul3A_305 = arith.constant 1 : i32
        %mul3A_306 = arith.muli %add3A_304, %mul3A_305 : i32
        %add3A_307 = arith.constant 0 : i32
        %add3A_308 = arith.addi %mul3A_306, %add3A_307 : i32
        %mul3A_309 = arith.constant 1 : i32
        %mul3A_310 = arith.muli %rem3A_198, %mul3A_309 : i32
        %add3A_311 = arith.constant 0 : i32
        %add3A_312 = arith.addi %mul3A_310, %add3A_311 : i32
        %dma_start3A_313 = arith.constant 0 : i32
        %dma_start3A_314 = tpu.memref_slice %arg10[%add3A_312, %dma_start3A_313] : memref<3x80xi32, #tpu.memory_space<vmem>> -> memref<1x80xi32, #tpu.memory_space<vmem>>
        %dma_start3A_315 = tpu.memref_squeeze %dma_start3A_314 : memref<1x80xi32, #tpu.memory_space<vmem>> -> memref<80xi32, #tpu.memory_space<vmem>>
        %dma_start3A_316 = arith.constant 0 : i32
        %dma_start3A_317 = tpu.memref_slice %arg4[%add3A, %add3A_308, %dma_start3A_316] : memref<32x125x80xi32, #tpu.memory_space<hbm>> -> memref<1x1x80xi32, #tpu.memory_space<hbm>>
        %dma_start3A_318 = tpu.memref_squeeze %dma_start3A_317 : memref<1x1x80xi32, #tpu.memory_space<hbm>> -> memref<80xi32, #tpu.memory_space<hbm>>
        %dma_start3A_319 = tpu.memref_slice %arg16[%rem3A_198] : memref<3x!tpu.dma_semaphore, #tpu.memory_space<semaphore_mem>> -> memref<1x!tpu.dma_semaphore, #tpu.memory_space<semaphore_mem>>
        %dma_start3A_320 = tpu.memref_squeeze %dma_start3A_319 : memref<1x!tpu.dma_semaphore, #tpu.memory_space<semaphore_mem>> -> memref<!tpu.dma_semaphore, #tpu.memory_space<semaphore_mem>>
        %dma_start3A_321 = arith.constant 0 : i32
        %dma_start3A_322 = tpu.memref_slice %arg10[%add3A_312, %dma_start3A_321] : memref<3x80xi32, #tpu.memory_space<vmem>> -> memref<1x80xi32, #tpu.memory_space<vmem>>
        %dma_start3A_323 = tpu.memref_squeeze %dma_start3A_322 : memref<1x80xi32, #tpu.memory_space<vmem>> -> memref<80xi32, #tpu.memory_space<vmem>>
        %dma_start3A_324 = arith.constant 0 : i32
        %dma_start3A_325 = tpu.memref_slice %arg4[%add3A, %add3A_308, %dma_start3A_324] : memref<32x125x80xi32, #tpu.memory_space<hbm>> -> memref<1x1x80xi32, #tpu.memory_space<hbm>>
        %dma_start3A_326 = tpu.memref_squeeze %dma_start3A_325 : memref<1x1x80xi32, #tpu.memory_space<hbm>> -> memref<80xi32, #tpu.memory_space<hbm>>
        tpu.enqueue_dma source(%dma_start3A_326 : memref<80xi32, #tpu.memory_space<hbm>>) target(%dma_start3A_323 : memref<80xi32, #tpu.memory_space<vmem>>) target_semaphore(%dma_start3A_320 : memref<!tpu.dma_semaphore, #tpu.memory_space<semaphore_mem>>)
        %add3A_327 = arith.constant 2 : i32
        %add3A_328 = arith.addi %scan3A_193, %add3A_327 : i32
        %lt3A_329 = arith.constant 125 : i32
        %lt3A_330 = arith.cmpi slt, %add3A_328, %lt3A_329 : i32
        %convert_element_type3A_331 = arith.extui %lt3A_330 : i1 to i32
        %cond3A_332 = arith.constant 0 : i32
        %cond3A_333 = arith.cmpi ne, %convert_element_type3A_331, %cond3A_332 : i32
        scf.if %cond3A_333 {
          %add3A_334 = arith.constant 2 : i32
          %add3A_335 = arith.addi %scan3A_193, %add3A_334 : i32
          %add3A_336 = arith.constant 2 : i32
          %add3A_337 = arith.addi %scan3A_193, %add3A_336 : i32
          %rem3A_338 = arith.constant 3 : i32
          %rem3A_339 = arith.remsi %add3A_337, %rem3A_338 : i32
          %mul3A_340 = arith.constant 1 : i32
          %mul3A_341 = arith.muli %add3A_335, %mul3A_340 : i32
          %add3A_342 = arith.constant 0 : i32
          %add3A_343 = arith.addi %mul3A_341, %add3A_342 : i32
          %mul3A_344 = arith.constant 1 : i32
          %mul3A_345 = arith.muli %rem3A_339, %mul3A_344 : i32
          %add3A_346 = arith.constant 0 : i32
          %add3A_347 = arith.addi %mul3A_345, %add3A_346 : i32
          %dma_start3A_348 = arith.constant 0 : i32
          %dma_start3A_349 = tpu.memref_slice %arg9[%add3A_347, %dma_start3A_348] : memref<3x80xi32, #tpu.memory_space<vmem>> -> memref<1x80xi32, #tpu.memory_space<vmem>>
          %dma_start3A_350 = tpu.memref_squeeze %dma_start3A_349 : memref<1x80xi32, #tpu.memory_space<vmem>> -> memref<80xi32, #tpu.memory_space<vmem>>
          %dma_start3A_351 = arith.constant 0 : i32
          %dma_start3A_352 = tpu.memref_slice %arg3[%add3A, %add3A_343, %dma_start3A_351] : memref<32x125x80xi32, #tpu.memory_space<hbm>> -> memref<1x1x80xi32, #tpu.memory_space<hbm>>
          %dma_start3A_353 = tpu.memref_squeeze %dma_start3A_352 : memref<1x1x80xi32, #tpu.memory_space<hbm>> -> memref<80xi32, #tpu.memory_space<hbm>>
          %dma_start3A_354 = tpu.memref_slice %arg15[%rem3A_339] : memref<3x!tpu.dma_semaphore, #tpu.memory_space<semaphore_mem>> -> memref<1x!tpu.dma_semaphore, #tpu.memory_space<semaphore_mem>>
          %dma_start3A_355 = tpu.memref_squeeze %dma_start3A_354 : memref<1x!tpu.dma_semaphore, #tpu.memory_space<semaphore_mem>> -> memref<!tpu.dma_semaphore, #tpu.memory_space<semaphore_mem>>
          %dma_start3A_356 = arith.constant 0 : i32
          %dma_start3A_357 = tpu.memref_slice %arg9[%add3A_347, %dma_start3A_356] : memref<3x80xi32, #tpu.memory_space<vmem>> -> memref<1x80xi32, #tpu.memory_space<vmem>>
          %dma_start3A_358 = tpu.memref_squeeze %dma_start3A_357 : memref<1x80xi32, #tpu.memory_space<vmem>> -> memref<80xi32, #tpu.memory_space<vmem>>
          %dma_start3A_359 = arith.constant 0 : i32
          %dma_start3A_360 = tpu.memref_slice %arg3[%add3A, %add3A_343, %dma_start3A_359] : memref<32x125x80xi32, #tpu.memory_space<hbm>> -> memref<1x1x80xi32, #tpu.memory_space<hbm>>
          %dma_start3A_361 = tpu.memref_squeeze %dma_start3A_360 : memref<1x1x80xi32, #tpu.memory_space<hbm>> -> memref<80xi32, #tpu.memory_space<hbm>>
          tpu.enqueue_dma source(%dma_start3A_361 : memref<80xi32, #tpu.memory_space<hbm>>) target(%dma_start3A_358 : memref<80xi32, #tpu.memory_space<vmem>>) target_semaphore(%dma_start3A_355 : memref<!tpu.dma_semaphore, #tpu.memory_space<semaphore_mem>>)
        } else {
        }
      } else {
      }
    }
    %scan3A_148 = arith.constant 125 : i32
    %dma_wait3A_149 = arith.constant 1 : i32
    %dma_wait3A_150 = arith.constant 0 : i32
    %dma_wait3A_151 = arith.constant 1 : i32
    %dma_wait3A_152 = arith.constant 0 : i32
    %dma_wait3A_153 = arith.constant 0 : i32
    %dma_wait3A_154 = tpu.memref_slice %arg11[%dma_wait3A_149, %dma_wait3A_150, %dma_wait3A_152, %dma_wait3A_153] : memref<3x1x80x128xf32, #tpu.memory_space<vmem>> -> memref<1x1x80x128xf32, #tpu.memory_space<vmem>>
    %dma_wait3A_155 = tpu.memref_squeeze %dma_wait3A_154 : memref<1x1x80x128xf32, #tpu.memory_space<vmem>> -> memref<80x128xf32, #tpu.memory_space<vmem>>
    %dma_wait3A_156 = arith.constant 0 : i32
    %dma_wait3A_157 = arith.constant 0 : i32
    %dma_wait3A_158 = tpu.memref_slice %arg5[%dma_wait3A_156, %dma_wait3A_157] : memref<10000x128xf32, #tpu.memory_space<hbm>> -> memref<80x128xf32, #tpu.memory_space<hbm>>
    %dma_wait3A_159 = tpu.memref_slice %arg14[%dma_wait3A_151] : memref<3x!tpu.dma_semaphore, #tpu.memory_space<semaphore_mem>> -> memref<1x!tpu.dma_semaphore, #tpu.memory_space<semaphore_mem>>
    %dma_wait3A_160 = tpu.memref_squeeze %dma_wait3A_159 : memref<1x!tpu.dma_semaphore, #tpu.memory_space<semaphore_mem>> -> memref<!tpu.dma_semaphore, #tpu.memory_space<semaphore_mem>>
    %dma_wait3A_161 = arith.constant 0 : i32
    %dma_wait3A_162 = arith.constant 0 : i32
    %dma_wait3A_163 = tpu.memref_slice %arg11[%dma_wait3A_149, %dma_wait3A_150, %dma_wait3A_161, %dma_wait3A_162] : memref<3x1x80x128xf32, #tpu.memory_space<vmem>> -> memref<1x1x80x128xf32, #tpu.memory_space<vmem>>
    %dma_wait3A_164 = tpu.memref_squeeze %dma_wait3A_163 : memref<1x1x80x128xf32, #tpu.memory_space<vmem>> -> memref<80x128xf32, #tpu.memory_space<vmem>>
    %dma_wait3A_165 = arith.constant 0 : i32
    %dma_wait3A_166 = arith.constant 0 : i32
    %dma_wait3A_167 = tpu.memref_slice %arg5[%dma_wait3A_165, %dma_wait3A_166] : memref<10000x128xf32, #tpu.memory_space<hbm>> -> memref<80x128xf32, #tpu.memory_space<hbm>>
    tpu.wait_dma2 semaphore(%dma_wait3A_160 : memref<!tpu.dma_semaphore, #tpu.memory_space<semaphore_mem>>) src(%dma_wait3A_167 : memref<80x128xf32, #tpu.memory_space<hbm>>) dst(%dma_wait3A_164 : memref<80x128xf32, #tpu.memory_space<vmem>>)
    %dma_wait3A_168 = arith.constant 0 : i32
    %dma_wait3A_169 = arith.constant 0 : i32
    %dma_wait3A_170 = arith.constant 0 : i32
    %dma_wait3A_171 = arith.constant 0 : i32
    %dma_wait3A_172 = arith.constant 0 : i32
    %dma_wait3A_173 = tpu.memref_slice %arg11[%dma_wait3A_168, %dma_wait3A_169, %dma_wait3A_171, %dma_wait3A_172] : memref<3x1x80x128xf32, #tpu.memory_space<vmem>> -> memref<1x1x80x128xf32, #tpu.memory_space<vmem>>
    %dma_wait3A_174 = tpu.memref_squeeze %dma_wait3A_173 : memref<1x1x80x128xf32, #tpu.memory_space<vmem>> -> memref<80x128xf32, #tpu.memory_space<vmem>>
    %dma_wait3A_175 = arith.constant 0 : i32
    %dma_wait3A_176 = arith.constant 0 : i32
    %dma_wait3A_177 = tpu.memref_slice %arg5[%dma_wait3A_175, %dma_wait3A_176] : memref<10000x128xf32, #tpu.memory_space<hbm>> -> memref<80x128xf32, #tpu.memory_space<hbm>>
    %dma_wait3A_178 = tpu.memref_slice %arg14[%dma_wait3A_170] : memref<3x!tpu.dma_semaphore, #tpu.memory_space<semaphore_mem>> -> memref<1x!tpu.dma_semaphore, #tpu.memory_space<semaphore_mem>>
    %dma_wait3A_179 = tpu.memref_squeeze %dma_wait3A_178 : memref<1x!tpu.dma_semaphore, #tpu.memory_space<semaphore_mem>> -> memref<!tpu.dma_semaphore, #tpu.memory_space<semaphore_mem>>
    %dma_wait3A_180 = arith.constant 0 : i32
    %dma_wait3A_181 = arith.constant 0 : i32
    %dma_wait3A_182 = tpu.memref_slice %arg11[%dma_wait3A_168, %dma_wait3A_169, %dma_wait3A_180, %dma_wait3A_181] : memref<3x1x80x128xf32, #tpu.memory_space<vmem>> -> memref<1x1x80x128xf32, #tpu.memory_space<vmem>>
    %dma_wait3A_183 = tpu.memref_squeeze %dma_wait3A_182 : memref<1x1x80x128xf32, #tpu.memory_space<vmem>> -> memref<80x128xf32, #tpu.memory_space<vmem>>
    %dma_wait3A_184 = arith.constant 0 : i32
    %dma_wait3A_185 = arith.constant 0 : i32
    %dma_wait3A_186 = tpu.memref_slice %arg5[%dma_wait3A_184, %dma_wait3A_185] : memref<10000x128xf32, #tpu.memory_space<hbm>> -> memref<80x128xf32, #tpu.memory_space<hbm>>
    tpu.wait_dma2 semaphore(%dma_wait3A_179 : memref<!tpu.dma_semaphore, #tpu.memory_space<semaphore_mem>>) src(%dma_wait3A_186 : memref<80x128xf32, #tpu.memory_space<hbm>>) dst(%dma_wait3A_183 : memref<80x128xf32, #tpu.memory_space<vmem>>)
    %barrier3A_187 = arith.constant 0 : index
    tpu.barrier barrier_id(%barrier3A_187)
    %lt3A_188 = arith.constant 10 : i32
    %lt3A_189 = arith.cmpi slt, %arg1, %lt3A_188 : i32
    %convert_element_type3A_190 = arith.extui %lt3A_189 : i1 to i32
    %cond3A_191 = arith.constant 0 : i32
    %cond3A_192 = arith.cmpi ne, %convert_element_type3A_190, %cond3A_191 : i32
    scf.if %cond3A_192 {
      %mul3A_193 = arith.constant 1000 : i32
      %mul3A_194 = arith.muli %arg1, %mul3A_193 : i32
      %mul3A_195 = arith.constant 1000 : i32
      %mul3A_196 = arith.muli %arg1, %mul3A_195 : i32
      "tpu.region"() ({
        %run_scoped3A_197 = tpu.sem_alloc : memref<!tpu.dma_semaphore, #tpu.memory_space<semaphore_mem>>
        %dma_start3A_198 = arith.constant 0 : i32
        %dma_start3A_199 = tpu.memref_slice %arg7[%arg0, %mul3A_196, %dma_start3A_198] : memref<2x10000x128xf32, #tpu.memory_space<hbm>> -> memref<1x1000x128xf32, #tpu.memory_space<hbm>>
        %dma_start3A_200 = tpu.memref_squeeze %dma_start3A_199 : memref<1x1000x128xf32, #tpu.memory_space<hbm>> -> memref<1000x128xf32, #tpu.memory_space<hbm>>
        %dma_start3A_201 = arith.constant 0 : i32
        %dma_start3A_202 = tpu.memref_slice %arg12[%mul3A_194, %dma_start3A_201] : memref<10000x128xf32, #tpu.memory_space<vmem_shared>> -> memref<1000x128xf32, #tpu.memory_space<vmem_shared>>
        tpu.enqueue_dma source(%dma_start3A_202 : memref<1000x128xf32, #tpu.memory_space<vmem_shared>>) target(%dma_start3A_200 : memref<1000x128xf32, #tpu.memory_space<hbm>>) target_semaphore(%run_scoped3A_197 : memref<!tpu.dma_semaphore, #tpu.memory_space<semaphore_mem>>)
        %dma_wait3A_203 = arith.constant 0 : i32
        %dma_wait3A_204 = tpu.memref_slice %arg7[%arg0, %mul3A_196, %dma_wait3A_203] : memref<2x10000x128xf32, #tpu.memory_space<hbm>> -> memref<1x1000x128xf32, #tpu.memory_space<hbm>>
        %dma_wait3A_205 = tpu.memref_squeeze %dma_wait3A_204 : memref<1x1000x128xf32, #tpu.memory_space<hbm>> -> memref<1000x128xf32, #tpu.memory_space<hbm>>
        %dma_wait3A_206 = arith.constant 0 : i32
        %dma_wait3A_207 = tpu.memref_slice %arg12[%mul3A_194, %dma_wait3A_206] : memref<10000x128xf32, #tpu.memory_space<vmem_shared>> -> memref<1000x128xf32, #tpu.memory_space<vmem_shared>>
        tpu.wait_dma2 semaphore(%run_scoped3A_197 : memref<!tpu.dma_semaphore, #tpu.memory_space<semaphore_mem>>) src(%dma_wait3A_207 : memref<1000x128xf32, #tpu.memory_space<vmem_shared>>) dst(%dma_wait3A_205 : memref<1000x128xf32, #tpu.memory_space<hbm>>)
        tpu.yield
      }) : () -> ()
    } else {
    }
    return
  }
}

module attributes {stable_mosaic.version = 14 : i64} {
  func.func @_tc_body(%arg0: i32, %arg1: memref<2x1000x128xf32, #tpu.memory_space<vmem>>, %arg2: memref<2x1000x128xf32, #tpu.memory_space<vmem>>, %arg3: memref<1000x128xf32, #tpu.memory_space<vmem>>, %arg4: memref<128x128xf32, #tpu.memory_space<vmem>>, %arg5: memref<1x128xf32, #tpu.memory_space<vmem>>, %arg6: memref<128x128xf32, #tpu.memory_space<vmem>>, %arg7: memref<1000x128xf32, #tpu.memory_space<vmem>>) attributes {dimension_semantics = [#tpu.dimension_semantics<arbitrary>], iteration_bounds = array<i64: 10>, scalar_prefetch = 0 : i64, scratch_operands = 0 : i64, tpu.core_type = #tpu.core_type<tc>, window_params = [{transform_indices = @transform_0, window_bounds = array<i64: 2, 1000, 128>}, {transform_indices = @transform_1, window_bounds = array<i64: 2, 1000, 128>}, {transform_indices = @transform_2, window_bounds = array<i64: 1000, 128>}, {pipeline_mode = #tpu.pipeline_mode<synchronous>, transform_indices = @transform_3, window_bounds = array<i64: 128, 128>}, {pipeline_mode = #tpu.pipeline_mode<synchronous>, transform_indices = @transform_4, window_bounds = array<i64: 1, 128>}, {pipeline_mode = #tpu.pipeline_mode<synchronous>, transform_indices = @transform_5, window_bounds = array<i64: 128, 128>}, {transform_indices = @transform_6, window_bounds = array<i64: 1000, 128>}]} {
    %get3A = arith.constant 0 : index
    %get3A_0 = arith.constant 0 : index
    %get3A_1 = arith.constant 0 : index
    %get3A_2 = vector.load %arg1[%get3A, %get3A_0, %get3A_1] : memref<2x1000x128xf32, #tpu.memory_space<vmem>>, vector<1x1000x128xf32>
    %get3A_3 = vector.shape_cast %get3A_2 : vector<1x1000x128xf32> to vector<1000x128xf32>
    %get3A_4 = arith.constant 1 : index
    %get3A_5 = arith.constant 0 : index
    %get3A_6 = arith.constant 0 : index
    %get3A_7 = vector.load %arg1[%get3A_4, %get3A_5, %get3A_6] : memref<2x1000x128xf32, #tpu.memory_space<vmem>>, vector<1x1000x128xf32>
    %get3A_8 = vector.shape_cast %get3A_7 : vector<1x1000x128xf32> to vector<1000x128xf32>
    %add3A = arith.addf %get3A_3, %get3A_8 : vector<1000x128xf32>
    %get3A_9 = arith.constant 0 : index
    %get3A_10 = arith.constant 0 : index
    %get3A_11 = arith.constant 0 : index
    %get3A_12 = vector.load %arg2[%get3A_9, %get3A_10, %get3A_11] : memref<2x1000x128xf32, #tpu.memory_space<vmem>>, vector<1x1000x128xf32>
    %get3A_13 = vector.shape_cast %get3A_12 : vector<1x1000x128xf32> to vector<1000x128xf32>
    %get3A_14 = arith.constant 1 : index
    %get3A_15 = arith.constant 0 : index
    %get3A_16 = arith.constant 0 : index
    %get3A_17 = vector.load %arg2[%get3A_14, %get3A_15, %get3A_16] : memref<2x1000x128xf32, #tpu.memory_space<vmem>>, vector<1x1000x128xf32>
    %get3A_18 = vector.shape_cast %get3A_17 : vector<1x1000x128xf32> to vector<1000x128xf32>
    %add3A_19 = arith.addf %get3A_13, %get3A_18 : vector<1000x128xf32>
    %max3A = arith.constant 1.000000e+00 : f32
    %max3A_20 = vector.broadcast %max3A : f32 to vector<1000x128xf32>
    %max3A_21 = arith.maximumf %add3A_19, %max3A_20 : vector<1000x128xf32>
    %div3A = arith.divf %add3A, %max3A_21 : vector<1000x128xf32>
    %get3A_22 = arith.constant 0 : index
    %get3A_23 = arith.constant 0 : index
    %get3A_24 = vector.load %arg4[%get3A_22, %get3A_23] : memref<128x128xf32, #tpu.memory_space<vmem>>, vector<128x128xf32>
    %dot_general3A = arith.constant dense<0.000000e+00> : vector<1000x128xf32>
    %dot_general3A_25 = tpu.matmul %div3A, %get3A_24, %dot_general3A {dimension_numbers = #tpu.dot_dimension_numbers<[1], [1], [0], [0], [0, 0, 1, 0], [], []>, transpose_lhs_hint = false} : vector<1000x128xf32>, vector<128x128xf32>, vector<1000x128xf32> -> vector<1000x128xf32>
    %get3A_26 = arith.constant 0 : index
    %get3A_27 = arith.constant 0 : index
    %get3A_28 = vector.load %arg3[%get3A_26, %get3A_27] : memref<1000x128xf32, #tpu.memory_space<vmem>>, vector<1000x128xf32>
    %get3A_29 = arith.constant 0 : index
    %get3A_30 = arith.constant 0 : index
    %get3A_31 = vector.load %arg6[%get3A_29, %get3A_30] : memref<128x128xf32, #tpu.memory_space<vmem>>, vector<128x128xf32>
    %dot_general3A_32 = arith.constant dense<0.000000e+00> : vector<1000x128xf32>
    %dot_general3A_33 = tpu.matmul %get3A_28, %get3A_31, %dot_general3A_32 {dimension_numbers = #tpu.dot_dimension_numbers<[1], [1], [0], [0], [0, 0, 1, 0], [], []>, transpose_lhs_hint = false} : vector<1000x128xf32>, vector<128x128xf32>, vector<1000x128xf32> -> vector<1000x128xf32>
    %add3A_34 = arith.addf %dot_general3A_25, %dot_general3A_33 : vector<1000x128xf32>
    %get3A_35 = arith.constant 0 : index
    %get3A_36 = arith.constant 0 : index
    %get3A_37 = vector.load %arg5[%get3A_35, %get3A_36] : memref<1x128xf32, #tpu.memory_space<vmem>>, vector<1x128xf32>
    %add3A_38 = vector.broadcast %get3A_37 : vector<1x128xf32> to vector<1000x128xf32>
    %add3A_39 = arith.addf %add3A_34, %add3A_38 : vector<1000x128xf32>
    %max3A_40 = arith.constant 0.000000e+00 : f32
    %max3A_41 = vector.broadcast %max3A_40 : f32 to vector<1000x128xf32>
    %max3A_42 = arith.maximumf %add3A_39, %max3A_41 : vector<1000x128xf32>
    %swap3A = arith.constant 0 : index
    %swap3A_43 = arith.constant 0 : index
    %swap3A_44 = vector.load %arg7[%swap3A, %swap3A_43] : memref<1000x128xf32, #tpu.memory_space<vmem>>, vector<1000x128xf32>
    tpu.vector_store %arg7[%swap3A, %swap3A_43], %max3A_42 {strides = array<i32>} : memref<1000x128xf32, #tpu.memory_space<vmem>>, vector<1000x128xf32>,
    return
  }
  func.func @transform_0(%arg0: i32) -> (i32, i32, i32) {
    %c0_i32 = arith.constant 0 : i32
    %c0_i32_0 = arith.constant 0 : i32
    %c0_i32_1 = arith.constant 0 : i32
    return %c0_i32, %arg0, %c0_i32_0 : i32, i32, i32
  }
  func.func @transform_1(%arg0: i32) -> (i32, i32, i32) {
    %c0_i32 = arith.constant 0 : i32
    %c0_i32_0 = arith.constant 0 : i32
    %c0_i32_1 = arith.constant 0 : i32
    return %c0_i32, %arg0, %c0_i32_0 : i32, i32, i32
  }
  func.func @transform_2(%arg0: i32) -> (i32, i32) {
    %c0_i32 = arith.constant 0 : i32
    %c0_i32_0 = arith.constant 0 : i32
    return %arg0, %c0_i32 : i32, i32
  }
  func.func @transform_3(%arg0: i32) -> (i32, i32) {
    %c0_i32 = arith.constant 0 : i32
    %c0_i32_0 = arith.constant 0 : i32
    %c0_i32_1 = arith.constant 0 : i32
    return %c0_i32, %c0_i32_0 : i32, i32
  }
  func.func @transform_4(%arg0: i32) -> (i32, i32) {
    %c0_i32 = arith.constant 0 : i32
    %c0_i32_0 = arith.constant 0 : i32
    %c0_i32_1 = arith.constant 0 : i32
    return %c0_i32, %c0_i32_0 : i32, i32
  }
  func.func @transform_5(%arg0: i32) -> (i32, i32) {
    %c0_i32 = arith.constant 0 : i32
    %c0_i32_0 = arith.constant 0 : i32
    %c0_i32_1 = arith.constant 0 : i32
    return %c0_i32, %c0_i32_0 : i32, i32
  }
  func.func @transform_6(%arg0: i32) -> (i32, i32) {
    %c0_i32 = arith.constant 0 : i32
    %c0_i32_0 = arith.constant 0 : i32
    return %arg0, %c0_i32 : i32, i32
  }
}

module attributes {stable_mosaic.version = 14 : i64} {
  func.func @_tc_body(%arg0: i32, %arg1: memref<2x1000x128xf32, #tpu.memory_space<vmem>>, %arg2: memref<2x1000x128xf32, #tpu.memory_space<vmem>>, %arg3: memref<1000x128xf32, #tpu.memory_space<vmem>>, %arg4: memref<128x128xf32, #tpu.memory_space<vmem>>, %arg5: memref<1x128xf32, #tpu.memory_space<vmem>>, %arg6: memref<128x128xf32, #tpu.memory_space<vmem>>, %arg7: memref<1000x128xf32, #tpu.memory_space<vmem>>) attributes {dimension_semantics = [#tpu.dimension_semantics<arbitrary>], iteration_bounds = array<i64: 10>, scalar_prefetch = 0 : i64, scratch_operands = 0 : i64, tpu.core_type = #tpu.core_type<tc>, window_params = [{transform_indices = @transform_0, window_bounds = array<i64: 2, 1000, 128>}, {transform_indices = @transform_1, window_bounds = array<i64: 2, 1000, 128>}, {transform_indices = @transform_2, window_bounds = array<i64: 1000, 128>}, {pipeline_mode = #tpu.pipeline_mode<synchronous>, transform_indices = @transform_3, window_bounds = array<i64: 128, 128>}, {pipeline_mode = #tpu.pipeline_mode<synchronous>, transform_indices = @transform_4, window_bounds = array<i64: 1, 128>}, {pipeline_mode = #tpu.pipeline_mode<synchronous>, transform_indices = @transform_5, window_bounds = array<i64: 128, 128>}, {transform_indices = @transform_6, window_bounds = array<i64: 1000, 128>}]} {
    %get3A = arith.constant 0 : index
    %get3A_0 = arith.constant 0 : index
    %get3A_1 = arith.constant 0 : index
    %get3A_2 = vector.load %arg1[%get3A, %get3A_0, %get3A_1] : memref<2x1000x128xf32, #tpu.memory_space<vmem>>, vector<1x1000x128xf32>
    %get3A_3 = vector.shape_cast %get3A_2 : vector<1x1000x128xf32> to vector<1000x128xf32>
    %get3A_4 = arith.constant 1 : index
    %get3A_5 = arith.constant 0 : index
    %get3A_6 = arith.constant 0 : index
    %get3A_7 = vector.load %arg1[%get3A_4, %get3A_5, %get3A_6] : memref<2x1000x128xf32, #tpu.memory_space<vmem>>, vector<1x1000x128xf32>
    %get3A_8 = vector.shape_cast %get3A_7 : vector<1x1000x128xf32> to vector<1000x128xf32>
    %add3A = arith.addf %get3A_3, %get3A_8 : vector<1000x128xf32>
    %get3A_9 = arith.constant 0 : index
    %get3A_10 = arith.constant 0 : index
    %get3A_11 = arith.constant 0 : index
    %get3A_12 = vector.load %arg2[%get3A_9, %get3A_10, %get3A_11] : memref<2x1000x128xf32, #tpu.memory_space<vmem>>, vector<1x1000x128xf32>
    %get3A_13 = vector.shape_cast %get3A_12 : vector<1x1000x128xf32> to vector<1000x128xf32>
    %get3A_14 = arith.constant 1 : index
    %get3A_15 = arith.constant 0 : index
    %get3A_16 = arith.constant 0 : index
    %get3A_17 = vector.load %arg2[%get3A_14, %get3A_15, %get3A_16] : memref<2x1000x128xf32, #tpu.memory_space<vmem>>, vector<1x1000x128xf32>
    %get3A_18 = vector.shape_cast %get3A_17 : vector<1x1000x128xf32> to vector<1000x128xf32>
    %add3A_19 = arith.addf %get3A_13, %get3A_18 : vector<1000x128xf32>
    %max3A = arith.constant 1.000000e+00 : f32
    %max3A_20 = vector.broadcast %max3A : f32 to vector<1000x128xf32>
    %max3A_21 = arith.maximumf %add3A_19, %max3A_20 : vector<1000x128xf32>
    %div3A = arith.divf %add3A, %max3A_21 : vector<1000x128xf32>
    %get3A_22 = arith.constant 0 : index
    %get3A_23 = arith.constant 0 : index
    %get3A_24 = vector.load %arg4[%get3A_22, %get3A_23] : memref<128x128xf32, #tpu.memory_space<vmem>>, vector<128x128xf32>
    %dot_general3A = arith.constant dense<0.000000e+00> : vector<1000x128xf32>
    %dot_general3A_25 = tpu.matmul %div3A, %get3A_24, %dot_general3A {dimension_numbers = #tpu.dot_dimension_numbers<[1], [1], [0], [0], [0, 0, 1, 0], [], []>, transpose_lhs_hint = false} : vector<1000x128xf32>, vector<128x128xf32>, vector<1000x128xf32> -> vector<1000x128xf32>
    %get3A_26 = arith.constant 0 : index
    %get3A_27 = arith.constant 0 : index
    %get3A_28 = vector.load %arg3[%get3A_26, %get3A_27] : memref<1000x128xf32, #tpu.memory_space<vmem>>, vector<1000x128xf32>
    %get3A_29 = arith.constant 0 : index
    %get3A_30 = arith.constant 0 : index
    %get3A_31 = vector.load %arg6[%get3A_29, %get3A_30] : memref<128x128xf32, #tpu.memory_space<vmem>>, vector<128x128xf32>
    %dot_general3A_32 = arith.constant dense<0.000000e+00> : vector<1000x128xf32>
    %dot_general3A_33 = tpu.matmul %get3A_28, %get3A_31, %dot_general3A_32 {dimension_numbers = #tpu.dot_dimension_numbers<[1], [1], [0], [0], [0, 0, 1, 0], [], []>, transpose_lhs_hint = false} : vector<1000x128xf32>, vector<128x128xf32>, vector<1000x128xf32> -> vector<1000x128xf32>
    %add3A_34 = arith.addf %dot_general3A_25, %dot_general3A_33 : vector<1000x128xf32>
    %get3A_35 = arith.constant 0 : index
    %get3A_36 = arith.constant 0 : index
    %get3A_37 = vector.load %arg5[%get3A_35, %get3A_36] : memref<1x128xf32, #tpu.memory_space<vmem>>, vector<1x128xf32>
    %add3A_38 = vector.broadcast %get3A_37 : vector<1x128xf32> to vector<1000x128xf32>
    %add3A_39 = arith.addf %add3A_34, %add3A_38 : vector<1000x128xf32>
    %swap3A = arith.constant 0 : index
    %swap3A_40 = arith.constant 0 : index
    %swap3A_41 = vector.load %arg7[%swap3A, %swap3A_40] : memref<1000x128xf32, #tpu.memory_space<vmem>>, vector<1000x128xf32>
    tpu.vector_store %arg7[%swap3A, %swap3A_40], %add3A_39 {strides = array<i32>} : memref<1000x128xf32, #tpu.memory_space<vmem>>, vector<1000x128xf32>,
    return
  }
  func.func @transform_0(%arg0: i32) -> (i32, i32, i32) {
    %c0_i32 = arith.constant 0 : i32
    %c0_i32_0 = arith.constant 0 : i32
    %c0_i32_1 = arith.constant 0 : i32
    return %c0_i32, %arg0, %c0_i32_0 : i32, i32, i32
  }
  func.func @transform_1(%arg0: i32) -> (i32, i32, i32) {
    %c0_i32 = arith.constant 0 : i32
    %c0_i32_0 = arith.constant 0 : i32
    %c0_i32_1 = arith.constant 0 : i32
    return %c0_i32, %arg0, %c0_i32_0 : i32, i32, i32
  }
  func.func @transform_2(%arg0: i32) -> (i32, i32) {
    %c0_i32 = arith.constant 0 : i32
    %c0_i32_0 = arith.constant 0 : i32
    return %arg0, %c0_i32 : i32, i32
  }
  func.func @transform_3(%arg0: i32) -> (i32, i32) {
    %c0_i32 = arith.constant 0 : i32
    %c0_i32_0 = arith.constant 0 : i32
    %c0_i32_1 = arith.constant 0 : i32
    return %c0_i32, %c0_i32_0 : i32, i32
  }
  func.func @transform_4(%arg0: i32) -> (i32, i32) {
    %c0_i32 = arith.constant 0 : i32
    %c0_i32_0 = arith.constant 0 : i32
    %c0_i32_1 = arith.constant 0 : i32
    return %c0_i32, %c0_i32_0 : i32, i32
  }
  func.func @transform_5(%arg0: i32) -> (i32, i32) {
    %c0_i32 = arith.constant 0 : i32
    %c0_i32_0 = arith.constant 0 : i32
    %c0_i32_1 = arith.constant 0 : i32
    return %c0_i32, %c0_i32_0 : i32, i32
  }
  func.func @transform_6(%arg0: i32) -> (i32, i32) {
    %c0_i32 = arith.constant 0 : i32
    %c0_i32_0 = arith.constant 0 : i32
    return %arg0, %c0_i32 : i32, i32
  }
}

</mosaic_0001>

<sc_bundles>
// kernel: sc_sage_agg.4.cloned.1.call-start
scs
__scs_entry_jumppad:
0x0: {  	(pc) =	sbr.rel $0x88, $3  }
0x1: {  	(tag) =	ssettag $0x0;
	lr =	simm.s32 $0x1  }
0x2: {  	[smem:$0x3F96] =	sst lr;
	_ =	strace $0xD0000000  }
0x3: {  	_ = 	snop  }
0x4: {  	_ = 	snop  }
0x5: {  	_ = 	snop  }
0x6: {  	_ = 	snop  }
0x7: {  	_ = 	snop  }
__scs_overlays_trampoline_lowered:
0x8: {  	[smem:$0x3FA5] =	sst s0  }
0x9: {  	[smem:$0x3FA6] =	sst s1  }
0xa: {  	[smem:$0x3FA7] =	sst s2  }
0xb: {  	[smem:$0x3FA8] =	sst s3  }
0xc: {  	[smem:$0x3FA9] =	sst s4  }
0xd: {  	[smem:$0x3FAA] =	sst s5  }
0xe: {  	[smem:$0x3FAB] =	sst s6  }
0xf: {  	[smem:$0x3FAC] =	sst s7  }
0x10: {  	[smem:$0x3FAD] =	sst s8  }
0x11: {  	[smem:$0x3FAE] =	sst s9;
	s0 =	simm.s32 @!p0 $0x0  }
0x12: {  	s1 =	sld [smem:$0x3F94];
	s0 =	simm.s32 @p0 $0x1  }
0x13: {  	[smem:$0x3FAF] =	sst s0;
	s0 =	simm.s32 @!p1 $0x0  }
0x14: {  	s2 =	sld [smem:$0x3F93];
	s0 =	simm.s32 @p1 $0x1  }
0x15: {  	[smem:$0x3FB0] =	sst s0;
	s0 =	simm.s32 @!p2 $0x0  }
0x16: {  	s3 =	sld [smem:$0x3FDB];
	s0 =	simm.s32 @p2 $0x1  }
0x17: {  	s4 =	simm.s32 $0x1BF5;
	[smem:$0x3FB2] =	sst s0  }
0x18: {  	s0 =	sld [smem:$0x3F95];
	_ =	swait.ge [sflag:s4], $0x0  }
0x19: {  	s7 =	sld [smem:$0x3F96]  }
0x1a: {  	s8 =	sadd.s32 $0xFFFFE003, lr  }
0x1b: {  	s9 =	sadd.s32 $0xFFFFFEF7, lr;
	s5 =	simm.s32 $0xFFFFFFFF;
	p2 =	slt.u32 s8, $0xFFFFF086  }
0x1c: {  	p1 =	slt.u32 s9, $0xF7A;
	s5 =	simm.s32 @!p2 $0x0  }
0x1d: {  	s5 =	simm.s32 @p1 $0x1;
	p0 =	seq.s32 s7, s2  }
0x1e: {  	s7 =	smul.u32 @!p0 $0xF7A, s2;
	p2 =	seq.s32 @!p0 s5, $0x0  }
0x1f: {  	s9 =	smul.u32 $0xF7A, s1;
	s8 =	simm.s32 @!p0 $0x1BF5;
	p2 =	por !p2, p0  }
0x20: {  	[sflag:s8] =	ssyncset.s32 @!p0 $0xFFFFF086;
	s6 =	sadd.s32 @!p0 s3, s7;
	s7 =	simm.s32 @!p0 $0x108  }
0x21: {  	s3 =	sadd.s32 s3, s9;
	s6 =	sadd.s32 @!p0 $0x88, s6;
	s7 =	simm.s32 @p2 $0x1082  }
0x22: {  	[simem:s7], [sflag:s8] =	dma.local @!p0 [hbm:s6], $0xF7A  }
0x23: {  	s9 =	sor.u32 $0xD0000000, s2;
	s6 =	simm.s32 $0x108;
	_ =	swait.ge @!p0 [sflag:s8], $0x0  }
0x24: {  	s3 =	sadd.s32 $0x88, s3;
	s6 =	simm.s32 @!p1 $0x1082;
	[sflag:s4] =	ssyncset.s32 $0xFFFFF086  }
0x25: {  	[simem:s6], [sflag:s4] =	dma.local [hbm:s3], $0xF7A  }
0x26: {  	[smem:$0x3F96] =	sst s1;
	(tag) =	ssettag s2;
	_ =	strace s9  }
0x27: {  	s1 =	sld [smem:$0x3FA6]  }
0x28: {  	s2 =	sld [smem:$0x3FA7]  }
0x29: {  	s4 =	sld [smem:$0x3FA9]  }
0x2a: {  	p0 =	seq.s32 s5, $0x0;
	s5 =	sld [smem:$0x3FAA]  }
0x2b: {  	s6 =	sld [smem:$0x3FAB]  }
0x2c: {  	s7 =	sld [smem:$0x3FAC]  }
0x2d: {  	s3 =	simm.s32 $0x108;
	s8 =	sld [smem:$0x3FAD]  }
0x2e: {  	s3 =	simm.s32 @!p0 $0x1082;
	s9 =	sld [smem:$0x3FAE]  }
0x2f: {  	lr =	sadd.s32 s0, s3;
	s0 =	sld [smem:$0x3FA5]  }
0x30: {  	s3 =	sld [smem:$0x3FA8]  }
0x31: {  	[smem:$0x3FB1] =	sst s10  }
0x32: {  	s10 =	sld [smem:$0x3FAF];
	_ =	sdelay $0x3  }
0x33: {  	p0 =	seq.s32 s10, $0x1;
	s10 =	sld [smem:$0x3FB1];
	_ =	sdelay $0x3  }
0x34: {  	[smem:$0x3FB1] =	sst s10  }
0x35: {  	s10 =	sld [smem:$0x3FB0];
	_ =	sdelay $0x3  }
0x36: {  	p1 =	seq.s32 s10, $0x1;
	s10 =	sld [smem:$0x3FB1];
	_ =	sdelay $0x3  }
0x37: {  	[smem:$0x3FB1] =	sst s10  }
0x38: {  	s10 =	sld [smem:$0x3FB2]  }
0x39: {  	_ = 	snop;
	(pc) =	sbr.ind lr, $3  }
0x3a: {  	_ = 	snop  }
0x3b: {  	_ = 	snop  }
0x3c: {  	p2 =	seq.s32 s10, $0x1;
	s10 =	sld [smem:$0x3FB1]  }
0x3d: {  	_ =	shalt  }
0x3e: {  	_ =	shalt  }
0x3f: {  	_ =	shalt  }
0x40: {  	_ =	shalt  }
0x41: {  	_ =	shalt  }
0x42: {  	_ =	shalt  }
0x43: {  	_ =	shalt  }
0x44: {  	_ =	shalt  }
0x45: {  	_ =	shalt  }
0x46: {  	_ =	shalt  }
0x47: {  	_ =	shalt  }
0x48: {  	_ =	shalt  }
0x49: {  	_ =	shalt  }
0x4a: {  	_ =	shalt  }
0x4b: {  	_ =	shalt  }
0x4c: {  	_ =	shalt  }
0x4d: {  	_ =	shalt  }
0x4e: {  	_ =	shalt  }
0x4f: {  	_ =	shalt  }
0x50: {  	_ =	shalt  }
0x51: {  	_ =	shalt  }
0x52: {  	_ =	shalt  }
0x53: {  	_ =	shalt  }
0x54: {  	_ =	shalt  }
0x55: {  	_ =	shalt  }
0x56: {  	_ =	shalt  }
0x57: {  	_ =	shalt  }
0x58: {  	_ =	shalt  }
0x59: {  	_ =	shalt  }
0x5a: {  	_ =	shalt  }
0x5b: {  	_ =	shalt  }
0x5c: {  	_ =	shalt  }
0x5d: {  	_ =	shalt  }
0x5e: {  	_ =	shalt  }
0x5f: {  	_ =	shalt  }
0x60: {  	_ =	shalt  }
0x61: {  	_ =	shalt  }
0x62: {  	_ =	shalt  }
0x63: {  	_ =	shalt  }
0x64: {  	_ =	shalt  }
0x65: {  	_ =	shalt  }
0x66: {  	_ =	shalt  }
0x67: {  	_ =	shalt  }
0x68: {  	_ =	shalt  }
0x69: {  	_ =	shalt  }
0x6a: {  	_ =	shalt  }
0x6b: {  	_ =	shalt  }
0x6c: {  	_ =	shalt  }
0x6d: {  	_ =	shalt  }
0x6e: {  	_ =	shalt  }
0x6f: {  	_ =	shalt  }
0x70: {  	_ =	shalt  }
0x71: {  	_ =	shalt  }
0x72: {  	_ =	shalt  }
0x73: {  	_ =	shalt  }
0x74: {  	_ =	shalt  }
0x75: {  	_ =	shalt  }
0x76: {  	_ =	shalt  }
0x77: {  	_ =	shalt  }
0x78: {  	_ =	shalt  }
0x79: {  	_ =	shalt  }
0x7a: {  	_ =	shalt  }
0x7b: {  	_ =	shalt  }
0x7c: {  	_ =	shalt  }
0x7d: {  	_ =	shalt  }
0x7e: {  	_ =	shalt  }
0x7f: {  	_ =	shalt  }
0x80: {  	_ =	shalt  }
0x81: {  	_ =	shalt  }
0x82: {  	_ =	shalt  }
0x83: {  	_ =	shalt  }
0x84: {  	_ =	shalt  }
0x85: {  	_ =	shalt  }
0x86: {  	_ =	shalt  }
0x87: {  	_ =	shalt  }
.Lfunc_end0:
.L_simem_size_0:
called_computation.1_lowered:
.L_overlay_start_0:
0x88: {  	s2 =	sld [smem:$0x3FD9]  }
0x89: {  	s3 =	sld [smem:$0x3FFE];
	_ =	sdelay $0x1  }
0x8a: {  	s1 =	srdreg.scid  }
0x8b: {  	s0 =	sand.u32 $0x1, s1  }
0x8c: {  	s17 =	sshll.u32 s0, $0xA;
	s2 =	sadd.s32 s3, s2  }
0x8d: {  	s2 =	sadd.s32 s2, s17  }
0x8e: {  	[smem:$0x3FBD] =	sst s2  }
0x8f: {  	_ = 	snop  }
0x90: {  	s2 =	sld [smem:$0x3FD0];
	(tm) =	ssettm $0x1  }
0x91: {  	s18 =	sld [smem:$0x3FFB];
	_ =	sdelay $0x3  }
0x92: {  	_ =	strace s18  }
0x93: {  	s3 =	sld [smem:$0x3FFC];
	_ =	sdelay $0x3  }
0x94: {  	_ =	strace s3  }
0x95: {  	s3 =	sld [smem:$0x3FFD];
	_ =	sdelay $0x3  }
0x96: {  	_ =	strace s3  }
0x97: {  	_ =	strace $0x8FFFFFFF  }
0x98: {  	s19 =	sld [smem:$0x3FDB];
	_ =	sdelay $0x1  }
0x99: {  	s4 =	simm.s32 $_scs_section_size  }
0x9a: {  	s5 =	simm.s32 $_size__tile_overlayer_lowered;
	s6 =	simm.s32 $_tile_overlayer_lowered  }
0x9b: {  	s22 =	simm.s32 $0x1BFF;
	s21 =	sshll.u32 s6, $0x1;
	s3 =	sadd.s32 s4, s19  }
0x9c: {  	s7 =	simm.s32 $0x0;
	s20 =	sshll.u32 s5, $0x1;
	s5 =	sadd.s32 s21, s3  }
0x9d: {  	[timem:s7], [sflag:s22] =	dma.local [hbm:s5], s20  }
0x9e: {  	_ =	swait.ge [sflag:s22], s20  }
0x9f: {  	s4 =	ssub.s32 $0x0, s20;
	[sflag:s22] =	ssyncset.done $0x0  }
0xa0: {  	[sflag:s22] =	ssyncadd.s32 s4;
	_ =	sdelay $0x1  }
0xa1: {  	s23 =	simm.s32 $0x1B8B  }
0xa2: {  	_ =	swait.ge [sflag:s23], $0x1  }
0xa3: {  	[sflag:s23] =	ssyncset.done $0x0  }
0xa4: {  	s25 =	simm.s32 $0x1B8E;
	s24 =	sld [smem:$0x3FFE];
	[sflag:s23] =	ssyncadd.s32 $0xFFFFFFFF  }
0xa5: {  	s26 =	simm.s32 $execute0_lowered;
	[smem:$0x3FD2] =	sst s25  }
0xa6: {  	s5 =	sshll.u32 s26, $0x1;
	_ =	strace $0x80000049;
	[dreg:$0x1] =	wrdreg $0xFFFFFFFF  }
0xa7: {  	s28 =	simm.s32 $_size_execute0_lowered;
	s3 =	sadd.s32 s3, s5;
	[dreg:$0x0] =	wrdreg $0x0  }
0xa8: {  	s5 =	sshll.u32 s28, $0x1;
	[dreg:$0x2] =	wrdreg s3  }
0xa9: {  	[dreg:$0x3] =	wrdreg s5  }
0xaa: {  	[dreg:$0x4] =	wrdreg $0xC0  }
0xab: {  	_ =	task [dreg:s7], $0x5FFFF  }
0xac: {  	[dreg:$0x1] =	wrdreg $0xFFFFFFFF  }
0xad: {  	[dreg:$0x0] =	wrdreg $0x60  }
0xae: {  	[dreg:$0x2] =	wrdreg s24  }
0xaf: {  	[dreg:$0x3] =	wrdreg s2  }
0xb0: {  	[dreg:$0x4] =	wrdreg $0x7C000  }
0xb1: {  	[dreg:$0x5] =	wrdreg $0x9  }
0xb2: {  	_ =	task.clear_ibuf [dreg:s7], $0x6FFFF;
	_ =	strace $0x90000049  }
0xb3: {  	s29 =	simm.s32 $0x9;
	_ =	strace $0x8000004B  }
0xb4: {  	_ =	swait.ge [sflag:s29], $0x1  }
0xb5: {  	[sflag:s29] =	ssyncadd.s32 $0xFFFFFFFF  }
0xb6: {  	_ =	strace $0x9000004B  }
0xb7: {  	_ =	sfence  }
0xb8: {  	s30 =	sld [smem:$0x0];
	_ =	sdelay $0x2  }
0xb9: {  	s31 =	sshll.u32 s1, $0xD;
	s1 =	sshrl.u32 s1, $0x2  }
0xba: {  	s3 =	sand.u32 $0x4000, s31;
	s1 =	sadd.s32 s1, s30  }
0xbb: {  	s0 =	sor.u32 s3, s0;
	s1 =	sshll.u32 s1, $0x11  }
0xbc: {  	s0 =	sor.u32 s1, s0  }
0xbd: {  	s0 =	sadd.s32 $0x8F2B, s0  }
0xbe: {  	[sflag:s0] =	ssyncadd.remote.s32 $0x1  }
0xbf: {  	_ =	sfence.sel $0xFFFF  }
0xc0: {  	[dreg:$0x0] =	wrdreg $0xFFFFFFFF;
	(pc) =	sbr.abs _section_cstart, $3  }
0xc1: {  	[dreg:$0x1] =	wrdreg $0xFFFFFFFF  }
0xc2: {  	_ =	task.clear_ibuf [dreg:s7], $0x2FFFF;
	_ =	strace $0x9FFFFFFF  }
0xc3: {  	(tm) =	ssettm $0x7FFFFFFF  }
tec
execute0_lowered:
.L_overlay_start_1:
0x0: {  	(tag) =	ssettag $0x1  }
0x1: {  	s7 =	rddreg [dreg:$0x0]  }
0x2: {  	s8 =	rddreg [dreg:$0x1]  }
0x3: {  	s0 =	srdreg.scid;
	s2 =	rddreg [dreg:$0x2]  }
0x4: {  	s1 =	stileid.u32;
	s3 =	simm.s32 $0x0;
	s17 =	simm.s32 $0x200  }
0x5: {  	s18 =	simm.s32 $0x7;
	s19 =	simm.s32 $0x50;
	s20 =	simm.s32 $0x400  }
0x6: {  	s21 =	simm.s32 $0x5;
	s22 =	simm.s32 $0x4;
	s6 =	smul.u32 $0x1F400, s1  }
0x7: {  	s23 =	simm.s32 $0x0;
	s9 =	sand.u32 $0x1, s0;
	s29 =	smul.u32 $0x7D000, s1  }
0x8: {  	[smem:$0x7FF] =	sst s3;
	s4 =	sadd.s32 $0x23E00, s7;
	s15 =	smul.u32 $0x3E80, s1  }
0x9: {  	s13 =	sshll.u32 s1, $0xE;
	p0 =	sgt.u32 s1, $0x9;
	s5 =	smul.u32 $0x138800, s9  }
0xa: {  	_ =	strace $0x8000004A;
	s28 =	ssub.s32 $0x2, s9;
	s9 =	sshll.u32 s9, $0x12  }
0xb: {  	s11 =	sshrl.u32 s28, $0x1;
	s14 =	sshrl.u32 s29, $0x2;
	s8 =	sadd.s32 s8, s15  }
0xc: {  	s10 =	sadd.s32 s6, s5;
	s5 =	sadd.s32 $0x13800, s7;
	s6 =	sadd.s32 $0x3800, s7  }
0xd: {  	s30 =	ssub.s32 s28, s11;
	s16 =	sadd.s32 s14, s2;
	s10 =	sshrl.u32 s10, $0x3  }
0xe: {  	s14 =	sshll.u32 @!p0 s1, $0x6;
	s12 =	sadd.s32 s10, s7;
	s7 =	sor.u32 s13, s9  }
0xf: {  	s14 =	sor.u32 @!p0 $0x1C0D, s14;
	s15 =	sshrl.u32 @!p0 s16, $0x3;
	s31 =	sshrl.u32 s7, $0x3  }
0x10: {  	s16 =	simm.s32 $0x80;
	s13 =	smax.u32 s30, $0x1;
	s9 =	sadd.s32 s5, s31  }
0x11: {  	s12 =	sadd.s32 $0x10E400, s12;
	s11 =	sadd.s32 s6, s31;
	s10 =	sadd.s32 $0x10, s9  }
.LBB2_1:
0x12: {  	[spmem:s15], [sflag:s14] =	dma.local @!p0 [hbm:s8], $0x3E80  }
0x13: {  	s24 =	simm.s32 @!p0 $0xD  }
0x14: {  	_ =	swait.ge @!p0 [sflag:s24], $0x3E80  }
0x15: {  	[sflag:s24] =	ssyncset.done @!p0 $0x0  }
0x16: {  	[sflag:s24] =	ssyncadd.s32 @!p0 $0xFFFFC180  }
0x17: {  	[bflag:$0x0] =	sbarrier.arrive $0xFFFF  }
0x18: {  	[tilespmem:s3], [sflag:$0x7] =	stream.linear.gather [hbm4b:s9+s3], $0x80, $0x38;
	[tilespmem:$0x1B480] =	vst v63  }
0x19: {  	_ = 	snop  }
0x1a: {  	[tilespmem:s16], [sflag:$0x8] =	stream.linear.gather [hbm4b:s10+s3], $0x80, $0x38;
	[tilespmem:$0x1B480] =	vst v63  }
0x1b: {  	_ = 	snop  }
0x1c: {  	[tilespmem:s17], [sflag:$0xA] =	stream.linear.gather [hbm4b:s11+s3], $0x80, $0x38;
	[tilespmem:$0x1B480] =	vst v63  }
0x1d: {  	_ =	swait.ge [sflag:s18], $0x80  }
0x1e: {  	[sflag:s18] =	ssyncset.done $0x0  }
0x1f: {  	s25 =	simm.s32 $0x100;
	s24 =	simm.s32 $0x2;
	[sflag:s18] =	ssyncadd.s32 $0xFFFFFF80  }
0x20: {  	[tilespmem:s20], [sflag:$0x1] =	stream.indirect.gather [hbm4b:s4+s19], $0x80, s3, s19, $0xb8;
	[tilespmem:$0x1B480] =	vst v63  }
.LBB2_2:
0x21: {  	s26 =	smul.u32 $0xAB, s24;
	_ =	sdelay $0x1  }
0x22: {  	s28 =	sadd.s32 $0xFFFFFEAA, s26  }
0x23: {  	s28 =	sshrl.u32 s28, $0x9  }
0x24: {  	s26 =	sadd.s32 $0xFFFFFF55, s26;
	s28 =	sand.u32 $0x7F, s28  }
0x25: {  	s26 =	sshrl.u32 s26, $0x9;
	s28 =	smul.u32 $0x3, s28  }
0x26: {  	s29 =	sadd.s32 $0xFFFFFFFE, s24;
	s26 =	sand.u32 $0x7F, s26  }
0x27: {  	s26 =	smul.u32 $0x3, s26;
	s28 =	ssub.s32 s29, s28  }
0x28: {  	s28 =	sand.u32 $0xFF, s28  }
0x29: {  	s26 =	sxor.u32 $0xFFFFFFFF, s26;
	s30 =	sadd.s32 $0x1, s28  }
0x2a: {  	s26 =	sadd.s32 s24, s26;
	_ =	swait.ge [sflag:s30], $0x2800  }
0x2b: {  	p1 =	slt.u32 s29, $0x2;
	s26 =	sand.u32 $0xFF, s26;
	[sflag:s30] =	ssyncset.done $0x0  }
0x2c: {  	[sflag:s30] =	ssyncadd.s32 $0xFFFFD800;
	s30 =	sadd.s32 @!p1 $0x4, s26  }
0x2d: {  	_ =	swait.ge @!p1 [sflag:s30], $0x2800  }
0x2e: {  	s31 =	smul.u32 $0xA000, s28;
	[sflag:s30] =	ssyncset.done @!p1 $0x0  }
0x2f: {  	[sflag:s30] =	ssyncadd.s32 @!p1 $0xFFFFD800;
	s30 =	sadd.s32 $0xA, s28  }
0x30: {  	s0 =	sshll.u32 s28, $0x7;
	s31 =	sshrl.u32 s31, $0x2;
	_ =	swait.ge [sflag:s30], $0x80  }
0x31: {  	s0 =	sadd.s32 $0x200, s0;
	s31 =	sor.u32 $0x400, s31;
	[sflag:s30] =	ssyncset.done $0x0  }
0x32: {  	s28 =	sadd.s32 $0x4, s28;
	p1 =	seq.s32 s24, $0x7E;
	[sflag:s30] =	ssyncadd.s32 $0xFFFFFF80  }
0x33: {  	[spmem:s2] =	stream.indirect.scatter.add.f32 [tilespmem:s31], [sflag:s28], $0x80, s0, s19, $0xb8;
	[tilespmem:$0x1B480] =	vst v63  }
0x34: {  	s0 =	sadd.s32 @!p1 $0x7, s26  }
0x35: {  	s28 =	smul.u32 @!p1 $0xA000, s26;
	_ =	swait.ge @!p1 [sflag:s0], $0x80  }
0x36: {  	[sflag:s0] =	ssyncset.done @!p1 $0x0  }
0x37: {  	s30 =	sshll.u32 @!p1 s26, $0x7;
	[sflag:s0] =	ssyncadd.s32 @!p1 $0xFFFFFF80;
	s0 =	sshrl.u32 @!p1 s28, $0x2  }
0x38: {  	s31 =	simm.s32 @!p1 $0x50;
	s28 =	sadd.s32 @!p1 $0x1, s26;
	s0 =	sor.u32 @!p1 $0x400, s0  }
0x39: {  	[tilespmem:s0], [sflag:s28] =	stream.indirect.gather @!p1 [hbm4b:s4+s31], $0x80, s30, s31, $0xb8;
	[tilespmem:$0x1B480] =	vst v63  }
0x3a: {  	s0 =	sadd.s32 @!p1 $0xFFFFFF80, s25  }
0x3b: {  	s28 =	sand.u32 @!p1 $0x7C00, s0  }
0x3c: {  	s0 =	sand.u32 @!p1 $0x380, s0;
	s28 =	sadd.s32 @!p1 s7, s28  }
0x3d: {  	p2 =	sgt.u32 @!p1 s29, $0x7A;
	s29 =	simm.s32 @!p1 $0x0;
	s0 =	sor.u32 @!p1 s0, s28  }
0x3e: {  	p2 =	por p2, p1;
	s26 =	sadd.s32 @!p1 $0xA, s26;
	s0 =	sshrl.u32 @!p1 s0, $0x3  }
0x3f: {  	s28 =	sadd.s32 @!p1 $0x200, s30;
	s30 =	smul.u32 @!p2 $0xAB, s24;
	s0 =	sadd.s32 @!p1 s6, s0  }
0x40: {  	[tilespmem:s28], [sflag:s26] =	stream.linear.gather @!p1 [hbm4b:s0+s29], $0x80, $0x38;
	[tilespmem:$0x1B480] =	vst v63  }
0x41: {  	s0 =	sshrl.u32 @!p2 s30, $0x9  }
0x42: {  	s26 =	sand.u32 @!p2 $0x7C00, s25;
	s0 =	sand.u32 @!p2 $0x7F, s0  }
0x43: {  	s28 =	sand.u32 @!p2 $0x380, s25;
	s26 =	sadd.s32 @!p2 s7, s26;
	s0 =	smul.u32 @!p2 $0x3, s0  }
0x44: {  	s26 =	sor.u32 @!p2 s28, s26  }
0x45: {  	s26 =	sshrl.u32 @!p2 s26, $0x3;
	s0 =	ssub.s32 @!p2 s24, s0  }
0x46: {  	s29 =	simm.s32 @!p2 $0x0;
	s26 =	sadd.s32 @!p2 s5, s26;
	s0 =	sand.u32 @!p2 $0xFF, s0  }
0x47: {  	s24 =	sadd.s32 @!p1 $0x1, s24;
	s28 =	sshll.u32 @!p2 s0, $0x7;
	s0 =	sadd.s32 @!p2 $0x7, s0  }
0x48: {  	[tilespmem:s28], [sflag:s0] =	stream.linear.gather @!p2 [hbm4b:s26+s29], $0x80, $0x38;
	[tilespmem:$0x1B480] =	vst v63  }
0x49: {  	p2 =	sne.s32 @!p1 s24, $0x7F  }
0x4a: {  	p2 =	por p1, !p2  }
.Ltmp0:
0x4b: {  	_ = 	snop;
	(pc) =	sbr.rel @!p2 .LBB2_2-.Ltmp0, $2  }
0x4c: {  	_ =	sdelay $0x2  }
0x4d: {  	s25 =	sadd.s32 @!p1 $0x80, s25  }
0x4e: {  	_ =	swait.ge [sflag:s21], $0x2800  }
0x4f: {  	[sflag:s21] =	ssyncset.done $0x0  }
0x50: {  	[sflag:s21] =	ssyncadd.s32 $0xFFFFD800  }
0x51: {  	_ =	swait.ge [sflag:s22], $0x2800  }
0x52: {  	s23 =	sadd.s32 $0x1, s23;
	[sflag:s22] =	ssyncset.done $0x0  }
0x53: {  	p1 =	sne.s32 s23, s13;
	[sflag:s22] =	ssyncadd.s32 $0xFFFFD800  }
.Ltmp1:
0x54: {  	s0 =	simm.s32 @!p0 $0xD;
	[bflag:$0x0] =	sbarrier.arrive $0xFFFF;
	(pc) =	sbr.rel @p1 .LBB2_1-.Ltmp1, $4  }
0x55: {  	[hbm:s12], [sflag:s14] =	dma.local @!p0 [spmem:s15], $0x3E80  }
0x56: {  	_ =	swait.ge @!p0 [sflag:s0], $0x3E80  }
0x57: {  	[sflag:s0] =	ssyncset.done @!p0 $0x0  }
0x58: {  	[sflag:s0] =	ssyncadd.s32 @!p0 $0xFFFFC180  }
0x59: {  	_ =	sfence.sel $0x180000  }
0x5a: {  	[bflag:$0x0] =	sbarrier.arrive $0xFFFF  }
0x5b: {  	_ =	strace $0x9000004A  }
0x5c: {  	[bflag:$0x2] =	sbarrier.arrive $0xFFFF  }
0x5d: {  	p0 =	sne.s32 s1, $0x0;
	s0 =	rddreg [dreg:$0x3]  }
0x5e: {  	s0 =	sadd.s32 @!p0 $0x100000, s0  }
0x5f: {  	[sflag:s0] =	ssyncadd.tile.s32 @!p0 $0x1;
	_ =	shalt  }
.Lfunc_end2:
_tile_overlayer_lowered:
.L_overlay_start_2:
0x60: {  	(tag) =	ssettag $0x2  }
0x61: {  	s0 =	rddreg [dreg:$0x0];
	s2 =	stileid.u32  }
0x62: {  	s1 =	rddreg [dreg:$0x1];
	p0 =	sne.s32 s2, $0x0  }
0x63: {  	s3 =	rddreg [dreg:$0x2];
	[bflag:$0x3] =	sbarrier.arrive $0xFFFF;
	s2 =	simm.s32 @!p0 $0x1C0D  }
0x64: {  	[timem:s3], [sflag:s2] =	dma.local @!p0 [hbm:s0], s1  }
0x65: {  	s0 =	simm.s32 @!p0 $0xD  }
0x66: {  	_ =	swait.ge @!p0 [sflag:s0], s1  }
0x67: {  	s1 =	ssub.s32 @!p0 $0x0, s1;
	[sflag:s0] =	ssyncset.done @!p0 $0x0  }
0x68: {  	[sflag:s0] =	ssyncadd.s32 @!p0 s1  }
0x69: {  	[bflag:$0x3] =	sbarrier.arrive $0xFFFF  }
0x6a: {  	_ =	shalt  }

// kernel: sc_sage_agg.7.cloned.1.call-start
scs
__scs_entry_jumppad:
0x0: {  	(pc) =	sbr.rel $0x88, $3  }
0x1: {  	(tag) =	ssettag $0x0;
	lr =	simm.s32 $0x1  }
0x2: {  	[smem:$0x3F96] =	sst lr;
	_ =	strace $0xD0000000  }
0x3: {  	_ = 	snop  }
0x4: {  	_ = 	snop  }
0x5: {  	_ = 	snop  }
0x6: {  	_ = 	snop  }
0x7: {  	_ = 	snop  }
__scs_overlays_trampoline_lowered:
0x8: {  	[smem:$0x3FA5] =	sst s0  }
0x9: {  	[smem:$0x3FA6] =	sst s1  }
0xa: {  	[smem:$0x3FA7] =	sst s2  }
0xb: {  	[smem:$0x3FA8] =	sst s3  }
0xc: {  	[smem:$0x3FA9] =	sst s4  }
0xd: {  	[smem:$0x3FAA] =	sst s5  }
0xe: {  	[smem:$0x3FAB] =	sst s6  }
0xf: {  	[smem:$0x3FAC] =	sst s7  }
0x10: {  	[smem:$0x3FAD] =	sst s8  }
0x11: {  	[smem:$0x3FAE] =	sst s9;
	s0 =	simm.s32 @!p0 $0x0  }
0x12: {  	s1 =	sld [smem:$0x3F94];
	s0 =	simm.s32 @p0 $0x1  }
0x13: {  	[smem:$0x3FAF] =	sst s0;
	s0 =	simm.s32 @!p1 $0x0  }
0x14: {  	s2 =	sld [smem:$0x3F93];
	s0 =	simm.s32 @p1 $0x1  }
0x15: {  	[smem:$0x3FB0] =	sst s0;
	s0 =	simm.s32 @!p2 $0x0  }
0x16: {  	s3 =	sld [smem:$0x3FDB];
	s0 =	simm.s32 @p2 $0x1  }
0x17: {  	s4 =	simm.s32 $0x1BF5;
	[smem:$0x3FB2] =	sst s0  }
0x18: {  	s0 =	sld [smem:$0x3F95];
	_ =	swait.ge [sflag:s4], $0x0  }
0x19: {  	s7 =	sld [smem:$0x3F96]  }
0x1a: {  	s8 =	sadd.s32 $0xFFFFE003, lr  }
0x1b: {  	s9 =	sadd.s32 $0xFFFFFEF7, lr;
	s5 =	simm.s32 $0xFFFFFFFF;
	p2 =	slt.u32 s8, $0xFFFFF086  }
0x1c: {  	p1 =	slt.u32 s9, $0xF7A;
	s5 =	simm.s32 @!p2 $0x0  }
0x1d: {  	s5 =	simm.s32 @p1 $0x1;
	p0 =	seq.s32 s7, s2  }
0x1e: {  	s7 =	smul.u32 @!p0 $0xF7A, s2;
	p2 =	seq.s32 @!p0 s5, $0x0  }
0x1f: {  	s9 =	smul.u32 $0xF7A, s1;
	s8 =	simm.s32 @!p0 $0x1BF5;
	p2 =	por !p2, p0  }
0x20: {  	[sflag:s8] =	ssyncset.s32 @!p0 $0xFFFFF086;
	s6 =	sadd.s32 @!p0 s3, s7;
	s7 =	simm.s32 @!p0 $0x108  }
0x21: {  	s3 =	sadd.s32 s3, s9;
	s6 =	sadd.s32 @!p0 $0x88, s6;
	s7 =	simm.s32 @p2 $0x1082  }
0x22: {  	[simem:s7], [sflag:s8] =	dma.local @!p0 [hbm:s6], $0xF7A  }
0x23: {  	s9 =	sor.u32 $0xD0000000, s2;
	s6 =	simm.s32 $0x108;
	_ =	swait.ge @!p0 [sflag:s8], $0x0  }
0x24: {  	s3 =	sadd.s32 $0x88, s3;
	s6 =	simm.s32 @!p1 $0x1082;
	[sflag:s4] =	ssyncset.s32 $0xFFFFF086  }
0x25: {  	[simem:s6], [sflag:s4] =	dma.local [hbm:s3], $0xF7A  }
0x26: {  	[smem:$0x3F96] =	sst s1;
	(tag) =	ssettag s2;
	_ =	strace s9  }
0x27: {  	s1 =	sld [smem:$0x3FA6]  }
0x28: {  	s2 =	sld [smem:$0x3FA7]  }
0x29: {  	s4 =	sld [smem:$0x3FA9]  }
0x2a: {  	p0 =	seq.s32 s5, $0x0;
	s5 =	sld [smem:$0x3FAA]  }
0x2b: {  	s6 =	sld [smem:$0x3FAB]  }
0x2c: {  	s7 =	sld [smem:$0x3FAC]  }
0x2d: {  	s3 =	simm.s32 $0x108;
	s8 =	sld [smem:$0x3FAD]  }
0x2e: {  	s3 =	simm.s32 @!p0 $0x1082;
	s9 =	sld [smem:$0x3FAE]  }
0x2f: {  	lr =	sadd.s32 s0, s3;
	s0 =	sld [smem:$0x3FA5]  }
0x30: {  	s3 =	sld [smem:$0x3FA8]  }
0x31: {  	[smem:$0x3FB1] =	sst s10  }
0x32: {  	s10 =	sld [smem:$0x3FAF];
	_ =	sdelay $0x3  }
0x33: {  	p0 =	seq.s32 s10, $0x1;
	s10 =	sld [smem:$0x3FB1];
	_ =	sdelay $0x3  }
0x34: {  	[smem:$0x3FB1] =	sst s10  }
0x35: {  	s10 =	sld [smem:$0x3FB0];
	_ =	sdelay $0x3  }
0x36: {  	p1 =	seq.s32 s10, $0x1;
	s10 =	sld [smem:$0x3FB1];
	_ =	sdelay $0x3  }
0x37: {  	[smem:$0x3FB1] =	sst s10  }
0x38: {  	s10 =	sld [smem:$0x3FB2]  }
0x39: {  	_ = 	snop;
	(pc) =	sbr.ind lr, $3  }
0x3a: {  	_ = 	snop  }
0x3b: {  	_ = 	snop  }
0x3c: {  	p2 =	seq.s32 s10, $0x1;
	s10 =	sld [smem:$0x3FB1]  }
0x3d: {  	_ =	shalt  }
0x3e: {  	_ =	shalt  }
0x3f: {  	_ =	shalt  }
0x40: {  	_ =	shalt  }
0x41: {  	_ =	shalt  }
0x42: {  	_ =	shalt  }
0x43: {  	_ =	shalt  }
0x44: {  	_ =	shalt  }
0x45: {  	_ =	shalt  }
0x46: {  	_ =	shalt  }
0x47: {  	_ =	shalt  }
0x48: {  	_ =	shalt  }
0x49: {  	_ =	shalt  }
0x4a: {  	_ =	shalt  }
0x4b: {  	_ =	shalt  }
0x4c: {  	_ =	shalt  }
0x4d: {  	_ =	shalt  }
0x4e: {  	_ =	shalt  }
0x4f: {  	_ =	shalt  }
0x50: {  	_ =	shalt  }
0x51: {  	_ =	shalt  }
0x52: {  	_ =	shalt  }
0x53: {  	_ =	shalt  }
0x54: {  	_ =	shalt  }
0x55: {  	_ =	shalt  }
0x56: {  	_ =	shalt  }
0x57: {  	_ =	shalt  }
0x58: {  	_ =	shalt  }
0x59: {  	_ =	shalt  }
0x5a: {  	_ =	shalt  }
0x5b: {  	_ =	shalt  }
0x5c: {  	_ =	shalt  }
0x5d: {  	_ =	shalt  }
0x5e: {  	_ =	shalt  }
0x5f: {  	_ =	shalt  }
0x60: {  	_ =	shalt  }
0x61: {  	_ =	shalt  }
0x62: {  	_ =	shalt  }
0x63: {  	_ =	shalt  }
0x64: {  	_ =	shalt  }
0x65: {  	_ =	shalt  }
0x66: {  	_ =	shalt  }
0x67: {  	_ =	shalt  }
0x68: {  	_ =	shalt  }
0x69: {  	_ =	shalt  }
0x6a: {  	_ =	shalt  }
0x6b: {  	_ =	shalt  }
0x6c: {  	_ =	shalt  }
0x6d: {  	_ =	shalt  }
0x6e: {  	_ =	shalt  }
0x6f: {  	_ =	shalt  }
0x70: {  	_ =	shalt  }
0x71: {  	_ =	shalt  }
0x72: {  	_ =	shalt  }
0x73: {  	_ =	shalt  }
0x74: {  	_ =	shalt  }
0x75: {  	_ =	shalt  }
0x76: {  	_ =	shalt  }
0x77: {  	_ =	shalt  }
0x78: {  	_ =	shalt  }
0x79: {  	_ =	shalt  }
0x7a: {  	_ =	shalt  }
0x7b: {  	_ =	shalt  }
0x7c: {  	_ =	shalt  }
0x7d: {  	_ =	shalt  }
0x7e: {  	_ =	shalt  }
0x7f: {  	_ =	shalt  }
0x80: {  	_ =	shalt  }
0x81: {  	_ =	shalt  }
0x82: {  	_ =	shalt  }
0x83: {  	_ =	shalt  }
0x84: {  	_ =	shalt  }
0x85: {  	_ =	shalt  }
0x86: {  	_ =	shalt  }
0x87: {  	_ =	shalt  }
.Lfunc_end0:
.L_simem_size_0:
called_computation.2_lowered:
.L_overlay_start_0:
0x88: {  	s2 =	sld [smem:$0x3FD9]  }
0x89: {  	s3 =	sld [smem:$0x3FFE];
	_ =	sdelay $0x1  }
0x8a: {  	s1 =	srdreg.scid  }
0x8b: {  	s0 =	sand.u32 $0x1, s1  }
0x8c: {  	s17 =	sshll.u32 s0, $0xA;
	s2 =	sadd.s32 s3, s2  }
0x8d: {  	s2 =	sadd.s32 s2, s17  }
0x8e: {  	[smem:$0x3FBD] =	sst s2  }
0x8f: {  	_ = 	snop  }
0x90: {  	s2 =	sld [smem:$0x3FD0];
	(tm) =	ssettm $0x1  }
0x91: {  	s18 =	sld [smem:$0x3FFB];
	_ =	sdelay $0x3  }
0x92: {  	_ =	strace s18  }
0x93: {  	s3 =	sld [smem:$0x3FFC];
	_ =	sdelay $0x3  }
0x94: {  	_ =	strace s3  }
0x95: {  	s3 =	sld [smem:$0x3FFD];
	_ =	sdelay $0x3  }
0x96: {  	_ =	strace s3  }
0x97: {  	_ =	strace $0x8FFFFFFF  }
0x98: {  	s19 =	sld [smem:$0x3FDB];
	_ =	sdelay $0x1  }
0x99: {  	s4 =	simm.s32 $_scs_section_size  }
0x9a: {  	s5 =	simm.s32 $_size__tile_overlayer_lowered;
	s6 =	simm.s32 $_tile_overlayer_lowered  }
0x9b: {  	s22 =	simm.s32 $0x1BFF;
	s21 =	sshll.u32 s6, $0x1;
	s3 =	sadd.s32 s4, s19  }
0x9c: {  	s7 =	simm.s32 $0x0;
	s20 =	sshll.u32 s5, $0x1;
	s5 =	sadd.s32 s21, s3  }
0x9d: {  	[timem:s7], [sflag:s22] =	dma.local [hbm:s5], s20  }
0x9e: {  	_ =	swait.ge [sflag:s22], s20  }
0x9f: {  	s4 =	ssub.s32 $0x0, s20;
	[sflag:s22] =	ssyncset.done $0x0  }
0xa0: {  	[sflag:s22] =	ssyncadd.s32 s4;
	_ =	sdelay $0x1  }
0xa1: {  	s23 =	simm.s32 $0x1B8B  }
0xa2: {  	_ =	swait.ge [sflag:s23], $0x1  }
0xa3: {  	[sflag:s23] =	ssyncset.done $0x0  }
0xa4: {  	s25 =	simm.s32 $0x1B8E;
	s24 =	sld [smem:$0x3FFE];
	[sflag:s23] =	ssyncadd.s32 $0xFFFFFFFF  }
0xa5: {  	s26 =	simm.s32 $execute0_lowered;
	[smem:$0x3FD2] =	sst s25  }
0xa6: {  	s5 =	sshll.u32 s26, $0x1;
	_ =	strace $0x8000004C;
	[dreg:$0x1] =	wrdreg $0xFFFFFFFF  }
0xa7: {  	s28 =	simm.s32 $_size_execute0_lowered;
	s3 =	sadd.s32 s3, s5;
	[dreg:$0x0] =	wrdreg $0x0  }
0xa8: {  	s5 =	sshll.u32 s28, $0x1;
	[dreg:$0x2] =	wrdreg s3  }
0xa9: {  	[dreg:$0x3] =	wrdreg s5  }
0xaa: {  	[dreg:$0x4] =	wrdreg $0xC0  }
0xab: {  	_ =	task [dreg:s7], $0x5FFFF  }
0xac: {  	[dreg:$0x1] =	wrdreg $0xFFFFFFFF  }
0xad: {  	[dreg:$0x0] =	wrdreg $0x60  }
0xae: {  	[dreg:$0x2] =	wrdreg s24  }
0xaf: {  	[dreg:$0x3] =	wrdreg s2  }
0xb0: {  	[dreg:$0x4] =	wrdreg $0x7C000  }
0xb1: {  	[dreg:$0x5] =	wrdreg $0x9  }
0xb2: {  	_ =	task.clear_ibuf [dreg:s7], $0x6FFFF;
	_ =	strace $0x9000004C  }
0xb3: {  	s29 =	simm.s32 $0x9;
	_ =	strace $0x8000004E  }
0xb4: {  	_ =	swait.ge [sflag:s29], $0x1  }
0xb5: {  	[sflag:s29] =	ssyncadd.s32 $0xFFFFFFFF  }
0xb6: {  	_ =	strace $0x9000004E  }
0xb7: {  	_ =	sfence  }
0xb8: {  	s30 =	sld [smem:$0x0];
	_ =	sdelay $0x2  }
0xb9: {  	s31 =	sshll.u32 s1, $0xD;
	s1 =	sshrl.u32 s1, $0x2  }
0xba: {  	s3 =	sand.u32 $0x4000, s31;
	s1 =	sadd.s32 s1, s30  }
0xbb: {  	s0 =	sor.u32 s3, s0;
	s1 =	sshll.u32 s1, $0x11  }
0xbc: {  	s0 =	sor.u32 s1, s0  }
0xbd: {  	s0 =	sadd.s32 $0x8F2B, s0  }
0xbe: {  	[sflag:s0] =	ssyncadd.remote.s32 $0x1  }
0xbf: {  	_ =	sfence.sel $0xFFFF  }
0xc0: {  	[dreg:$0x0] =	wrdreg $0xFFFFFFFF;
	(pc) =	sbr.abs _section_cstart, $3  }
0xc1: {  	[dreg:$0x1] =	wrdreg $0xFFFFFFFF  }
0xc2: {  	_ =	task.clear_ibuf [dreg:s7], $0x2FFFF;
	_ =	strace $0x9FFFFFFF  }
0xc3: {  	(tm) =	ssettm $0x7FFFFFFF  }
tec
execute0_lowered:
.L_overlay_start_1:
0x0: {  	(tag) =	ssettag $0x1  }
0x1: {  	s7 =	rddreg [dreg:$0x0]  }
0x2: {  	s8 =	rddreg [dreg:$0x1]  }
0x3: {  	s0 =	srdreg.scid;
	s2 =	rddreg [dreg:$0x2]  }
0x4: {  	s1 =	stileid.u32;
	s3 =	simm.s32 $0x0;
	s17 =	simm.s32 $0x200  }
0x5: {  	s18 =	simm.s32 $0x7;
	s19 =	simm.s32 $0x50;
	s20 =	simm.s32 $0x400  }
0x6: {  	s21 =	simm.s32 $0x5;
	s22 =	simm.s32 $0x4;
	s6 =	smul.u32 $0x1F400, s1  }
0x7: {  	s23 =	simm.s32 $0x0;
	s9 =	sand.u32 $0x1, s0;
	s29 =	smul.u32 $0x7D000, s1  }
0x8: {  	[smem:$0x7FF] =	sst s3;
	s4 =	sadd.s32 $0x23E00, s7;
	s15 =	smul.u32 $0x3E80, s1  }
0x9: {  	s13 =	sshll.u32 s1, $0xE;
	p0 =	sgt.u32 s1, $0x9;
	s5 =	smul.u32 $0x138800, s9  }
0xa: {  	_ =	strace $0x8000004D;
	s28 =	ssub.s32 $0x2, s9;
	s9 =	sshll.u32 s9, $0x12  }
0xb: {  	s11 =	sshrl.u32 s28, $0x1;
	s14 =	sshrl.u32 s29, $0x2;
	s8 =	sadd.s32 s8, s15  }
0xc: {  	s10 =	sadd.s32 s6, s5;
	s5 =	sadd.s32 $0x13800, s7;
	s6 =	sadd.s32 $0x3800, s7  }
0xd: {  	s30 =	ssub.s32 s28, s11;
	s16 =	sadd.s32 s14, s2;
	s10 =	sshrl.u32 s10, $0x3  }
0xe: {  	s14 =	sshll.u32 @!p0 s1, $0x6;
	s12 =	sadd.s32 s10, s7;
	s7 =	sor.u32 s13, s9  }
0xf: {  	s14 =	sor.u32 @!p0 $0x1C0D, s14;
	s15 =	sshrl.u32 @!p0 s16, $0x3;
	s31 =	sshrl.u32 s7, $0x3  }
0x10: {  	s16 =	simm.s32 $0x80;
	s13 =	smax.u32 s30, $0x1;
	s9 =	sadd.s32 s5, s31  }
0x11: {  	s12 =	sadd.s32 $0x10E400, s12;
	s11 =	sadd.s32 s6, s31;
	s10 =	sadd.s32 $0x10, s9  }
.LBB2_1:
0x12: {  	[spmem:s15], [sflag:s14] =	dma.local @!p0 [hbm:s8], $0x3E80  }
0x13: {  	s24 =	simm.s32 @!p0 $0xD  }
0x14: {  	_ =	swait.ge @!p0 [sflag:s24], $0x3E80  }
0x15: {  	[sflag:s24] =	ssyncset.done @!p0 $0x0  }
0x16: {  	[sflag:s24] =	ssyncadd.s32 @!p0 $0xFFFFC180  }
0x17: {  	[bflag:$0x0] =	sbarrier.arrive $0xFFFF  }
0x18: {  	[tilespmem:s3], [sflag:$0x7] =	stream.linear.gather [hbm4b:s9+s3], $0x80, $0x38;
	[tilespmem:$0x1B480] =	vst v63  }
0x19: {  	_ = 	snop  }
0x1a: {  	[tilespmem:s16], [sflag:$0x8] =	stream.linear.gather [hbm4b:s10+s3], $0x80, $0x38;
	[tilespmem:$0x1B480] =	vst v63  }
0x1b: {  	_ = 	snop  }
0x1c: {  	[tilespmem:s17], [sflag:$0xA] =	stream.linear.gather [hbm4b:s11+s3], $0x80, $0x38;
	[tilespmem:$0x1B480] =	vst v63  }
0x1d: {  	_ =	swait.ge [sflag:s18], $0x80  }
0x1e: {  	[sflag:s18] =	ssyncset.done $0x0  }
0x1f: {  	s25 =	simm.s32 $0x100;
	s24 =	simm.s32 $0x2;
	[sflag:s18] =	ssyncadd.s32 $0xFFFFFF80  }
0x20: {  	[tilespmem:s20], [sflag:$0x1] =	stream.indirect.gather [hbm4b:s4+s19], $0x80, s3, s19, $0xb8;
	[tilespmem:$0x1B480] =	vst v63  }
.LBB2_2:
0x21: {  	s26 =	smul.u32 $0xAB, s24;
	_ =	sdelay $0x1  }
0x22: {  	s28 =	sadd.s32 $0xFFFFFEAA, s26  }
0x23: {  	s28 =	sshrl.u32 s28, $0x9  }
0x24: {  	s26 =	sadd.s32 $0xFFFFFF55, s26;
	s28 =	sand.u32 $0x7F, s28  }
0x25: {  	s26 =	sshrl.u32 s26, $0x9;
	s28 =	smul.u32 $0x3, s28  }
0x26: {  	s29 =	sadd.s32 $0xFFFFFFFE, s24;
	s26 =	sand.u32 $0x7F, s26  }
0x27: {  	s26 =	smul.u32 $0x3, s26;
	s28 =	ssub.s32 s29, s28  }
0x28: {  	s28 =	sand.u32 $0xFF, s28  }
0x29: {  	s26 =	sxor.u32 $0xFFFFFFFF, s26;
	s30 =	sadd.s32 $0x1, s28  }
0x2a: {  	s26 =	sadd.s32 s24, s26;
	_ =	swait.ge [sflag:s30], $0x2800  }
0x2b: {  	p1 =	slt.u32 s29, $0x2;
	s26 =	sand.u32 $0xFF, s26;
	[sflag:s30] =	ssyncset.done $0x0  }
0x2c: {  	[sflag:s30] =	ssyncadd.s32 $0xFFFFD800;
	s30 =	sadd.s32 @!p1 $0x4, s26  }
0x2d: {  	_ =	swait.ge @!p1 [sflag:s30], $0x2800  }
0x2e: {  	s31 =	smul.u32 $0xA000, s28;
	[sflag:s30] =	ssyncset.done @!p1 $0x0  }
0x2f: {  	[sflag:s30] =	ssyncadd.s32 @!p1 $0xFFFFD800;
	s30 =	sadd.s32 $0xA, s28  }
0x30: {  	s0 =	sshll.u32 s28, $0x7;
	s31 =	sshrl.u32 s31, $0x2;
	_ =	swait.ge [sflag:s30], $0x80  }
0x31: {  	s0 =	sadd.s32 $0x200, s0;
	s31 =	sor.u32 $0x400, s31;
	[sflag:s30] =	ssyncset.done $0x0  }
0x32: {  	s28 =	sadd.s32 $0x4, s28;
	p1 =	seq.s32 s24, $0x7E;
	[sflag:s30] =	ssyncadd.s32 $0xFFFFFF80  }
0x33: {  	[spmem:s2] =	stream.indirect.scatter.add.f32 [tilespmem:s31], [sflag:s28], $0x80, s0, s19, $0xb8;
	[tilespmem:$0x1B480] =	vst v63  }
0x34: {  	s0 =	sadd.s32 @!p1 $0x7, s26  }
0x35: {  	s28 =	smul.u32 @!p1 $0xA000, s26;
	_ =	swait.ge @!p1 [sflag:s0], $0x80  }
0x36: {  	[sflag:s0] =	ssyncset.done @!p1 $0x0  }
0x37: {  	s30 =	sshll.u32 @!p1 s26, $0x7;
	[sflag:s0] =	ssyncadd.s32 @!p1 $0xFFFFFF80;
	s0 =	sshrl.u32 @!p1 s28, $0x2  }
0x38: {  	s31 =	simm.s32 @!p1 $0x50;
	s28 =	sadd.s32 @!p1 $0x1, s26;
	s0 =	sor.u32 @!p1 $0x400, s0  }
0x39: {  	[tilespmem:s0], [sflag:s28] =	stream.indirect.gather @!p1 [hbm4b:s4+s31], $0x80, s30, s31, $0xb8;
	[tilespmem:$0x1B480] =	vst v63  }
0x3a: {  	s0 =	sadd.s32 @!p1 $0xFFFFFF80, s25  }
0x3b: {  	s28 =	sand.u32 @!p1 $0x7C00, s0  }
0x3c: {  	s0 =	sand.u32 @!p1 $0x380, s0;
	s28 =	sadd.s32 @!p1 s7, s28  }
0x3d: {  	p2 =	sgt.u32 @!p1 s29, $0x7A;
	s29 =	simm.s32 @!p1 $0x0;
	s0 =	sor.u32 @!p1 s0, s28  }
0x3e: {  	p2 =	por p2, p1;
	s26 =	sadd.s32 @!p1 $0xA, s26;
	s0 =	sshrl.u32 @!p1 s0, $0x3  }
0x3f: {  	s28 =	sadd.s32 @!p1 $0x200, s30;
	s30 =	smul.u32 @!p2 $0xAB, s24;
	s0 =	sadd.s32 @!p1 s6, s0  }
0x40: {  	[tilespmem:s28], [sflag:s26] =	stream.linear.gather @!p1 [hbm4b:s0+s29], $0x80, $0x38;
	[tilespmem:$0x1B480] =	vst v63  }
0x41: {  	s0 =	sshrl.u32 @!p2 s30, $0x9  }
0x42: {  	s26 =	sand.u32 @!p2 $0x7C00, s25;
	s0 =	sand.u32 @!p2 $0x7F, s0  }
0x43: {  	s28 =	sand.u32 @!p2 $0x380, s25;
	s26 =	sadd.s32 @!p2 s7, s26;
	s0 =	smul.u32 @!p2 $0x3, s0  }
0x44: {  	s26 =	sor.u32 @!p2 s28, s26  }
0x45: {  	s26 =	sshrl.u32 @!p2 s26, $0x3;
	s0 =	ssub.s32 @!p2 s24, s0  }
0x46: {  	s29 =	simm.s32 @!p2 $0x0;
	s26 =	sadd.s32 @!p2 s5, s26;
	s0 =	sand.u32 @!p2 $0xFF, s0  }
0x47: {  	s24 =	sadd.s32 @!p1 $0x1, s24;
	s28 =	sshll.u32 @!p2 s0, $0x7;
	s0 =	sadd.s32 @!p2 $0x7, s0  }
0x48: {  	[tilespmem:s28], [sflag:s0] =	stream.linear.gather @!p2 [hbm4b:s26+s29], $0x80, $0x38;
	[tilespmem:$0x1B480] =	vst v63  }
0x49: {  	p2 =	sne.s32 @!p1 s24, $0x7F  }
0x4a: {  	p2 =	por p1, !p2  }
.Ltmp0:
0x4b: {  	_ = 	snop;
	(pc) =	sbr.rel @!p2 .LBB2_2-.Ltmp0, $2  }
0x4c: {  	_ =	sdelay $0x2  }
0x4d: {  	s25 =	sadd.s32 @!p1 $0x80, s25  }
0x4e: {  	_ =	swait.ge [sflag:s21], $0x2800  }
0x4f: {  	[sflag:s21] =	ssyncset.done $0x0  }
0x50: {  	[sflag:s21] =	ssyncadd.s32 $0xFFFFD800  }
0x51: {  	_ =	swait.ge [sflag:s22], $0x2800  }
0x52: {  	s23 =	sadd.s32 $0x1, s23;
	[sflag:s22] =	ssyncset.done $0x0  }
0x53: {  	p1 =	sne.s32 s23, s13;
	[sflag:s22] =	ssyncadd.s32 $0xFFFFD800  }
.Ltmp1:
0x54: {  	s0 =	simm.s32 @!p0 $0xD;
	[bflag:$0x0] =	sbarrier.arrive $0xFFFF;
	(pc) =	sbr.rel @p1 .LBB2_1-.Ltmp1, $4  }
0x55: {  	[hbm:s12], [sflag:s14] =	dma.local @!p0 [spmem:s15], $0x3E80  }
0x56: {  	_ =	swait.ge @!p0 [sflag:s0], $0x3E80  }
0x57: {  	[sflag:s0] =	ssyncset.done @!p0 $0x0  }
0x58: {  	[sflag:s0] =	ssyncadd.s32 @!p0 $0xFFFFC180  }
0x59: {  	_ =	sfence.sel $0x180000  }
0x5a: {  	[bflag:$0x0] =	sbarrier.arrive $0xFFFF  }
0x5b: {  	_ =	strace $0x9000004D  }
0x5c: {  	[bflag:$0x2] =	sbarrier.arrive $0xFFFF  }
0x5d: {  	p0 =	sne.s32 s1, $0x0;
	s0 =	rddreg [dreg:$0x3]  }
0x5e: {  	s0 =	sadd.s32 @!p0 $0x100000, s0  }
0x5f: {  	[sflag:s0] =	ssyncadd.tile.s32 @!p0 $0x1;
	_ =	shalt  }
.Lfunc_end2:
_tile_overlayer_lowered:
.L_overlay_start_2:
0x60: {  	(tag) =	ssettag $0x2  }
0x61: {  	s0 =	rddreg [dreg:$0x0];
	s2 =	stileid.u32  }
0x62: {  	s1 =	rddreg [dreg:$0x1];
	p0 =	sne.s32 s2, $0x0  }
0x63: {  	s3 =	rddreg [dreg:$0x2];
	[bflag:$0x3] =	sbarrier.arrive $0xFFFF;
	s2 =	simm.s32 @!p0 $0x1C0D  }
0x64: {  	[timem:s3], [sflag:s2] =	dma.local @!p0 [hbm:s0], s1  }
0x65: {  	s0 =	simm.s32 @!p0 $0xD  }
0x66: {  	_ =	swait.ge @!p0 [sflag:s0], s1  }
0x67: {  	s1 =	ssub.s32 @!p0 $0x0, s1;
	[sflag:s0] =	ssyncset.done @!p0 $0x0  }
0x68: {  	[sflag:s0] =	ssyncadd.s32 @!p0 s1  }
0x69: {  	[bflag:$0x3] =	sbarrier.arrive $0xFFFF  }
0x6a: {  	_ =	shalt  }

// kernel: sc_sage_agg_cnt.3.cloned.1.call-start
scs
__scs_entry_jumppad:
0x0: {  	(pc) =	sbr.rel $0x88, $3  }
0x1: {  	(tag) =	ssettag $0x0;
	lr =	simm.s32 $0x1  }
0x2: {  	[smem:$0x3F96] =	sst lr;
	_ =	strace $0xD0000000  }
0x3: {  	_ = 	snop  }
0x4: {  	_ = 	snop  }
0x5: {  	_ = 	snop  }
0x6: {  	_ = 	snop  }
0x7: {  	_ = 	snop  }
__scs_overlays_trampoline_lowered:
0x8: {  	[smem:$0x3FA5] =	sst s0  }
0x9: {  	[smem:$0x3FA6] =	sst s1  }
0xa: {  	[smem:$0x3FA7] =	sst s2  }
0xb: {  	[smem:$0x3FA8] =	sst s3  }
0xc: {  	[smem:$0x3FA9] =	sst s4  }
0xd: {  	[smem:$0x3FAA] =	sst s5  }
0xe: {  	[smem:$0x3FAB] =	sst s6  }
0xf: {  	[smem:$0x3FAC] =	sst s7  }
0x10: {  	[smem:$0x3FAD] =	sst s8  }
0x11: {  	[smem:$0x3FAE] =	sst s9;
	s0 =	simm.s32 @!p0 $0x0  }
0x12: {  	s1 =	sld [smem:$0x3F94];
	s0 =	simm.s32 @p0 $0x1  }
0x13: {  	[smem:$0x3FAF] =	sst s0;
	s0 =	simm.s32 @!p1 $0x0  }
0x14: {  	s2 =	sld [smem:$0x3F93];
	s0 =	simm.s32 @p1 $0x1  }
0x15: {  	[smem:$0x3FB0] =	sst s0;
	s0 =	simm.s32 @!p2 $0x0  }
0x16: {  	s3 =	sld [smem:$0x3FDB];
	s0 =	simm.s32 @p2 $0x1  }
0x17: {  	s4 =	simm.s32 $0x1BF5;
	[smem:$0x3FB2] =	sst s0  }
0x18: {  	s0 =	sld [smem:$0x3F95];
	_ =	swait.ge [sflag:s4], $0x0  }
0x19: {  	s7 =	sld [smem:$0x3F96]  }
0x1a: {  	s8 =	sadd.s32 $0xFFFFE003, lr  }
0x1b: {  	s9 =	sadd.s32 $0xFFFFFEF7, lr;
	s5 =	simm.s32 $0xFFFFFFFF;
	p2 =	slt.u32 s8, $0xFFFFF086  }
0x1c: {  	p1 =	slt.u32 s9, $0xF7A;
	s5 =	simm.s32 @!p2 $0x0  }
0x1d: {  	s5 =	simm.s32 @p1 $0x1;
	p0 =	seq.s32 s7, s2  }
0x1e: {  	s7 =	smul.u32 @!p0 $0xF7A, s2;
	p2 =	seq.s32 @!p0 s5, $0x0  }
0x1f: {  	s9 =	smul.u32 $0xF7A, s1;
	s8 =	simm.s32 @!p0 $0x1BF5;
	p2 =	por !p2, p0  }
0x20: {  	[sflag:s8] =	ssyncset.s32 @!p0 $0xFFFFF086;
	s6 =	sadd.s32 @!p0 s3, s7;
	s7 =	simm.s32 @!p0 $0x108  }
0x21: {  	s3 =	sadd.s32 s3, s9;
	s6 =	sadd.s32 @!p0 $0x88, s6;
	s7 =	simm.s32 @p2 $0x1082  }
0x22: {  	[simem:s7], [sflag:s8] =	dma.local @!p0 [hbm:s6], $0xF7A  }
0x23: {  	s9 =	sor.u32 $0xD0000000, s2;
	s6 =	simm.s32 $0x108;
	_ =	swait.ge @!p0 [sflag:s8], $0x0  }
0x24: {  	s3 =	sadd.s32 $0x88, s3;
	s6 =	simm.s32 @!p1 $0x1082;
	[sflag:s4] =	ssyncset.s32 $0xFFFFF086  }
0x25: {  	[simem:s6], [sflag:s4] =	dma.local [hbm:s3], $0xF7A  }
0x26: {  	[smem:$0x3F96] =	sst s1;
	(tag) =	ssettag s2;
	_ =	strace s9  }
0x27: {  	s1 =	sld [smem:$0x3FA6]  }
0x28: {  	s2 =	sld [smem:$0x3FA7]  }
0x29: {  	s4 =	sld [smem:$0x3FA9]  }
0x2a: {  	p0 =	seq.s32 s5, $0x0;
	s5 =	sld [smem:$0x3FAA]  }
0x2b: {  	s6 =	sld [smem:$0x3FAB]  }
0x2c: {  	s7 =	sld [smem:$0x3FAC]  }
0x2d: {  	s3 =	simm.s32 $0x108;
	s8 =	sld [smem:$0x3FAD]  }
0x2e: {  	s3 =	simm.s32 @!p0 $0x1082;
	s9 =	sld [smem:$0x3FAE]  }
0x2f: {  	lr =	sadd.s32 s0, s3;
	s0 =	sld [smem:$0x3FA5]  }
0x30: {  	s3 =	sld [smem:$0x3FA8]  }
0x31: {  	[smem:$0x3FB1] =	sst s10  }
0x32: {  	s10 =	sld [smem:$0x3FAF];
	_ =	sdelay $0x3  }
0x33: {  	p0 =	seq.s32 s10, $0x1;
	s10 =	sld [smem:$0x3FB1];
	_ =	sdelay $0x3  }
0x34: {  	[smem:$0x3FB1] =	sst s10  }
0x35: {  	s10 =	sld [smem:$0x3FB0];
	_ =	sdelay $0x3  }
0x36: {  	p1 =	seq.s32 s10, $0x1;
	s10 =	sld [smem:$0x3FB1];
	_ =	sdelay $0x3  }
0x37: {  	[smem:$0x3FB1] =	sst s10  }
0x38: {  	s10 =	sld [smem:$0x3FB2]  }
0x39: {  	_ = 	snop;
	(pc) =	sbr.ind lr, $3  }
0x3a: {  	_ = 	snop  }
0x3b: {  	_ = 	snop  }
0x3c: {  	p2 =	seq.s32 s10, $0x1;
	s10 =	sld [smem:$0x3FB1]  }
0x3d: {  	_ =	shalt  }
0x3e: {  	_ =	shalt  }
0x3f: {  	_ =	shalt  }
0x40: {  	_ =	shalt  }
0x41: {  	_ =	shalt  }
0x42: {  	_ =	shalt  }
0x43: {  	_ =	shalt  }
0x44: {  	_ =	shalt  }
0x45: {  	_ =	shalt  }
0x46: {  	_ =	shalt  }
0x47: {  	_ =	shalt  }
0x48: {  	_ =	shalt  }
0x49: {  	_ =	shalt  }
0x4a: {  	_ =	shalt  }
0x4b: {  	_ =	shalt  }
0x4c: {  	_ =	shalt  }
0x4d: {  	_ =	shalt  }
0x4e: {  	_ =	shalt  }
0x4f: {  	_ =	shalt  }
0x50: {  	_ =	shalt  }
0x51: {  	_ =	shalt  }
0x52: {  	_ =	shalt  }
0x53: {  	_ =	shalt  }
0x54: {  	_ =	shalt  }
0x55: {  	_ =	shalt  }
0x56: {  	_ =	shalt  }
0x57: {  	_ =	shalt  }
0x58: {  	_ =	shalt  }
0x59: {  	_ =	shalt  }
0x5a: {  	_ =	shalt  }
0x5b: {  	_ =	shalt  }
0x5c: {  	_ =	shalt  }
0x5d: {  	_ =	shalt  }
0x5e: {  	_ =	shalt  }
0x5f: {  	_ =	shalt  }
0x60: {  	_ =	shalt  }
0x61: {  	_ =	shalt  }
0x62: {  	_ =	shalt  }
0x63: {  	_ =	shalt  }
0x64: {  	_ =	shalt  }
0x65: {  	_ =	shalt  }
0x66: {  	_ =	shalt  }
0x67: {  	_ =	shalt  }
0x68: {  	_ =	shalt  }
0x69: {  	_ =	shalt  }
0x6a: {  	_ =	shalt  }
0x6b: {  	_ =	shalt  }
0x6c: {  	_ =	shalt  }
0x6d: {  	_ =	shalt  }
0x6e: {  	_ =	shalt  }
0x6f: {  	_ =	shalt  }
0x70: {  	_ =	shalt  }
0x71: {  	_ =	shalt  }
0x72: {  	_ =	shalt  }
0x73: {  	_ =	shalt  }
0x74: {  	_ =	shalt  }
0x75: {  	_ =	shalt  }
0x76: {  	_ =	shalt  }
0x77: {  	_ =	shalt  }
0x78: {  	_ =	shalt  }
0x79: {  	_ =	shalt  }
0x7a: {  	_ =	shalt  }
0x7b: {  	_ =	shalt  }
0x7c: {  	_ =	shalt  }
0x7d: {  	_ =	shalt  }
0x7e: {  	_ =	shalt  }
0x7f: {  	_ =	shalt  }
0x80: {  	_ =	shalt  }
0x81: {  	_ =	shalt  }
0x82: {  	_ =	shalt  }
0x83: {  	_ =	shalt  }
0x84: {  	_ =	shalt  }
0x85: {  	_ =	shalt  }
0x86: {  	_ =	shalt  }
0x87: {  	_ =	shalt  }
.Lfunc_end0:
.L_simem_size_0:
called_computation_lowered:
.L_overlay_start_0:
0x88: {  	s2 =	sld [smem:$0x3FD9]  }
0x89: {  	s3 =	sld [smem:$0x3FFE];
	_ =	sdelay $0x1  }
0x8a: {  	s1 =	srdreg.scid  }
0x8b: {  	s0 =	sand.u32 $0x1, s1  }
0x8c: {  	s17 =	sshll.u32 s0, $0xA;
	s2 =	sadd.s32 s3, s2  }
0x8d: {  	s2 =	sadd.s32 s2, s17  }
0x8e: {  	[smem:$0x3FBD] =	sst s2  }
0x8f: {  	_ = 	snop  }
0x90: {  	s2 =	sld [smem:$0x3FC9]  }
0x91: {  	s18 =	sld [smem:$0x3FD0];
	(tm) =	ssettm $0x1  }
0x92: {  	s4 =	sld [smem:$0x3FFB];
	_ =	sdelay $0x3  }
0x93: {  	_ =	strace s4  }
0x94: {  	s4 =	sld [smem:$0x3FFC];
	_ =	sdelay $0x3  }
0x95: {  	_ =	strace s4  }
0x96: {  	s4 =	sld [smem:$0x3FFD];
	_ =	sdelay $0x3  }
0x97: {  	_ =	strace s4  }
0x98: {  	_ =	strace $0x8FFFFFFF  }
0x99: {  	s19 =	sld [smem:$0x3FDB];
	_ =	sdelay $0x1  }
0x9a: {  	s5 =	simm.s32 $_scs_section_size  }
0x9b: {  	s6 =	simm.s32 $_size__tile_overlayer_lowered;
	s7 =	simm.s32 $_tile_overlayer_lowered  }
0x9c: {  	s22 =	simm.s32 $0x1BFF;
	s21 =	sshll.u32 s7, $0x1;
	s4 =	sadd.s32 s5, s19  }
0x9d: {  	s8 =	simm.s32 $0x0;
	s20 =	sshll.u32 s6, $0x1;
	s6 =	sadd.s32 s21, s4  }
0x9e: {  	[timem:s8], [sflag:s22] =	dma.local [hbm:s6], s20  }
0x9f: {  	_ =	swait.ge [sflag:s22], s20  }
0xa0: {  	s5 =	ssub.s32 $0x0, s20;
	[sflag:s22] =	ssyncset.done $0x0  }
0xa1: {  	[sflag:s22] =	ssyncadd.s32 s5;
	_ =	sdelay $0x1  }
0xa2: {  	s23 =	simm.s32 $0x1B8B  }
0xa3: {  	_ =	swait.ge [sflag:s23], $0x1  }
0xa4: {  	[sflag:s23] =	ssyncset.done $0x0  }
0xa5: {  	s25 =	simm.s32 $0x1B8E;
	s24 =	sld [smem:$0x3FFE];
	[sflag:s23] =	ssyncadd.s32 $0xFFFFFFFF  }
0xa6: {  	s26 =	simm.s32 $execute0_lowered;
	[smem:$0x3FD2] =	sst s25  }
0xa7: {  	s6 =	sshll.u32 s26, $0x1;
	_ =	strace $0x80000046;
	[dreg:$0x1] =	wrdreg $0xFFFFFFFF  }
0xa8: {  	s28 =	simm.s32 $_size_execute0_lowered;
	s4 =	sadd.s32 s4, s6;
	[dreg:$0x0] =	wrdreg $0x0  }
0xa9: {  	s6 =	sshll.u32 s28, $0x1;
	[dreg:$0x2] =	wrdreg s4  }
0xaa: {  	[dreg:$0x3] =	wrdreg s6  }
0xab: {  	[dreg:$0x4] =	wrdreg $0xC0  }
0xac: {  	_ =	task [dreg:s8], $0x5FFFF  }
0xad: {  	[dreg:$0x1] =	wrdreg $0xFFFFFFFF  }
0xae: {  	[dreg:$0x0] =	wrdreg $0x60  }
0xaf: {  	[dreg:$0x2] =	wrdreg s2  }
0xb0: {  	[dreg:$0x3] =	wrdreg s24  }
0xb1: {  	[dreg:$0x4] =	wrdreg s18  }
0xb2: {  	[dreg:$0x5] =	wrdreg $0x7C000  }
0xb3: {  	[dreg:$0x6] =	wrdreg $0x9  }
0xb4: {  	_ =	task.clear_ibuf [dreg:s8], $0x7FFFF;
	_ =	strace $0x90000046  }
0xb5: {  	s29 =	simm.s32 $0x9;
	_ =	strace $0x80000048  }
0xb6: {  	_ =	swait.ge [sflag:s29], $0x1  }
0xb7: {  	[sflag:s29] =	ssyncadd.s32 $0xFFFFFFFF  }
0xb8: {  	_ =	strace $0x90000048  }
0xb9: {  	_ =	sfence  }
0xba: {  	s30 =	sld [smem:$0x0];
	_ =	sdelay $0x2  }
0xbb: {  	s31 =	sshll.u32 s1, $0xD;
	s1 =	sshrl.u32 s1, $0x2  }
0xbc: {  	s3 =	sand.u32 $0x4000, s31;
	s1 =	sadd.s32 s1, s30  }
0xbd: {  	s0 =	sor.u32 s3, s0;
	s1 =	sshll.u32 s1, $0x11  }
0xbe: {  	s0 =	sor.u32 s1, s0  }
0xbf: {  	s0 =	sadd.s32 $0x8F2B, s0  }
0xc0: {  	[sflag:s0] =	ssyncadd.remote.s32 $0x1  }
0xc1: {  	_ =	sfence.sel $0xFFFF  }
0xc2: {  	[dreg:$0x0] =	wrdreg $0xFFFFFFFF;
	(pc) =	sbr.abs _section_cstart, $3  }
0xc3: {  	[dreg:$0x1] =	wrdreg $0xFFFFFFFF  }
0xc4: {  	_ =	task.clear_ibuf [dreg:s8], $0x2FFFF;
	_ =	strace $0x9FFFFFFF  }
0xc5: {  	(tm) =	ssettm $0x7FFFFFFF  }
tec
execute0_lowered:
.L_overlay_start_1:
0x0: {  	(tag) =	ssettag $0x1  }
0x1: {  	s1 =	rddreg [dreg:$0x0]  }
0x2: {  	s2 =	rddreg [dreg:$0x1]  }
0x3: {  	s13 =	rddreg [dreg:$0x2];
	s4 =	srdreg.scid  }
0x4: {  	s0 =	stileid.u32;
	s3 =	rddreg [dreg:$0x3]  }
0x5: {  	s19 =	simm.s32 $0x400;
	s20 =	simm.s32 $0xF;
	s21 =	simm.s32 $0x200  }
0x6: {  	s28 =	simm.s32 $0x4;
	s29 =	simm.s32 $0x0;
	s12 =	smul.u32 $0x1F400, s0  }
0x7: {  	s8 =	sand.u32 $0x1, s4;
	s4 =	simm.s32 $0x0;
	s10 =	smul.u32 $0x7D000, s0  }
0x8: {  	s6 =	sadd.s32 $0x3800, s2;
	s22 =	sadd.s32 $0x23800, s2;
	s15 =	smul.u32 $0x3E80, s0  }
0x9: {  	s11 =	sshll.u32 s0, $0xE;
	p0 =	sgt.u32 s0, $0x9;
	s5 =	smul.u32 $0x138800, s8  }
0xa: {  	[smem:$0x7FF] =	sst s4;
	s23 =	ssub.s32 $0x2, s8;
	s8 =	sshll.u32 s8, $0x12  }
0xb: {  	_ =	strace $0x80000047;
	[dreg:$0x5] =	wrdreg s22;
	s14 =	sshrl.u32 s23, $0x1  }
0xc: {  	s8 =	sor.u32 s11, s8;
	s24 =	sshrl.u32 s10, $0x2;
	s26 =	sadd.s32 s13, s15  }
0xd: {  	s31 =	sshrl.u32 s12, $0x3;
	s22 =	simm.s32 $0x50;
	s7 =	sadd.s32 s12, s5  }
0xe: {  	s5 =	sadd.s32 $0x13800, s2;
	s16 =	ssub.s32 s23, s14;
	s25 =	sshrl.u32 s8, $0x3  }
0xf: {  	s18 =	sadd.s32 s24, s3;
	[dreg:$0x6] =	wrdreg s26;
	s13 =	sadd.s32 s13, s31  }
0x10: {  	s23 =	simm.s32 $0xD;
	s26 =	simm.s32 $0x5;
	s9 =	sshrl.u32 s7, $0x3  }
0x11: {  	s10 =	sadd.s32 s6, s25;
	s12 =	sadd.s32 s5, s25;
	s16 =	smax.u32 s16, $0x1  }
0x12: {  	s18 =	sshrl.u32 @!p0 s18, $0x3;
	s25 =	simm.s32 $0x7;
	s2 =	sadd.s32 s9, s2  }
0x13: {  	s30 =	sadd.s32 $0x72000, s2;
	s15 =	sadd.s32 $0x23E00, s2;
	s2 =	sshll.u32 @!p0 s0, $0x6  }
0x14: {  	s14 =	sadd.s32 $0x10, s12;
	[dreg:$0x7] =	wrdreg s30;
	s17 =	sor.u32 @!p0 $0x1C0F, s2  }
.LBB2_1:
0x15: {  	s0 =	rddreg [dreg:$0x6];
	s2 =	simm.s32 @!p0 $0xF  }
0x16: {  	[spmem:s18], [sflag:s17] =	dma.local @!p0 [hbm:s0], $0x3E80  }
0x17: {  	_ =	swait.ge @!p0 [sflag:s2], $0x3E80  }
0x18: {  	[sflag:s2] =	ssyncset.done @!p0 $0x0  }
0x19: {  	s24 =	rddreg [dreg:$0x5];
	[sflag:s2] =	ssyncadd.s32 @!p0 $0xFFFFC180  }
0x1a: {  	[tilespmem:s19], [sflag:$0xF] =	stream.linear.gather [hbm4b:s24+s4], $0x2800, $0x38;
	[tilespmem:$0x1B480] =	vst v63  }
0x1b: {  	_ =	swait.ge [sflag:s20], $0x2800  }
0x1c: {  	[sflag:s20] =	ssyncset.done $0x0  }
0x1d: {  	[sflag:s20] =	ssyncadd.s32 $0xFFFFD800  }
0x1e: {  	s30 =	simm.s32 $0x0;
	s31 =	simm.s32 $0x80;
	[bflag:$0x0] =	sbarrier.arrive $0xFFFF  }
0x1f: {  	[tilespmem:s21], [sflag:$0xA] =	stream.linear.gather [hbm4b:s10+s4], $0x80, $0x38;
	[tilespmem:$0x1B480] =	vst v63  }
.LBB2_2:
0x20: {  	s2 =	sand.u32 $0x1, s30;
	p1 =	seq.s32 s30, $0x0  }
0x21: {  	s0 =	sor.u32 $0xA, s2;
	s24 =	sshll.u32 s2, $0x7;
	s11 =	sadd.s32 $0xD, s2  }
0x22: {  	s2 =	sxor.u32 $0x1, s2;
	p2 =	seq.s32 @!p1 s30, $0x7C;
	_ =	swait.ge [sflag:s0], $0x80  }
0x23: {  	s24 =	sor.u32 $0x200, s24;
	p2 =	por p1, !p2;
	[sflag:s0] =	ssyncset.done $0x0  }
.Ltmp0:
0x24: {  	[sflag:s0] =	ssyncadd.s32 $0xFFFFFF80;
	s0 =	sadd.s32 @!p1 $0xD, s2;
	(pc) =	sbr.rel @!p2 .LBB2_4-.Ltmp0, $4  }
0x25: {  	[spmem:s3] =	stream.indirect.scatter.add.f32 [tilespmem:s19], [sflag:s11], $0x80, s24, s22, $0xb8;
	[tilespmem:$0x1B480] =	vst v63  }
0x26: {  	_ =	swait.ge @!p1 [sflag:s0], $0x2800  }
0x27: {  	[sflag:s0] =	ssyncset.done @!p1 $0x0  }
0x28: {  	[sflag:s0] =	ssyncadd.s32 @!p1 $0xFFFFD800  }
0x29: {  	s0 =	sand.u32 $0x7C00, s31  }
.Ltmp1:
0x2a: {  	s24 =	sand.u32 $0x380, s31;
	s0 =	sadd.s32 s8, s0;
	(pc) =	sbr.rel .LBB2_2-.Ltmp1, $4  }
0x2b: {  	s9 =	sshll.u32 s2, $0x7;
	s0 =	sor.u32 s24, s0  }
0x2c: {  	s11 =	sor.u32 $0xA, s2;
	s31 =	sadd.s32 $0x80, s31;
	s0 =	sshrl.u32 s0, $0x3  }
0x2d: {  	s30 =	sadd.s32 $0x1, s30;
	s24 =	sor.u32 $0x200, s9;
	s0 =	sadd.s32 s6, s0  }
0x2e: {  	[tilespmem:s24], [sflag:s11] =	stream.linear.gather [hbm4b:s0+s4], $0x80, $0x38;
	[tilespmem:$0x1B480] =	vst v63  }
.LBB2_4:
0x2f: {  	_ =	swait.ge [sflag:s23], $0x2800  }
0x30: {  	[sflag:s23] =	ssyncset.done $0x0  }
0x31: {  	[sflag:s23] =	ssyncadd.s32 $0xFFFFD800  }
0x32: {  	[bflag:$0x0] =	sbarrier.arrive $0xFFFF  }
0x33: {  	[bflag:$0x0] =	sbarrier.arrive @p0 $0xFFFF  }
0x34: {  	s0 =	rddreg [dreg:$0x7]  }
0x35: {  	[hbm:s0], [sflag:s17] =	dma.local @!p0 [spmem:s18], $0x3E80  }
0x36: {  	s0 =	simm.s32 @!p0 $0xF  }
0x37: {  	_ =	swait.ge @!p0 [sflag:s0], $0x3E80  }
0x38: {  	[sflag:s0] =	ssyncset.done @!p0 $0x0  }
0x39: {  	[sflag:s0] =	ssyncadd.s32 @!p0 $0xFFFFC180  }
0x3a: {  	[bflag:$0x0] =	sbarrier.arrive @!p0 $0xFFFF  }
0x3b: {  	[spmem:s18], [sflag:s17] =	dma.local @!p0 [hbm:s13], $0x3E80  }
0x3c: {  	_ =	swait.ge @!p0 [sflag:s0], $0x3E80  }
0x3d: {  	[sflag:s0] =	ssyncset.done @!p0 $0x0  }
0x3e: {  	[sflag:s0] =	ssyncadd.s32 @!p0 $0xFFFFC180  }
0x3f: {  	[bflag:$0x0] =	sbarrier.arrive $0xFFFF  }
0x40: {  	[tilespmem:s4], [sflag:$0x7] =	stream.linear.gather [hbm4b:s12+s4], $0x80, $0x38;
	[tilespmem:$0x1B480] =	vst v63  }
0x41: {  	s24 =	simm.s32 $0x80  }
0x42: {  	[tilespmem:s24], [sflag:$0x8] =	stream.linear.gather [hbm4b:s14+s4], $0x80, $0x38;
	[tilespmem:$0x1B480] =	vst v63  }
0x43: {  	_ = 	snop  }
0x44: {  	[tilespmem:s21], [sflag:$0xA] =	stream.linear.gather [hbm4b:s10+s4], $0x80, $0x38;
	[tilespmem:$0x1B480] =	vst v63  }
0x45: {  	_ =	swait.ge [sflag:s25], $0x80  }
0x46: {  	[sflag:s25] =	ssyncset.done $0x0  }
0x47: {  	s30 =	simm.s32 $0x2;
	s31 =	simm.s32 $0x100;
	[sflag:s25] =	ssyncadd.s32 $0xFFFFFF80  }
0x48: {  	[tilespmem:s19], [sflag:$0x1] =	stream.indirect.gather [hbm4b:s1+s22], $0x80, s4, s22, $0xb8;
	[tilespmem:$0x1B480] =	vst v63  }
.LBB2_5:
0x49: {  	s0 =	smul.u32 $0xAB, s30;
	_ =	sdelay $0x1  }
0x4a: {  	s2 =	sadd.s32 $0xFFFFFEAA, s0  }
0x4b: {  	s2 =	sshrl.u32 s2, $0x9  }
0x4c: {  	s0 =	sadd.s32 $0xFFFFFF55, s0;
	s2 =	sand.u32 $0x7F, s2  }
0x4d: {  	s0 =	sshrl.u32 s0, $0x9;
	s2 =	smul.u32 $0x3, s2  }
0x4e: {  	s24 =	sadd.s32 $0xFFFFFFFE, s30;
	s0 =	sand.u32 $0x7F, s0  }
0x4f: {  	s0 =	smul.u32 $0x3, s0;
	s2 =	ssub.s32 s24, s2  }
0x50: {  	s2 =	sand.u32 $0xFF, s2  }
0x51: {  	s0 =	sxor.u32 $0xFFFFFFFF, s0;
	s7 =	sadd.s32 $0x1, s2  }
0x52: {  	s0 =	sadd.s32 s30, s0;
	_ =	swait.ge [sflag:s7], $0x2800  }
0x53: {  	p1 =	slt.u32 s24, $0x2;
	s0 =	sand.u32 $0xFF, s0;
	[sflag:s7] =	ssyncset.done $0x0  }
0x54: {  	[sflag:s7] =	ssyncadd.s32 $0xFFFFD800;
	s7 =	sadd.s32 @!p1 $0x4, s0  }
0x55: {  	_ =	swait.ge @!p1 [sflag:s7], $0x2800  }
0x56: {  	s9 =	smul.u32 $0xA000, s2;
	[sflag:s7] =	ssyncset.done @!p1 $0x0  }
0x57: {  	[sflag:s7] =	ssyncadd.s32 @!p1 $0xFFFFD800;
	s7 =	sadd.s32 $0xA, s2  }
0x58: {  	s11 =	sshll.u32 s2, $0x7;
	s9 =	sshrl.u32 s9, $0x2;
	_ =	swait.ge [sflag:s7], $0x80  }
0x59: {  	s11 =	sadd.s32 $0x200, s11;
	s9 =	sor.u32 $0x400, s9;
	[sflag:s7] =	ssyncset.done $0x0  }
0x5a: {  	s2 =	sadd.s32 $0x4, s2;
	p1 =	seq.s32 s30, $0x7E;
	[sflag:s7] =	ssyncadd.s32 $0xFFFFFF80  }
0x5b: {  	[spmem:s3] =	stream.indirect.scatter.add.f32 [tilespmem:s9], [sflag:s2], $0x80, s11, s22, $0xb8;
	[tilespmem:$0x1B480] =	vst v63  }
0x5c: {  	s2 =	sadd.s32 @!p1 $0x7, s0  }
0x5d: {  	s7 =	smul.u32 @!p1 $0xA000, s0;
	_ =	swait.ge @!p1 [sflag:s2], $0x80  }
0x5e: {  	[sflag:s2] =	ssyncset.done @!p1 $0x0  }
0x5f: {  	s9 =	sshll.u32 @!p1 s0, $0x7;
	[sflag:s2] =	ssyncadd.s32 @!p1 $0xFFFFFF80;
	s2 =	sshrl.u32 @!p1 s7, $0x2  }
0x60: {  	s11 =	simm.s32 @!p1 $0x50;
	s7 =	sadd.s32 @!p1 $0x1, s0;
	s2 =	sor.u32 @!p1 $0x400, s2  }
0x61: {  	[tilespmem:s2], [sflag:s7] =	stream.indirect.gather @!p1 [hbm4b:s1+s11], $0x80, s9, s11, $0xb8;
	[tilespmem:$0x1B480] =	vst v63  }
0x62: {  	s2 =	sadd.s32 @!p1 $0xFFFFFF80, s31  }
0x63: {  	s7 =	sand.u32 @!p1 $0x7C00, s2  }
0x64: {  	p2 =	sgt.u32 @!p1 s24, $0x7A;
	s2 =	sand.u32 @!p1 $0x380, s2;
	s7 =	sadd.s32 @!p1 s8, s7  }
0x65: {  	p2 =	por p2, p1;
	s2 =	sor.u32 @!p1 s2, s7  }
0x66: {  	s0 =	sadd.s32 @!p1 $0xA, s0;
	s11 =	smul.u32 @!p2 $0xAB, s30;
	s2 =	sshrl.u32 @!p1 s2, $0x3  }
0x67: {  	s7 =	sadd.s32 @!p1 $0x200, s9;
	s9 =	simm.s32 @!p1 $0x0;
	s2 =	sadd.s32 @!p1 s6, s2  }
0x68: {  	[tilespmem:s7], [sflag:s0] =	stream.linear.gather @!p1 [hbm4b:s2+s9], $0x80, $0x38;
	[tilespmem:$0x1B480] =	vst v63  }
0x69: {  	s0 =	sshrl.u32 @!p2 s11, $0x9  }
0x6a: {  	s2 =	sand.u32 @!p2 $0x7C00, s31;
	s0 =	sand.u32 @!p2 $0x7F, s0  }
0x6b: {  	s7 =	sand.u32 @!p2 $0x380, s31;
	s2 =	sadd.s32 @!p2 s8, s2;
	s0 =	smul.u32 @!p2 $0x3, s0  }
0x6c: {  	s2 =	sor.u32 @!p2 s7, s2  }
0x6d: {  	s2 =	sshrl.u32 @!p2 s2, $0x3;
	s0 =	ssub.s32 @!p2 s30, s0  }
0x6e: {  	s9 =	simm.s32 @!p2 $0x0;
	s2 =	sadd.s32 @!p2 s5, s2;
	s0 =	sand.u32 @!p2 $0xFF, s0  }
0x6f: {  	s30 =	sadd.s32 @!p1 $0x1, s30;
	s7 =	sshll.u32 @!p2 s0, $0x7;
	s0 =	sadd.s32 @!p2 $0x7, s0  }
0x70: {  	[tilespmem:s7], [sflag:s0] =	stream.linear.gather @!p2 [hbm4b:s2+s9], $0x80, $0x38;
	[tilespmem:$0x1B480] =	vst v63  }
0x71: {  	p2 =	sne.s32 @!p1 s30, $0x7F  }
0x72: {  	p2 =	por p1, !p2  }
.Ltmp2:
0x73: {  	_ = 	snop;
	(pc) =	sbr.rel @!p2 .LBB2_5-.Ltmp2, $2  }
0x74: {  	_ =	sdelay $0x2  }
0x75: {  	s31 =	sadd.s32 @!p1 $0x80, s31  }
0x76: {  	_ =	swait.ge [sflag:s26], $0x2800  }
0x77: {  	[sflag:s26] =	ssyncset.done $0x0  }
0x78: {  	[sflag:s26] =	ssyncadd.s32 $0xFFFFD800  }
0x79: {  	_ =	swait.ge [sflag:s28], $0x2800  }
0x7a: {  	s29 =	sadd.s32 $0x1, s29;
	[sflag:s28] =	ssyncset.done $0x0  }
0x7b: {  	p1 =	sne.s32 s29, s16;
	[sflag:s28] =	ssyncadd.s32 $0xFFFFD800  }
.Ltmp3:
0x7c: {  	s0 =	simm.s32 @!p0 $0xF;
	[bflag:$0x0] =	sbarrier.arrive $0xFFFF;
	(pc) =	sbr.rel @p1 .LBB2_1-.Ltmp3, $4  }
0x7d: {  	[hbm:s15], [sflag:s17] =	dma.local @!p0 [spmem:s18], $0x3E80  }
0x7e: {  	_ =	swait.ge @!p0 [sflag:s0], $0x3E80  }
0x7f: {  	[sflag:s0] =	ssyncset.done @!p0 $0x0  }
0x80: {  	[sflag:s0] =	ssyncadd.s32 @!p0 $0xFFFFC180  }
0x81: {  	_ =	sfence.sel $0x180000  }
0x82: {  	[bflag:$0x0] =	sbarrier.arrive $0xFFFF  }
0x83: {  	_ =	strace $0x90000047  }
0x84: {  	s0 =	stileid.u32;
	[bflag:$0x2] =	sbarrier.arrive $0xFFFF  }
0x85: {  	p0 =	sne.s32 s0, $0x0;
	s0 =	rddreg [dreg:$0x4]  }
0x86: {  	s0 =	sadd.s32 @!p0 $0x100000, s0  }
0x87: {  	[sflag:s0] =	ssyncadd.tile.s32 @!p0 $0x1;
	_ =	shalt  }
.Lfunc_end2:
_tile_overlayer_lowered:
.L_overlay_start_2:
0x88: {  	(tag) =	ssettag $0x2  }
0x89: {  	s0 =	rddreg [dreg:$0x0];
	s2 =	stileid.u32  }
0x8a: {  	s1 =	rddreg [dreg:$0x1];
	p0 =	sne.s32 s2, $0x0  }
0x8b: {  	s3 =	rddreg [dreg:$0x2];
	[bflag:$0x3] =	sbarrier.arrive $0xFFFF;
	s2 =	simm.s32 @!p0 $0x1C0F  }
0x8c: {  	[timem:s3], [sflag:s2] =	dma.local @!p0 [hbm:s0], s1  }
0x8d: {  	s0 =	simm.s32 @!p0 $0xF  }
0x8e: {  	_ =	swait.ge @!p0 [sflag:s0], s1  }
0x8f: {  	s1 =	ssub.s32 @!p0 $0x0, s1;
	[sflag:s0] =	ssyncset.done @!p0 $0x0  }
0x90: {  	[sflag:s0] =	ssyncadd.s32 @!p0 s1  }
0x91: {  	[bflag:$0x3] =	sbarrier.arrive $0xFFFF  }
0x92: {  	_ =	shalt  }

</sc_bundles>
